<compile_context>
chip_gen: v7x
topology: tpu7x:2x2x1
jax: 0.10.2.dev20260603
libtpu: 0.0.44.dev20260713+nightly
codegen_flags: <defaults>
</compile_context>

<pallas_src>
import dataclasses
import functools

import jax
import jax.numpy as jnp
from jax import lax
from jax.experimental import pallas as pl
from jax.experimental.pallas import tpu as pltpu
from jax.experimental.pallas import tpu_sc as plsc

_N = 100000
_M = 25000
_B = 8
_C = 128
_EPS = 1e-5

_NW = 32
_CW = 784
_MPAD = _NW * _CW
_G = 128
_KC = 56
_RING = 2 * _KC
_PTRV = 808
_PTR_PAD = 31 * _CW + _PTRV
_NPAD = 100096
_NEG = -3.4028235e38


def _mm_stats_body(feat_ref, w_ref, coord_ref, h_ref, stats_ref, coordp_ref):
    i = pl.program_id(0)
    f = feat_ref[...]
    h = lax.dot_general(f, w_ref[...], (((1,), (1,)), ((), ())),
                        preferred_element_type=jnp.float32,
                        precision=lax.Precision.DEFAULT)
    h_ref[...] = h
    tr = coord_ref.shape[0]
    coordp_ref[...] = jnp.concatenate(
        [coord_ref[...], jnp.zeros((tr, 13), jnp.float32)], axis=1)

    @pl.when(i == 0)
    def _():
        stats_ref[...] = jnp.zeros_like(stats_ref)

    s1 = jnp.sum(h, axis=0, keepdims=True)
    s2 = jnp.sum(h * h, axis=0, keepdims=True)
    upd = jnp.concatenate([s1, s2, jnp.zeros((6, _C), jnp.float32)], axis=0)
    stats_ref[...] += upd


def _mm_stats(feat, w, coord):
    tr = 2000
    grid = (_N // tr,)
    return pl.pallas_call(
        _mm_stats_body,
        grid=grid,
        in_specs=[
            pl.BlockSpec((tr, _C), lambda i: (i, 0)),
            pl.BlockSpec((_C, _C), lambda i: (0, 0)),
            pl.BlockSpec((tr, 3), lambda i: (i, 0)),
        ],
        out_specs=[
            pl.BlockSpec((tr, _C), lambda i: (i, 0)),
            pl.BlockSpec((8, _C), lambda i: (0, 0)),
            pl.BlockSpec((tr, 16), lambda i: (i, 0)),
        ],
        out_shape=[
            jax.ShapeDtypeStruct((_N, _C), jnp.float32),
            jax.ShapeDtypeStruct((8, _C), jnp.float32),
            jax.ShapeDtypeStruct((_N, 16), jnp.float32),
        ],
    )(feat, w, coord)


def _sc_body(h_hbm, coord_hbm, idx_hbm, ptr_hbm, outf_hbm, outc_hbm,
             idxv, rows, crows, ptrv, ptrsh, fstage, cstage,
             semh0, semh1, semc0, semc1):
    sid = lax.axis_index("s")
    wid = sid * 2 + lax.axis_index("c")
    c_base = wid * _CW
    pltpu.sync_copy(ptr_hbm.at[pl.ds(c_base, _PTRV)], ptrsh.at[sid])
    pltpu.sync_copy(ptrsh.at[sid], ptrv)

    p_w0 = ptrv[0]
    p_w1 = ptrv[_CW]
    k0 = lax.shift_right_logical(p_w0, 7)
    k1 = lax.shift_right_logical(p_w1 + _G - 1, 7)
    n_chunks = k1 - k0
    sems = ((semh0, semc0), (semh1, semc1))

    def start(b, j):
        base = (k0 + j) * _G
        pltpu.sync_copy(idx_hbm.at[pl.ds(base, _G)], idxv.at[b])
        pltpu.async_copy(h_hbm.at[idxv.at[b]], rows.at[b], sems[b][0])
        pltpu.async_copy(coord_hbm.at[idxv.at[b]], crows.at[b], sems[b][1])

    def wait(b):
        pltpu.make_async_copy(h_hbm.at[pl.ds(0, _G)], rows.at[b],
                              sems[b][0]).wait()
        pltpu.make_async_copy(coord_hbm.at[pl.ds(0, _G)], crows.at[b],
                              sems[b][1]).wait()

    def process(b, j, st):
        base = (k0 + j) * _G
        r_lo = jnp.maximum(p_w0 - base, 0)
        r_hi = jnp.maximum(r_lo, jnp.minimum(p_w1 - base, _G))

        def pbody(r, pst):
            cur_c, lc, kq, dstc, next_end = pst[:5]
            cacc = pst[5]
            acc = pst[6:]
            nacc = tuple(
                jnp.maximum(acc[q], rows[b, r, pl.ds(16 * q, 16)])
                for q in range(8))
            ncacc = cacc + crows[b, r, :]
            p = base + r
            is_end = (p + 1) == next_end

            def fin(_):
                for q in range(8):
                    fstage[lc, pl.ds(16 * q, 16)] = nacc[q]
                cstage[lc, :] = ncacc
                nxt = cur_c + 1
                nkq = kq + 1
                do_flush = nkq == _KC

                @pl.when(do_flush)
                def _():
                    row0 = lc + 1 - _KC
                    pltpu.sync_copy(fstage.at[pl.ds(row0, _KC)],
                                    outf_hbm.at[pl.ds(dstc, _KC)])
                    pltpu.sync_copy(cstage.at[pl.ds(row0, _KC)],
                                    outc_hbm.at[pl.ds(dstc, _KC)])

                nlc = jnp.where(lc + 1 == _RING, 0, lc + 1)
                nkq2 = jnp.where(do_flush, 0, nkq)
                ndstc = jnp.where(do_flush, dstc + _KC, dstc)
                ne = ptrv[nxt + 1]
                neg = jnp.full((16,), _NEG, jnp.float32)
                zero = jnp.zeros((16,), jnp.float32)
                return (nxt, nlc, nkq2, ndstc, ne, zero) + tuple(
                    neg for _ in range(8))

            def cont(_):
                return (cur_c, lc, kq, dstc, next_end, ncacc) + nacc

            return lax.cond(is_end, fin, cont, 0)

        return lax.fori_loop(r_lo, r_hi, pbody, st)

    neg = jnp.full((16,), _NEG, jnp.float32)
    init = (jnp.int32(0), jnp.int32(0), jnp.int32(0), c_base, ptrv[1],
            jnp.zeros((16,), jnp.float32)) + tuple(neg for _ in range(8))

    start(0, 0)

    def pair_body(jj, st):
        j0 = 2 * jj
        j1 = j0 + 1

        @pl.when(j1 < n_chunks)
        def _():
            start(1, j1)

        wait(0)
        st = process(0, j0, st)

        @pl.when(j0 + 2 < n_chunks)
        def _():
            start(0, j0 + 2)

        @pl.when(j1 < n_chunks)
        def _():
            wait(1)

        st = process(1, j1, st)
        return st

    st = lax.fori_loop(0, (n_chunks + 1) // 2, pair_body, init)

    lc, kq, dstc = st[1], st[2], st[3]

    @pl.when(kq != 0)
    def _():
        row0 = lc - kq
        pltpu.sync_copy(fstage.at[pl.ds(row0, _KC)],
                        outf_hbm.at[pl.ds(dstc, _KC)])
        pltpu.sync_copy(cstage.at[pl.ds(row0, _KC)],
                        outc_hbm.at[pl.ds(dstc, _KC)])


def _sc_segpool(h, coordp, idxp, ptrp):
    mesh = plsc.VectorSubcoreMesh(core_axis_name="c", subcore_axis_name="s")
    cp = pltpu.CompilerParams()
    if "needs_layout_passes" in pltpu.CompilerParams.__dataclass_fields__:
        cp = dataclasses.replace(cp, needs_layout_passes=False)
    if "use_tc_tiling_on_sc" in pltpu.CompilerParams.__dataclass_fields__:
        cp = dataclasses.replace(cp, use_tc_tiling_on_sc=False)
    fn = pl.kernel(
        _sc_body,
        out_type=[
            jax.ShapeDtypeStruct((_MPAD, _C), jnp.float32),
            jax.ShapeDtypeStruct((_MPAD, 16), jnp.float32),
        ],
        mesh=mesh,
        scratch_types=[
            pltpu.VMEM((2, _G), jnp.int32),
            pltpu.VMEM((2, _G, _C), jnp.float32),
            pltpu.VMEM((2, _G, 16), jnp.float32),
            pltpu.SMEM((_PTRV,), jnp.int32),
            pltpu.VMEM_SHARED((16, _PTRV), jnp.int32),
            pltpu.VMEM((_RING, _C), jnp.float32),
            pltpu.VMEM((_RING, 16), jnp.float32),
            pltpu.SemaphoreType.DMA,
            pltpu.SemaphoreType.DMA,
            pltpu.SemaphoreType.DMA,
            pltpu.SemaphoreType.DMA,
        ],
        compiler_params=cp,
    )
    return fn(h, coordp, idxp, ptrp)


def _epilogue_body(seg_ref, csum_ref, lo_ref, hi_ref, par_ref, stats_ref,
                   feat_ref, coord_ref):
    s = stats_ref[...]
    mu = s[0, :] / _N
    var = s[1, :] / _N - mu * mu
    scale = par_ref[0, :] * lax.rsqrt(var + _EPS)
    bias = par_ref[1, :] - mu * scale
    feat_ref[...] = jnp.maximum(seg_ref[...] * scale[None, :] + bias[None, :],
                                0.0)
    cnt = (hi_ref[...] - lo_ref[...]).astype(jnp.float32)
    coord_ref[...] = csum_ref[...][:, :3] / cnt


def _epilogue(segmax, csum, ptr_lo, ptr_hi, params, stats):
    tr = 1000
    grid = (_M // tr,)
    return pl.pallas_call(
        _epilogue_body,
        grid=grid,
        in_specs=[
            pl.BlockSpec((tr, _C), lambda i: (i, 0)),
            pl.BlockSpec((tr, 16), lambda i: (i, 0)),
            pl.BlockSpec((tr, 1), lambda i: (i, 0)),
            pl.BlockSpec((tr, 1), lambda i: (i, 0)),
            pl.BlockSpec((8, _C), lambda i: (0, 0)),
            pl.BlockSpec((8, _C), lambda i: (0, 0)),
        ],
        out_specs=[
            pl.BlockSpec((tr, _C), lambda i: (i, 0)),
            pl.BlockSpec((tr, 3), lambda i: (i, 0)),
        ],
        out_shape=[
            jax.ShapeDtypeStruct((_M, _C), jnp.float32),
            jax.ShapeDtypeStruct((_M, 3), jnp.float32),
        ],
    )(segmax, csum, ptr_lo, ptr_hi, params, stats)


def kernel(coord, feat, offset, sorted_cluster_indices, idx_ptr, W, gamma,
           beta):
    h, stats, coordp = _mm_stats(feat, W, coord)

    idxp = jnp.pad(sorted_cluster_indices, (0, _NPAD - _N))
    ptrp = jnp.pad(idx_ptr, (0, _PTR_PAD - (_M + 1)), constant_values=_N)

    segmax, csum = _sc_segpool(h, coordp, idxp, ptrp)

    params = jnp.zeros((8, _C), jnp.float32).at[0].set(gamma).at[1].set(beta)
    ptr_lo = idx_ptr[:-1].reshape(_M, 1)
    ptr_hi = idx_ptr[1:].reshape(_M, 1)
    feat_out, coord_out = _epilogue(segmax, csum, ptr_lo, ptr_hi, params,
                                    stats)

    new_batch = jnp.searchsorted(offset, idx_ptr[:-1],
                                 side="right").astype(jnp.int32)
    new_offset = jnp.searchsorted(new_batch, jnp.arange(_B, dtype=jnp.int32),
                                  side="right").astype(jnp.int32)
    return coord_out, feat_out, new_offset

# --- scband reference (transcript-rebuilt; emitter-appended) ---
"""Pipeline reference for scband-grid-pool-53687091200702 (READ-ONLY COPY).

The authoritative reference and input builder live on the scoring server;
editing this copy changes nothing except your own understanding.
"""

import jax, jax.numpy as jnp
import numpy as np

N = 100000
M = 25000
B = 8
C_IN = 128
C_OUT = 128
EPS = 1e-5


def setup_inputs(seed: int = 0) -> dict:
    key = jax.random.key(seed)
    k1, k2, k3 = jax.random.split(key, 3)
    coord = jax.random.normal(k1, (N, 3), dtype=jnp.float32) * 10.0
    feat = jax.random.normal(k2, (N, C_IN), dtype=jnp.float32)
    # offsets: cumulative point counts per batch element (equal split)
    offset = (jnp.arange(1, B + 1, dtype=jnp.int32) * (N // B))
    # cluster assignment as CSR: strictly increasing idx_ptr (every cluster non-empty)
    rng = np.random.default_rng(0)
    counts = 1 + rng.multinomial(N - M, np.ones(M) / M)
    idx_ptr = jnp.asarray(np.concatenate([[0], np.cumsum(counts)]), dtype=jnp.int32)
    sorted_cluster_indices = jnp.asarray(rng.permutation(N), dtype=jnp.int32)
    # learned params: Linear(C_IN -> C_OUT, bias=False) + BatchNorm1d affine
    W = jax.random.normal(k3, (C_OUT, C_IN), dtype=jnp.float32) / np.sqrt(C_IN)
    gamma = jnp.ones((C_OUT,), dtype=jnp.float32)
    beta = jnp.zeros((C_OUT,), dtype=jnp.float32)
    return {"coord": coord, "feat": feat, "offset": offset,
            "sorted_cluster_indices": sorted_cluster_indices, "idx_ptr": idx_ptr,
            "W": W, "gamma": gamma, "beta": beta}


def reference(coord, feat, offset, sorted_cluster_indices, idx_ptr, W, gamma, beta):
    # offset2batch
    counts_b = jnp.diff(jnp.concatenate([jnp.zeros((1,), offset.dtype), offset]))
    batch = jnp.repeat(jnp.arange(offset.shape[0], dtype=jnp.int32), counts_b,
                       total_repeat_length=N)
    # feat = act(norm(fc(feat)))  -- BatchNorm1d in training mode (batch stats)
    h = feat @ W.T
    mu = jnp.mean(h, axis=0)
    var = jnp.mean((h - mu) ** 2, axis=0)
    h = (h - mu) / jnp.sqrt(var + EPS) * gamma + beta
    h = jax.nn.relu(h)
    # segment_csr: CSR ptr -> per-row segment ids
    seg = jnp.searchsorted(idx_ptr, jnp.arange(N, dtype=idx_ptr.dtype), side="right") - 1
    cg = coord[sorted_cluster_indices]
    fg = h[sorted_cluster_indices]
    cnt = (idx_ptr[1:] - idx_ptr[:-1]).astype(coord.dtype)
    coord_out = jax.ops.segment_sum(cg, seg, num_segments=M) / jnp.maximum(cnt, 1.0)[:, None]
    feat_out = jax.ops.segment_max(fg, seg, num_segments=M)
    # new batch / offset for pooled points
    new_batch = batch[idx_ptr[:-1]]
    new_offset = jnp.cumsum(jnp.bincount(new_batch, length=B)).astype(jnp.int32)
    return coord_out, feat_out, new_offset

if __name__ == "__main__":
    import jax
    _d = setup_inputs()
    print(jax.jit(kernel)(*tuple(_d.values())))

</pallas_src>

<mosaic_0001>
#map = affine_map<(d0, d1) -> (0, 0)>
#map1 = affine_map<(d0, d1) -> (0)>
module attributes {stable_mosaic.version = 14 : i64} {
  func.func @_sc_body(%arg0: i32, %arg1: i32, %arg2: memref<100000x128xf32, #tpu.memory_space<hbm>>, %arg3: memref<100000x16xf32, #tpu.memory_space<hbm>>, %arg4: memref<100096xi32, #tpu.memory_space<hbm>>, %arg5: memref<25112xi32, #tpu.memory_space<hbm>>, %arg6: memref<25088x128xf32, #tpu.memory_space<hbm>>, %arg7: memref<25088x16xf32, #tpu.memory_space<hbm>>, %arg8: memref<2x128xi32, #tpu.memory_space<vmem>>, %arg9: memref<2x128x128xf32, #tpu.memory_space<vmem>>, %arg10: memref<2x128x16xf32, #tpu.memory_space<vmem>>, %arg11: memref<808xi32, #tpu.memory_space<smem>>, %arg12: memref<16x808xi32, #tpu.memory_space<vmem_shared>>, %arg13: memref<112x128xf32, #tpu.memory_space<vmem>>, %arg14: memref<112x16xf32, #tpu.memory_space<vmem>>, %arg15: memref<!tpu.dma_semaphore, #tpu.memory_space<semaphore_mem>>, %arg16: memref<!tpu.dma_semaphore, #tpu.memory_space<semaphore_mem>>, %arg17: memref<!tpu.dma_semaphore, #tpu.memory_space<semaphore_mem>>, %arg18: memref<!tpu.dma_semaphore, #tpu.memory_space<semaphore_mem>>) attributes {dimension_semantics = [#tpu.dimension_semantics<core_parallel>, #tpu.dimension_semantics<subcore_parallel>], iteration_bounds = array<i64: 2, 16>, scalar_prefetch = 0 : i64, scratch_operands = 11 : i64, tpu.core_type = #tpu.core_type<sc_vector_subcore>, window_params = [{transform_indices = #map}, {transform_indices = #map}, {transform_indices = #map1}, {transform_indices = #map1}, {transform_indices = #map}, {transform_indices = #map}]} {
    %mul3A = arith.constant 2 : i32
    %mul3A_0 = arith.muli %arg1, %mul3A : i32
    %add3A = arith.addi %mul3A_0, %arg0 : i32
    %mul3A_1 = arith.constant 784 : i32
    %mul3A_2 = arith.muli %add3A, %mul3A_1 : i32
    "tpu.region"() ({
      %run_scoped3A_83 = tpu.sem_alloc : memref<!tpu.dma_semaphore, #tpu.memory_space<semaphore_mem>>
      %dma_start3A_84 = arith.constant 0 : i32
      %dma_start3A_85 = tpu.memref_slice %arg12[%arg1, %dma_start3A_84] : memref<16x808xi32, #tpu.memory_space<vmem_shared>> -> memref<1x808xi32, #tpu.memory_space<vmem_shared>>
      %dma_start3A_86 = tpu.memref_squeeze %dma_start3A_85 : memref<1x808xi32, #tpu.memory_space<vmem_shared>> -> memref<808xi32, #tpu.memory_space<vmem_shared>>
      %dma_start3A_87 = tpu.memref_slice %arg5[%mul3A_2] : memref<25112xi32, #tpu.memory_space<hbm>> -> memref<808xi32, #tpu.memory_space<hbm>>
      tpu.enqueue_dma source(%dma_start3A_87 : memref<808xi32, #tpu.memory_space<hbm>>) target(%dma_start3A_86 : memref<808xi32, #tpu.memory_space<vmem_shared>>) target_semaphore(%run_scoped3A_83 : memref<!tpu.dma_semaphore, #tpu.memory_space<semaphore_mem>>)
      %dma_wait3A = arith.constant 0 : i32
      %dma_wait3A_88 = tpu.memref_slice %arg12[%arg1, %dma_wait3A] : memref<16x808xi32, #tpu.memory_space<vmem_shared>> -> memref<1x808xi32, #tpu.memory_space<vmem_shared>>
      %dma_wait3A_89 = tpu.memref_squeeze %dma_wait3A_88 : memref<1x808xi32, #tpu.memory_space<vmem_shared>> -> memref<808xi32, #tpu.memory_space<vmem_shared>>
      %dma_wait3A_90 = tpu.memref_slice %arg5[%mul3A_2] : memref<25112xi32, #tpu.memory_space<hbm>> -> memref<808xi32, #tpu.memory_space<hbm>>
      tpu.wait_dma2 semaphore(%run_scoped3A_83 : memref<!tpu.dma_semaphore, #tpu.memory_space<semaphore_mem>>) src(%dma_wait3A_90 : memref<808xi32, #tpu.memory_space<hbm>>) dst(%dma_wait3A_89 : memref<808xi32, #tpu.memory_space<vmem_shared>>)
      tpu.yield
    }) : () -> ()
    "tpu.region"() ({
      %run_scoped3A_83 = tpu.sem_alloc : memref<!tpu.dma_semaphore, #tpu.memory_space<semaphore_mem>>
      %dma_start3A_84 = arith.constant 0 : i32
      %dma_start3A_85 = tpu.memref_slice %arg12[%arg1, %dma_start3A_84] : memref<16x808xi32, #tpu.memory_space<vmem_shared>> -> memref<1x808xi32, #tpu.memory_space<vmem_shared>>
      %dma_start3A_86 = tpu.memref_squeeze %dma_start3A_85 : memref<1x808xi32, #tpu.memory_space<vmem_shared>> -> memref<808xi32, #tpu.memory_space<vmem_shared>>
      tpu.enqueue_dma source(%dma_start3A_86 : memref<808xi32, #tpu.memory_space<vmem_shared>>) target(%arg11 : memref<808xi32, #tpu.memory_space<smem>>) target_semaphore(%run_scoped3A_83 : memref<!tpu.dma_semaphore, #tpu.memory_space<semaphore_mem>>)
      %dma_wait3A = arith.constant 0 : i32
      %dma_wait3A_87 = tpu.memref_slice %arg12[%arg1, %dma_wait3A] : memref<16x808xi32, #tpu.memory_space<vmem_shared>> -> memref<1x808xi32, #tpu.memory_space<vmem_shared>>
      %dma_wait3A_88 = tpu.memref_squeeze %dma_wait3A_87 : memref<1x808xi32, #tpu.memory_space<vmem_shared>> -> memref<808xi32, #tpu.memory_space<vmem_shared>>
      tpu.wait_dma2 semaphore(%run_scoped3A_83 : memref<!tpu.dma_semaphore, #tpu.memory_space<semaphore_mem>>) src(%dma_wait3A_88 : memref<808xi32, #tpu.memory_space<vmem_shared>>) dst(%arg11 : memref<808xi32, #tpu.memory_space<smem>>)
      tpu.yield
    }) : () -> ()
    %get3A = arith.constant 0 : i32
    %get3A_3 = arith.index_cast %get3A : i32 to index
    %get3A_4 = memref.load %arg11[%get3A_3] : memref<808xi32, #tpu.memory_space<smem>>
    %get3A_5 = arith.constant 784 : i32
    %get3A_6 = arith.index_cast %get3A_5 : i32 to index
    %get3A_7 = memref.load %arg11[%get3A_6] : memref<808xi32, #tpu.memory_space<smem>>
    %shift_right_logical3A = arith.constant 7 : i32
    %shift_right_logical3A_8 = arith.shrui %get3A_4, %shift_right_logical3A : i32
    %add3A_9 = arith.constant 128 : i32
    %add3A_10 = arith.addi %get3A_7, %add3A_9 : i32
    %sub3A = arith.constant 1 : i32
    %sub3A_11 = arith.subi %add3A_10, %sub3A : i32
    %shift_right_logical3A_12 = arith.constant 7 : i32
    %shift_right_logical3A_13 = arith.shrui %sub3A_11, %shift_right_logical3A_12 : i32
    %sub3A_14 = arith.subi %shift_right_logical3A_13, %shift_right_logical3A_8 : i32
    %broadcast_in_dim3A = arith.constant -3.40282347E+38 : f32
    %broadcast_in_dim3A_15 = vector.broadcast %broadcast_in_dim3A : f32 to vector<16xf32>
    %get3A_16 = arith.constant 1 : i32
    %get3A_17 = arith.index_cast %get3A_16 : i32 to index
    %get3A_18 = memref.load %arg11[%get3A_17] : memref<808xi32, #tpu.memory_space<smem>>
    %broadcast_in_dim3A_19 = arith.constant 0.000000e+00 : f32
    %broadcast_in_dim3A_20 = vector.broadcast %broadcast_in_dim3A_19 : f32 to vector<16xf32>
    %add3A_21 = arith.constant 0 : i32
    %add3A_22 = arith.addi %shift_right_logical3A_8, %add3A_21 : i32
    %mul3A_23 = arith.constant 128 : i32
    %mul3A_24 = arith.muli %add3A_22, %mul3A_23 : i32
    %run_scoped3A = arith.constant 0 : i32
    "tpu.region"() ({
      %run_scoped3A_83 = tpu.sem_alloc : memref<!tpu.dma_semaphore, #tpu.memory_space<semaphore_mem>>
      %dma_start3A_84 = arith.constant 0 : i32
      %dma_start3A_85 = tpu.memref_slice %arg8[%run_scoped3A, %dma_start3A_84] : memref<2x128xi32, #tpu.memory_space<vmem>> -> memref<1x128xi32, #tpu.memory_space<vmem>>
      %dma_start3A_86 = tpu.memref_squeeze %dma_start3A_85 : memref<1x128xi32, #tpu.memory_space<vmem>> -> memref<128xi32, #tpu.memory_space<vmem>>
      %dma_start3A_87 = tpu.memref_slice %arg4[%mul3A_24] : memref<100096xi32, #tpu.memory_space<hbm>> -> memref<128xi32, #tpu.memory_space<hbm>>
      %dma_start3A_88 = arith.constant 0 : i32
      %dma_start3A_89 = tpu.memref_slice %arg8[%run_scoped3A, %dma_start3A_88] : memref<2x128xi32, #tpu.memory_space<vmem>> -> memref<1x128xi32, #tpu.memory_space<vmem>>
      %dma_start3A_90 = tpu.memref_squeeze %dma_start3A_89 : memref<1x128xi32, #tpu.memory_space<vmem>> -> memref<128xi32, #tpu.memory_space<vmem>>
      %dma_start3A_91 = tpu.memref_slice %arg4[%mul3A_24] : memref<100096xi32, #tpu.memory_space<hbm>> -> memref<128xi32, #tpu.memory_space<hbm>>
      tpu.enqueue_dma source(%dma_start3A_91 : memref<128xi32, #tpu.memory_space<hbm>>) target(%dma_start3A_90 : memref<128xi32, #tpu.memory_space<vmem>>) target_semaphore(%run_scoped3A_83 : memref<!tpu.dma_semaphore, #tpu.memory_space<semaphore_mem>>)
      %dma_wait3A = arith.constant 0 : i32
      %dma_wait3A_92 = tpu.memref_slice %arg8[%run_scoped3A, %dma_wait3A] : memref<2x128xi32, #tpu.memory_space<vmem>> -> memref<1x128xi32, #tpu.memory_space<vmem>>
      %dma_wait3A_93 = tpu.memref_squeeze %dma_wait3A_92 : memref<1x128xi32, #tpu.memory_space<vmem>> -> memref<128xi32, #tpu.memory_space<vmem>>
      %dma_wait3A_94 = tpu.memref_slice %arg4[%mul3A_24] : memref<100096xi32, #tpu.memory_space<hbm>> -> memref<128xi32, #tpu.memory_space<hbm>>
      %dma_wait3A_95 = arith.constant 0 : i32
      %dma_wait3A_96 = tpu.memref_slice %arg8[%run_scoped3A, %dma_wait3A_95] : memref<2x128xi32, #tpu.memory_space<vmem>> -> memref<1x128xi32, #tpu.memory_space<vmem>>
      %dma_wait3A_97 = tpu.memref_squeeze %dma_wait3A_96 : memref<1x128xi32, #tpu.memory_space<vmem>> -> memref<128xi32, #tpu.memory_space<vmem>>
      %dma_wait3A_98 = tpu.memref_slice %arg4[%mul3A_24] : memref<100096xi32, #tpu.memory_space<hbm>> -> memref<128xi32, #tpu.memory_space<hbm>>
      tpu.wait_dma2 semaphore(%run_scoped3A_83 : memref<!tpu.dma_semaphore, #tpu.memory_space<semaphore_mem>>) src(%dma_wait3A_98 : memref<128xi32, #tpu.memory_space<hbm>>) dst(%dma_wait3A_97 : memref<128xi32, #tpu.memory_space<vmem>>)
      tpu.yield
    }) : () -> ()
    %dma_start3A = arith.constant 0 : i32
    %dma_start3A_25 = arith.constant 0 : i32
    %dma_start3A_26 = arith.constant 0 : i32
    %dma_start3A_27 = arith.constant 0 : i32
    %dma_start3A_28 = tpu.memref_slice %arg9[%dma_start3A_25, %dma_start3A_26, %dma_start3A_27] : memref<2x128x128xf32, #tpu.memory_space<vmem>> -> memref<1x128x128xf32, #tpu.memory_space<vmem>>
    %dma_start3A_29 = tpu.memref_squeeze %dma_start3A_28 : memref<1x128x128xf32, #tpu.memory_space<vmem>> -> memref<128x128xf32, #tpu.memory_space<vmem>>
    %dma_start3A_30 = arith.constant 0 : i32
    %dma_start3A_31 = tpu.memref_slice %arg8[%dma_start3A, %dma_start3A_30] : memref<2x128xi32, #tpu.memory_space<vmem>> -> memref<1x128xi32, #tpu.memory_space<vmem>>
    %dma_start3A_32 = tpu.memref_squeeze %dma_start3A_31 : memref<1x128xi32, #tpu.memory_space<vmem>> -> memref<128xi32, #tpu.memory_space<vmem>>
    %dma_start3A_33 = arith.constant 0 : i32
    %dma_start3A_34 = arith.constant 0 : i32
    %dma_start3A_35 = tpu.memref_slice %arg2[%dma_start3A_33, %dma_start3A_34] : memref<100000x128xf32, #tpu.memory_space<hbm>> -> memref<100000x128xf32, #tpu.memory_space<hbm>>
    tpu.enqueue_indirect_dma source(%dma_start3A_35 : memref<100000x128xf32, #tpu.memory_space<hbm>>) target(%dma_start3A_29 : memref<128x128xf32, #tpu.memory_space<vmem>>) offsets(%dma_start3A_32 : memref<128xi32, #tpu.memory_space<vmem>>) semaphore(%arg15 : memref<!tpu.dma_semaphore, #tpu.memory_space<semaphore_mem>>)
    %dma_start3A_36 = arith.constant 0 : i32
    %dma_start3A_37 = arith.constant 0 : i32
    %dma_start3A_38 = arith.constant 0 : i32
    %dma_start3A_39 = arith.constant 0 : i32
    %dma_start3A_40 = tpu.memref_slice %arg10[%dma_start3A_37, %dma_start3A_38, %dma_start3A_39] : memref<2x128x16xf32, #tpu.memory_space<vmem>> -> memref<1x128x16xf32, #tpu.memory_space<vmem>>
    %dma_start3A_41 = tpu.memref_squeeze %dma_start3A_40 : memref<1x128x16xf32, #tpu.memory_space<vmem>> -> memref<128x16xf32, #tpu.memory_space<vmem>>
    %dma_start3A_42 = arith.constant 0 : i32
    %dma_start3A_43 = tpu.memref_slice %arg8[%dma_start3A_36, %dma_start3A_42] : memref<2x128xi32, #tpu.memory_space<vmem>> -> memref<1x128xi32, #tpu.memory_space<vmem>>
    %dma_start3A_44 = tpu.memref_squeeze %dma_start3A_43 : memref<1x128xi32, #tpu.memory_space<vmem>> -> memref<128xi32, #tpu.memory_space<vmem>>
    %dma_start3A_45 = arith.constant 0 : i32
    %dma_start3A_46 = arith.constant 0 : i32
    %dma_start3A_47 = tpu.memref_slice %arg3[%dma_start3A_45, %dma_start3A_46] : memref<100000x16xf32, #tpu.memory_space<hbm>> -> memref<100000x16xf32, #tpu.memory_space<hbm>>
    tpu.enqueue_indirect_dma source(%dma_start3A_47 : memref<100000x16xf32, #tpu.memory_space<hbm>>) target(%dma_start3A_41 : memref<128x16xf32, #tpu.memory_space<vmem>>) offsets(%dma_start3A_44 : memref<128xi32, #tpu.memory_space<vmem>>) semaphore(%arg17 : memref<!tpu.dma_semaphore, #tpu.memory_space<semaphore_mem>>)
    %add3A_48 = arith.constant 1 : i32
    %add3A_49 = arith.addi %sub3A_14, %add3A_48 : i32
    %jit3A = arith.constant 2 : i32
    %div3A = arith.divsi %add3A_49, %jit3A : i32
    %sign3A = arith.constant 0 : i32
    %sign3A_50 = arith.cmpi sgt, %add3A_49, %sign3A : i32
    %sign3A_51 = arith.extui %sign3A_50 : i1 to i32
    %sign3A_52 = arith.constant 0 : i32
    %sign3A_53 = arith.cmpi slt, %add3A_49, %sign3A_52 : i32
    %sign3A_54 = arith.extui %sign3A_53 : i1 to i32
    %sign3A_55 = arith.subi %sign3A_51, %sign3A_54 : i32
    %sign3A_56 = arith.constant 0 : i32
    %sign3A_57 = arith.cmpi sgt, %jit3A, %sign3A_56 : i32
    %sign3A_58 = arith.extui %sign3A_57 : i1 to i32
    %sign3A_59 = arith.constant 0 : i32
    %sign3A_60 = arith.cmpi slt, %jit3A, %sign3A_59 : i32
    %sign3A_61 = arith.extui %sign3A_60 : i1 to i32
    %sign3A_62 = arith.subi %sign3A_58, %sign3A_61 : i32
    %ne3A = arith.cmpi ne, %sign3A_55, %sign3A_62 : i32
    %rem3A = arith.remsi %add3A_49, %jit3A : i32
    %ne3A_63 = arith.constant 0 : i32
    %ne3A_64 = arith.cmpi ne, %rem3A, %ne3A_63 : i32
    %and3A = arith.andi %ne3A, %ne3A_64 : i1
    %sub3A_65 = arith.constant 1 : i32
    %sub3A_66 = arith.subi %div3A, %sub3A_65 : i32
    %select_n3A = arith.select %and3A, %sub3A_66, %div3A : i32
    %while3A = arith.constant 0 : i32
    %while3A_67 = arith.constant 0 : i32
    %while3A_68 = arith.constant 0 : i32
    %while3A_69 = arith.constant 0 : i32
    %while3A_70 = arith.subi %select_n3A, %while3A : i32
    %while3A_71 = arith.addi %while3A, %while3A_70 : i32
    %while3A_72 = arith.constant 1 : i32
    %while3A_73 = arith.divsi %while3A_70, %while3A_72 : i32
    %while3A_74 = arith.muli %while3A_73, %while3A_72 : i32
    %while3A_75 = arith.addi %while3A, %while3A_74 : i32
    %while3A_76 = arith.constant 1 : i32
    %while3A_77:14 = scf.for %while3A_83 = %while3A to %while3A_75 step %while3A_76 iter_args(%while3A_84 = %while3A_67, %while3A_85 = %while3A_68, %while3A_86 = %while3A_69, %while3A_87 = %mul3A_2, %while3A_88 = %get3A_18, %while3A_89 = %broadcast_in_dim3A_20, %while3A_90 = %broadcast_in_dim3A_15, %while3A_91 = %broadcast_in_dim3A_15, %while3A_92 = %broadcast_in_dim3A_15, %while3A_93 = %broadcast_in_dim3A_15, %while3A_94 = %broadcast_in_dim3A_15, %while3A_95 = %broadcast_in_dim3A_15, %while3A_96 = %broadcast_in_dim3A_15, %while3A_97 = %broadcast_in_dim3A_15) -> (i32, i32, i32, i32, i32, vector<16xf32>, vector<16xf32>, vector<16xf32>, vector<16xf32>, vector<16xf32>, vector<16xf32>, vector<16xf32>, vector<16xf32>, vector<16xf32>)  : i32 {
      %mul3A_98 = arith.constant 2 : i32
      %mul3A_99 = arith.muli %mul3A_98, %while3A_83 : i32
      %add3A_100 = arith.constant 1 : i32
      %add3A_101 = arith.addi %mul3A_99, %add3A_100 : i32
      %lt3A = arith.cmpi slt, %add3A_101, %sub3A_14 : i32
      %convert_element_type3A_102 = arith.extui %lt3A : i1 to i32
      %cond3A_103 = arith.constant 0 : i32
      %cond3A_104 = arith.cmpi ne, %convert_element_type3A_102, %cond3A_103 : i32
      scf.if %cond3A_104 {
        %add3A_182 = arith.addi %shift_right_logical3A_8, %add3A_101 : i32
        %mul3A_183 = arith.constant 128 : i32
        %mul3A_184 = arith.muli %add3A_182, %mul3A_183 : i32
        %run_scoped3A_185 = arith.constant 1 : i32
        "tpu.region"() ({
          %run_scoped3A_210 = tpu.sem_alloc : memref<!tpu.dma_semaphore, #tpu.memory_space<semaphore_mem>>
          %dma_start3A_211 = arith.constant 0 : i32
          %dma_start3A_212 = tpu.memref_slice %arg8[%run_scoped3A_185, %dma_start3A_211] : memref<2x128xi32, #tpu.memory_space<vmem>> -> memref<1x128xi32, #tpu.memory_space<vmem>>
          %dma_start3A_213 = tpu.memref_squeeze %dma_start3A_212 : memref<1x128xi32, #tpu.memory_space<vmem>> -> memref<128xi32, #tpu.memory_space<vmem>>
          %dma_start3A_214 = tpu.memref_slice %arg4[%mul3A_184] : memref<100096xi32, #tpu.memory_space<hbm>> -> memref<128xi32, #tpu.memory_space<hbm>>
          %dma_start3A_215 = arith.constant 0 : i32
          %dma_start3A_216 = tpu.memref_slice %arg8[%run_scoped3A_185, %dma_start3A_215] : memref<2x128xi32, #tpu.memory_space<vmem>> -> memref<1x128xi32, #tpu.memory_space<vmem>>
          %dma_start3A_217 = tpu.memref_squeeze %dma_start3A_216 : memref<1x128xi32, #tpu.memory_space<vmem>> -> memref<128xi32, #tpu.memory_space<vmem>>
          %dma_start3A_218 = tpu.memref_slice %arg4[%mul3A_184] : memref<100096xi32, #tpu.memory_space<hbm>> -> memref<128xi32, #tpu.memory_space<hbm>>
          tpu.enqueue_dma source(%dma_start3A_218 : memref<128xi32, #tpu.memory_space<hbm>>) target(%dma_start3A_217 : memref<128xi32, #tpu.memory_space<vmem>>) target_semaphore(%run_scoped3A_210 : memref<!tpu.dma_semaphore, #tpu.memory_space<semaphore_mem>>)
          %dma_wait3A_219 = arith.constant 0 : i32
          %dma_wait3A_220 = tpu.memref_slice %arg8[%run_scoped3A_185, %dma_wait3A_219] : memref<2x128xi32, #tpu.memory_space<vmem>> -> memref<1x128xi32, #tpu.memory_space<vmem>>
          %dma_wait3A_221 = tpu.memref_squeeze %dma_wait3A_220 : memref<1x128xi32, #tpu.memory_space<vmem>> -> memref<128xi32, #tpu.memory_space<vmem>>
          %dma_wait3A_222 = tpu.memref_slice %arg4[%mul3A_184] : memref<100096xi32, #tpu.memory_space<hbm>> -> memref<128xi32, #tpu.memory_space<hbm>>
          %dma_wait3A_223 = arith.constant 0 : i32
          %dma_wait3A_224 = tpu.memref_slice %arg8[%run_scoped3A_185, %dma_wait3A_223] : memref<2x128xi32, #tpu.memory_space<vmem>> -> memref<1x128xi32, #tpu.memory_space<vmem>>
          %dma_wait3A_225 = tpu.memref_squeeze %dma_wait3A_224 : memref<1x128xi32, #tpu.memory_space<vmem>> -> memref<128xi32, #tpu.memory_space<vmem>>
          %dma_wait3A_226 = tpu.memref_slice %arg4[%mul3A_184] : memref<100096xi32, #tpu.memory_space<hbm>> -> memref<128xi32, #tpu.memory_space<hbm>>
          tpu.wait_dma2 semaphore(%run_scoped3A_210 : memref<!tpu.dma_semaphore, #tpu.memory_space<semaphore_mem>>) src(%dma_wait3A_226 : memref<128xi32, #tpu.memory_space<hbm>>) dst(%dma_wait3A_225 : memref<128xi32, #tpu.memory_space<vmem>>)
          tpu.yield
        }) : () -> ()
        %dma_start3A_186 = arith.constant 1 : i32
        %dma_start3A_187 = arith.constant 1 : i32
        %dma_start3A_188 = arith.constant 0 : i32
        %dma_start3A_189 = arith.constant 0 : i32
        %dma_start3A_190 = tpu.memref_slice %arg9[%dma_start3A_187, %dma_start3A_188, %dma_start3A_189] : memref<2x128x128xf32, #tpu.memory_space<vmem>> -> memref<1x128x128xf32, #tpu.memory_space<vmem>>
        %dma_start3A_191 = tpu.memref_squeeze %dma_start3A_190 : memref<1x128x128xf32, #tpu.memory_space<vmem>> -> memref<128x128xf32, #tpu.memory_space<vmem>>
        %dma_start3A_192 = arith.constant 0 : i32
        %dma_start3A_193 = tpu.memref_slice %arg8[%dma_start3A_186, %dma_start3A_192] : memref<2x128xi32, #tpu.memory_space<vmem>> -> memref<1x128xi32, #tpu.memory_space<vmem>>
        %dma_start3A_194 = tpu.memref_squeeze %dma_start3A_193 : memref<1x128xi32, #tpu.memory_space<vmem>> -> memref<128xi32, #tpu.memory_space<vmem>>
        %dma_start3A_195 = arith.constant 0 : i32
        %dma_start3A_196 = arith.constant 0 : i32
        %dma_start3A_197 = tpu.memref_slice %arg2[%dma_start3A_195, %dma_start3A_196] : memref<100000x128xf32, #tpu.memory_space<hbm>> -> memref<100000x128xf32, #tpu.memory_space<hbm>>
        tpu.enqueue_indirect_dma source(%dma_start3A_197 : memref<100000x128xf32, #tpu.memory_space<hbm>>) target(%dma_start3A_191 : memref<128x128xf32, #tpu.memory_space<vmem>>) offsets(%dma_start3A_194 : memref<128xi32, #tpu.memory_space<vmem>>) semaphore(%arg16 : memref<!tpu.dma_semaphore, #tpu.memory_space<semaphore_mem>>)
        %dma_start3A_198 = arith.constant 1 : i32
        %dma_start3A_199 = arith.constant 1 : i32
        %dma_start3A_200 = arith.constant 0 : i32
        %dma_start3A_201 = arith.constant 0 : i32
        %dma_start3A_202 = tpu.memref_slice %arg10[%dma_start3A_199, %dma_start3A_200, %dma_start3A_201] : memref<2x128x16xf32, #tpu.memory_space<vmem>> -> memref<1x128x16xf32, #tpu.memory_space<vmem>>
        %dma_start3A_203 = tpu.memref_squeeze %dma_start3A_202 : memref<1x128x16xf32, #tpu.memory_space<vmem>> -> memref<128x16xf32, #tpu.memory_space<vmem>>
        %dma_start3A_204 = arith.constant 0 : i32
        %dma_start3A_205 = tpu.memref_slice %arg8[%dma_start3A_198, %dma_start3A_204] : memref<2x128xi32, #tpu.memory_space<vmem>> -> memref<1x128xi32, #tpu.memory_space<vmem>>
        %dma_start3A_206 = tpu.memref_squeeze %dma_start3A_205 : memref<1x128xi32, #tpu.memory_space<vmem>> -> memref<128xi32, #tpu.memory_space<vmem>>
        %dma_start3A_207 = arith.constant 0 : i32
        %dma_start3A_208 = arith.constant 0 : i32
        %dma_start3A_209 = tpu.memref_slice %arg3[%dma_start3A_207, %dma_start3A_208] : memref<100000x16xf32, #tpu.memory_space<hbm>> -> memref<100000x16xf32, #tpu.memory_space<hbm>>
        tpu.enqueue_indirect_dma source(%dma_start3A_209 : memref<100000x16xf32, #tpu.memory_space<hbm>>) target(%dma_start3A_203 : memref<128x16xf32, #tpu.memory_space<vmem>>) offsets(%dma_start3A_206 : memref<128xi32, #tpu.memory_space<vmem>>) semaphore(%arg18 : memref<!tpu.dma_semaphore, #tpu.memory_space<semaphore_mem>>)
      } else {
      }
      %dma_wait3A = arith.constant 0 : i32
      %dma_wait3A_105 = arith.constant 0 : i32
      %dma_wait3A_106 = arith.constant 0 : i32
      %dma_wait3A_107 = tpu.memref_slice %arg9[%dma_wait3A, %dma_wait3A_105, %dma_wait3A_106] : memref<2x128x128xf32, #tpu.memory_space<vmem>> -> memref<1x128x128xf32, #tpu.memory_space<vmem>>
      %dma_wait3A_108 = tpu.memref_squeeze %dma_wait3A_107 : memref<1x128x128xf32, #tpu.memory_space<vmem>> -> memref<128x128xf32, #tpu.memory_space<vmem>>
      %dma_wait3A_109 = arith.constant 0 : i32
      %dma_wait3A_110 = arith.constant 0 : i32
      %dma_wait3A_111 = tpu.memref_slice %arg2[%dma_wait3A_109, %dma_wait3A_110] : memref<100000x128xf32, #tpu.memory_space<hbm>> -> memref<128x128xf32, #tpu.memory_space<hbm>>
      %dma_wait3A_112 = arith.constant 0 : i32
      %dma_wait3A_113 = arith.constant 0 : i32
      %dma_wait3A_114 = tpu.memref_slice %arg9[%dma_wait3A, %dma_wait3A_112, %dma_wait3A_113] : memref<2x128x128xf32, #tpu.memory_space<vmem>> -> memref<1x128x128xf32, #tpu.memory_space<vmem>>
      %dma_wait3A_115 = tpu.memref_squeeze %dma_wait3A_114 : memref<1x128x128xf32, #tpu.memory_space<vmem>> -> memref<128x128xf32, #tpu.memory_space<vmem>>
      %dma_wait3A_116 = arith.constant 0 : i32
      %dma_wait3A_117 = arith.constant 0 : i32
      %dma_wait3A_118 = tpu.memref_slice %arg2[%dma_wait3A_116, %dma_wait3A_117] : memref<100000x128xf32, #tpu.memory_space<hbm>> -> memref<128x128xf32, #tpu.memory_space<hbm>>
      tpu.wait_dma2 semaphore(%arg15 : memref<!tpu.dma_semaphore, #tpu.memory_space<semaphore_mem>>) src(%dma_wait3A_118 : memref<128x128xf32, #tpu.memory_space<hbm>>) dst(%dma_wait3A_115 : memref<128x128xf32, #tpu.memory_space<vmem>>)
      %dma_wait3A_119 = arith.constant 0 : i32
      %dma_wait3A_120 = arith.constant 0 : i32
      %dma_wait3A_121 = arith.constant 0 : i32
      %dma_wait3A_122 = tpu.memref_slice %arg10[%dma_wait3A_119, %dma_wait3A_120, %dma_wait3A_121] : memref<2x128x16xf32, #tpu.memory_space<vmem>> -> memref<1x128x16xf32, #tpu.memory_space<vmem>>
      %dma_wait3A_123 = tpu.memref_squeeze %dma_wait3A_122 : memref<1x128x16xf32, #tpu.memory_space<vmem>> -> memref<128x16xf32, #tpu.memory_space<vmem>>
      %dma_wait3A_124 = arith.constant 0 : i32
      %dma_wait3A_125 = arith.constant 0 : i32
      %dma_wait3A_126 = tpu.memref_slice %arg3[%dma_wait3A_124, %dma_wait3A_125] : memref<100000x16xf32, #tpu.memory_space<hbm>> -> memref<128x16xf32, #tpu.memory_space<hbm>>
      %dma_wait3A_127 = arith.constant 0 : i32
      %dma_wait3A_128 = arith.constant 0 : i32
      %dma_wait3A_129 = tpu.memref_slice %arg10[%dma_wait3A_119, %dma_wait3A_127, %dma_wait3A_128] : memref<2x128x16xf32, #tpu.memory_space<vmem>> -> memref<1x128x16xf32, #tpu.memory_space<vmem>>
      %dma_wait3A_130 = tpu.memref_squeeze %dma_wait3A_129 : memref<1x128x16xf32, #tpu.memory_space<vmem>> -> memref<128x16xf32, #tpu.memory_space<vmem>>
      %dma_wait3A_131 = arith.constant 0 : i32
      %dma_wait3A_132 = arith.constant 0 : i32
      %dma_wait3A_133 = tpu.memref_slice %arg3[%dma_wait3A_131, %dma_wait3A_132] : memref<100000x16xf32, #tpu.memory_space<hbm>> -> memref<128x16xf32, #tpu.memory_space<hbm>>
      tpu.wait_dma2 semaphore(%arg17 : memref<!tpu.dma_semaphore, #tpu.memory_space<semaphore_mem>>) src(%dma_wait3A_133 : memref<128x16xf32, #tpu.memory_space<hbm>>) dst(%dma_wait3A_130 : memref<128x16xf32, #tpu.memory_space<vmem>>)
      %add3A_134 = arith.addi %shift_right_logical3A_8, %mul3A_99 : i32
      %mul3A_135 = arith.constant 128 : i32
      %mul3A_136 = arith.muli %add3A_134, %mul3A_135 : i32
      %sub3A_137 = arith.subi %get3A_4, %mul3A_136 : i32
      %max3A = arith.constant 0 : i32
      %max3A_138 = arith.maxsi %sub3A_137, %max3A : i32
      %sub3A_139 = arith.subi %get3A_7, %mul3A_136 : i32
      %min3A = arith.constant 128 : i32
      %min3A_140 = arith.minsi %sub3A_139, %min3A : i32
      %max3A_141 = arith.maxsi %max3A_138, %min3A_140 : i32
      %while3A_142 = arith.subi %max3A_141, %max3A_138 : i32
      %while3A_143 = arith.addi %max3A_138, %while3A_142 : i32
      %while3A_144 = arith.constant 1 : i32
      %while3A_145 = arith.divsi %while3A_142, %while3A_144 : i32
      %while3A_146 = arith.muli %while3A_145, %while3A_144 : i32
      %while3A_147 = arith.addi %max3A_138, %while3A_146 : i32
      %while3A_148 = arith.constant 1 : i32
      %while3A_149:14 = scf.for %while3A_182 = %max3A_138 to %while3A_147 step %while3A_148 iter_args(%while3A_183 = %while3A_84, %while3A_184 = %while3A_85, %while3A_185 = %while3A_86, %while3A_186 = %while3A_87, %while3A_187 = %while3A_88, %while3A_188 = %while3A_89, %while3A_189 = %while3A_90, %while3A_190 = %while3A_91, %while3A_191 = %while3A_92, %while3A_192 = %while3A_93, %while3A_193 = %while3A_94, %while3A_194 = %while3A_95, %while3A_195 = %while3A_96, %while3A_196 = %while3A_97) -> (i32, i32, i32, i32, i32, vector<16xf32>, vector<16xf32>, vector<16xf32>, vector<16xf32>, vector<16xf32>, vector<16xf32>, vector<16xf32>, vector<16xf32>, vector<16xf32>)  : i32 {
        %get3A_197 = arith.constant 0 : i32
        %get3A_198 = arith.index_cast %get3A_197 : i32 to index
        %get3A_199 = arith.index_cast %while3A_182 : i32 to index
        %get3A_200 = arith.constant 0 : index
        %get3A_201 = tpu.vector_load %arg9[%get3A_198, %get3A_199, %get3A_200] {strides = array<i32>} : memref<2x128x128xf32, #tpu.memory_space<vmem>>, vector<16xf32>,
        %max3A_202 = arith.maximumf %while3A_189, %get3A_201 : vector<16xf32>
        %get3A_203 = arith.constant 0 : i32
        %get3A_204 = arith.index_cast %get3A_203 : i32 to index
        %get3A_205 = arith.index_cast %while3A_182 : i32 to index
        %get3A_206 = arith.constant 16 : index
        %get3A_207 = tpu.vector_load %arg9[%get3A_204, %get3A_205, %get3A_206] {strides = array<i32>} : memref<2x128x128xf32, #tpu.memory_space<vmem>>, vector<16xf32>,
        %max3A_208 = arith.maximumf %while3A_190, %get3A_207 : vector<16xf32>
        %get3A_209 = arith.constant 0 : i32
        %get3A_210 = arith.index_cast %get3A_209 : i32 to index
        %get3A_211 = arith.index_cast %while3A_182 : i32 to index
        %get3A_212 = arith.constant 32 : index
        %get3A_213 = tpu.vector_load %arg9[%get3A_210, %get3A_211, %get3A_212] {strides = array<i32>} : memref<2x128x128xf32, #tpu.memory_space<vmem>>, vector<16xf32>,
        %max3A_214 = arith.maximumf %while3A_191, %get3A_213 : vector<16xf32>
        %get3A_215 = arith.constant 0 : i32
        %get3A_216 = arith.index_cast %get3A_215 : i32 to index
        %get3A_217 = arith.index_cast %while3A_182 : i32 to index
        %get3A_218 = arith.constant 48 : index
        %get3A_219 = tpu.vector_load %arg9[%get3A_216, %get3A_217, %get3A_218] {strides = array<i32>} : memref<2x128x128xf32, #tpu.memory_space<vmem>>, vector<16xf32>,
        %max3A_220 = arith.maximumf %while3A_192, %get3A_219 : vector<16xf32>
        %get3A_221 = arith.constant 0 : i32
        %get3A_222 = arith.index_cast %get3A_221 : i32 to index
        %get3A_223 = arith.index_cast %while3A_182 : i32 to index
        %get3A_224 = arith.constant 64 : index
        %get3A_225 = tpu.vector_load %arg9[%get3A_222, %get3A_223, %get3A_224] {strides = array<i32>} : memref<2x128x128xf32, #tpu.memory_space<vmem>>, vector<16xf32>,
        %max3A_226 = arith.maximumf %while3A_193, %get3A_225 : vector<16xf32>
        %get3A_227 = arith.constant 0 : i32
        %get3A_228 = arith.index_cast %get3A_227 : i32 to index
        %get3A_229 = arith.index_cast %while3A_182 : i32 to index
        %get3A_230 = arith.constant 80 : index
        %get3A_231 = tpu.vector_load %arg9[%get3A_228, %get3A_229, %get3A_230] {strides = array<i32>} : memref<2x128x128xf32, #tpu.memory_space<vmem>>, vector<16xf32>,
        %max3A_232 = arith.maximumf %while3A_194, %get3A_231 : vector<16xf32>
        %get3A_233 = arith.constant 0 : i32
        %get3A_234 = arith.index_cast %get3A_233 : i32 to index
        %get3A_235 = arith.index_cast %while3A_182 : i32 to index
        %get3A_236 = arith.constant 96 : index
        %get3A_237 = tpu.vector_load %arg9[%get3A_234, %get3A_235, %get3A_236] {strides = array<i32>} : memref<2x128x128xf32, #tpu.memory_space<vmem>>, vector<16xf32>,
        %max3A_238 = arith.maximumf %while3A_195, %get3A_237 : vector<16xf32>
        %get3A_239 = arith.constant 0 : i32
        %get3A_240 = arith.index_cast %get3A_239 : i32 to index
        %get3A_241 = arith.index_cast %while3A_182 : i32 to index
        %get3A_242 = arith.constant 112 : index
        %get3A_243 = tpu.vector_load %arg9[%get3A_240, %get3A_241, %get3A_242] {strides = array<i32>} : memref<2x128x128xf32, #tpu.memory_space<vmem>>, vector<16xf32>,
        %max3A_244 = arith.maximumf %while3A_196, %get3A_243 : vector<16xf32>
        %get3A_245 = arith.constant 0 : i32
        %get3A_246 = arith.index_cast %get3A_245 : i32 to index
        %get3A_247 = arith.index_cast %while3A_182 : i32 to index
        %get3A_248 = arith.constant 0 : index
        %get3A_249 = tpu.vector_load %arg10[%get3A_246, %get3A_247, %get3A_248] {strides = array<i32>} : memref<2x128x16xf32, #tpu.memory_space<vmem>>, vector<16xf32>,
        %add3A_250 = arith.addf %while3A_188, %get3A_249 : vector<16xf32>
        %add3A_251 = arith.addi %mul3A_136, %while3A_182 : i32
        %add3A_252 = arith.constant 1 : i32
        %add3A_253 = arith.addi %add3A_251, %add3A_252 : i32
        %eq3A = arith.cmpi eq, %add3A_253, %while3A_187 : i32
        %convert_element_type3A_254 = arith.extui %eq3A : i1 to i32
        %cond3A_255 = arith.constant 0 : i32
        %cond3A_256 = arith.constant 0 : i32
        %cond3A_257 = arith.cmpi ne, %convert_element_type3A_254, %cond3A_256 : i32
        %cond3A_258:14 = scf.if %cond3A_257 -> (i32, i32, i32, i32, i32, vector<16xf32>, vector<16xf32>, vector<16xf32>, vector<16xf32>, vector<16xf32>, vector<16xf32>, vector<16xf32>, vector<16xf32>, vector<16xf32>) {
          %swap3A = arith.index_cast %while3A_184 : i32 to index
          %swap3A_259 = arith.constant 0 : index
          %swap3A_260 = tpu.vector_load %arg13[%swap3A, %swap3A_259] {strides = array<i32>} : memref<112x128xf32, #tpu.memory_space<vmem>>, vector<16xf32>,
          tpu.vector_store %arg13[%swap3A, %swap3A_259], %max3A_202 {strides = array<i32>} : memref<112x128xf32, #tpu.memory_space<vmem>>, vector<16xf32>,
          %swap3A_261 = arith.index_cast %while3A_184 : i32 to index
          %swap3A_262 = arith.constant 16 : index
          %swap3A_263 = tpu.vector_load %arg13[%swap3A_261, %swap3A_262] {strides = array<i32>} : memref<112x128xf32, #tpu.memory_space<vmem>>, vector<16xf32>,
          tpu.vector_store %arg13[%swap3A_261, %swap3A_262], %max3A_208 {strides = array<i32>} : memref<112x128xf32, #tpu.memory_space<vmem>>, vector<16xf32>,
          %swap3A_264 = arith.index_cast %while3A_184 : i32 to index
          %swap3A_265 = arith.constant 32 : index
          %swap3A_266 = tpu.vector_load %arg13[%swap3A_264, %swap3A_265] {strides = array<i32>} : memref<112x128xf32, #tpu.memory_space<vmem>>, vector<16xf32>,
          tpu.vector_store %arg13[%swap3A_264, %swap3A_265], %max3A_214 {strides = array<i32>} : memref<112x128xf32, #tpu.memory_space<vmem>>, vector<16xf32>,
          %swap3A_267 = arith.index_cast %while3A_184 : i32 to index
          %swap3A_268 = arith.constant 48 : index
          %swap3A_269 = tpu.vector_load %arg13[%swap3A_267, %swap3A_268] {strides = array<i32>} : memref<112x128xf32, #tpu.memory_space<vmem>>, vector<16xf32>,
          tpu.vector_store %arg13[%swap3A_267, %swap3A_268], %max3A_220 {strides = array<i32>} : memref<112x128xf32, #tpu.memory_space<vmem>>, vector<16xf32>,
          %swap3A_270 = arith.index_cast %while3A_184 : i32 to index
          %swap3A_271 = arith.constant 64 : index
          %swap3A_272 = tpu.vector_load %arg13[%swap3A_270, %swap3A_271] {strides = array<i32>} : memref<112x128xf32, #tpu.memory_space<vmem>>, vector<16xf32>,
          tpu.vector_store %arg13[%swap3A_270, %swap3A_271], %max3A_226 {strides = array<i32>} : memref<112x128xf32, #tpu.memory_space<vmem>>, vector<16xf32>,
          %swap3A_273 = arith.index_cast %while3A_184 : i32 to index
          %swap3A_274 = arith.constant 80 : index
          %swap3A_275 = tpu.vector_load %arg13[%swap3A_273, %swap3A_274] {strides = array<i32>} : memref<112x128xf32, #tpu.memory_space<vmem>>, vector<16xf32>,
          tpu.vector_store %arg13[%swap3A_273, %swap3A_274], %max3A_232 {strides = array<i32>} : memref<112x128xf32, #tpu.memory_space<vmem>>, vector<16xf32>,
          %swap3A_276 = arith.index_cast %while3A_184 : i32 to index
          %swap3A_277 = arith.constant 96 : index
          %swap3A_278 = tpu.vector_load %arg13[%swap3A_276, %swap3A_277] {strides = array<i32>} : memref<112x128xf32, #tpu.memory_space<vmem>>, vector<16xf32>,
          tpu.vector_store %arg13[%swap3A_276, %swap3A_277], %max3A_238 {strides = array<i32>} : memref<112x128xf32, #tpu.memory_space<vmem>>, vector<16xf32>,
          %swap3A_279 = arith.index_cast %while3A_184 : i32 to index
          %swap3A_280 = arith.constant 112 : index
          %swap3A_281 = tpu.vector_load %arg13[%swap3A_279, %swap3A_280] {strides = array<i32>} : memref<112x128xf32, #tpu.memory_space<vmem>>, vector<16xf32>,
          tpu.vector_store %arg13[%swap3A_279, %swap3A_280], %max3A_244 {strides = array<i32>} : memref<112x128xf32, #tpu.memory_space<vmem>>, vector<16xf32>,
          %swap3A_282 = arith.index_cast %while3A_184 : i32 to index
          %swap3A_283 = arith.constant 0 : index
          %swap3A_284 = tpu.vector_load %arg14[%swap3A_282, %swap3A_283] {strides = array<i32>} : memref<112x16xf32, #tpu.memory_space<vmem>>, vector<16xf32>,
          tpu.vector_store %arg14[%swap3A_282, %swap3A_283], %add3A_250 {strides = array<i32>} : memref<112x16xf32, #tpu.memory_space<vmem>>, vector<16xf32>,
          %add3A_285 = arith.constant 1 : i32
          %add3A_286 = arith.addi %while3A_183, %add3A_285 : i32
          %add3A_287 = arith.constant 1 : i32
          %add3A_288 = arith.addi %while3A_185, %add3A_287 : i32
          %eq3A_289 = arith.constant 56 : i32
          %eq3A_290 = arith.cmpi eq, %add3A_288, %eq3A_289 : i32
          %convert_element_type3A_291 = arith.extui %eq3A_290 : i1 to i32
          %cond3A_292 = arith.constant 0 : i32
          %cond3A_293 = arith.cmpi ne, %convert_element_type3A_291, %cond3A_292 : i32
          scf.if %cond3A_293 {
            %add3A_315 = arith.constant 1 : i32
            %add3A_316 = arith.addi %while3A_184, %add3A_315 : i32
            %sub3A_317 = arith.constant 56 : i32
            %sub3A_318 = arith.subi %add3A_316, %sub3A_317 : i32
            "tpu.region"() ({
              %run_scoped3A_319 = tpu.sem_alloc : memref<!tpu.dma_semaphore, #tpu.memory_space<semaphore_mem>>
              %dma_start3A_320 = arith.constant 0 : i32
              %dma_start3A_321 = tpu.memref_slice %arg13[%sub3A_318, %dma_start3A_320] : memref<112x128xf32, #tpu.memory_space<vmem>> -> memref<56x128xf32, #tpu.memory_space<vmem>>
              %dma_start3A_322 = arith.constant 0 : i32
              %dma_start3A_323 = tpu.memref_slice %arg6[%while3A_186, %dma_start3A_322] : memref<25088x128xf32, #tpu.memory_space<hbm>> -> memref<56x128xf32, #tpu.memory_space<hbm>>
              %dma_start3A_324 = arith.constant 0 : i32
              %dma_start3A_325 = tpu.memref_slice %arg6[%while3A_186, %dma_start3A_324] : memref<25088x128xf32, #tpu.memory_space<hbm>> -> memref<56x128xf32, #tpu.memory_space<hbm>>
              %dma_start3A_326 = arith.constant 0 : i32
              %dma_start3A_327 = tpu.memref_slice %arg13[%sub3A_318, %dma_start3A_326] : memref<112x128xf32, #tpu.memory_space<vmem>> -> memref<56x128xf32, #tpu.memory_space<vmem>>
              tpu.enqueue_dma source(%dma_start3A_327 : memref<56x128xf32, #tpu.memory_space<vmem>>) target(%dma_start3A_325 : memref<56x128xf32, #tpu.memory_space<hbm>>) target_semaphore(%run_scoped3A_319 : memref<!tpu.dma_semaphore, #tpu.memory_space<semaphore_mem>>)
              %dma_wait3A_328 = arith.constant 0 : i32
              %dma_wait3A_329 = tpu.memref_slice %arg13[%sub3A_318, %dma_wait3A_328] : memref<112x128xf32, #tpu.memory_space<vmem>> -> memref<56x128xf32, #tpu.memory_space<vmem>>
              %dma_wait3A_330 = arith.constant 0 : i32
              %dma_wait3A_331 = tpu.memref_slice %arg6[%while3A_186, %dma_wait3A_330] : memref<25088x128xf32, #tpu.memory_space<hbm>> -> memref<56x128xf32, #tpu.memory_space<hbm>>
              %dma_wait3A_332 = arith.constant 0 : i32
              %dma_wait3A_333 = tpu.memref_slice %arg6[%while3A_186, %dma_wait3A_332] : memref<25088x128xf32, #tpu.memory_space<hbm>> -> memref<56x128xf32, #tpu.memory_space<hbm>>
              %dma_wait3A_334 = arith.constant 0 : i32
              %dma_wait3A_335 = tpu.memref_slice %arg13[%sub3A_318, %dma_wait3A_334] : memref<112x128xf32, #tpu.memory_space<vmem>> -> memref<56x128xf32, #tpu.memory_space<vmem>>
              tpu.wait_dma2 semaphore(%run_scoped3A_319 : memref<!tpu.dma_semaphore, #tpu.memory_space<semaphore_mem>>) src(%dma_wait3A_335 : memref<56x128xf32, #tpu.memory_space<vmem>>) dst(%dma_wait3A_333 : memref<56x128xf32, #tpu.memory_space<hbm>>)
              tpu.yield
            }) : () -> ()
            "tpu.region"() ({
              %run_scoped3A_319 = tpu.sem_alloc : memref<!tpu.dma_semaphore, #tpu.memory_space<semaphore_mem>>
              %dma_start3A_320 = arith.constant 0 : i32
              %dma_start3A_321 = tpu.memref_slice %arg14[%sub3A_318, %dma_start3A_320] : memref<112x16xf32, #tpu.memory_space<vmem>> -> memref<56x16xf32, #tpu.memory_space<vmem>>
              %dma_start3A_322 = arith.constant 0 : i32
              %dma_start3A_323 = tpu.memref_slice %arg7[%while3A_186, %dma_start3A_322] : memref<25088x16xf32, #tpu.memory_space<hbm>> -> memref<56x16xf32, #tpu.memory_space<hbm>>
              %dma_start3A_324 = arith.constant 0 : i32
              %dma_start3A_325 = tpu.memref_slice %arg7[%while3A_186, %dma_start3A_324] : memref<25088x16xf32, #tpu.memory_space<hbm>> -> memref<56x16xf32, #tpu.memory_space<hbm>>
              %dma_start3A_326 = arith.constant 0 : i32
              %dma_start3A_327 = tpu.memref_slice %arg14[%sub3A_318, %dma_start3A_326] : memref<112x16xf32, #tpu.memory_space<vmem>> -> memref<56x16xf32, #tpu.memory_space<vmem>>
              tpu.enqueue_dma source(%dma_start3A_327 : memref<56x16xf32, #tpu.memory_space<vmem>>) target(%dma_start3A_325 : memref<56x16xf32, #tpu.memory_space<hbm>>) target_semaphore(%run_scoped3A_319 : memref<!tpu.dma_semaphore, #tpu.memory_space<semaphore_mem>>)
              %dma_wait3A_328 = arith.constant 0 : i32
              %dma_wait3A_329 = tpu.memref_slice %arg14[%sub3A_318, %dma_wait3A_328] : memref<112x16xf32, #tpu.memory_space<vmem>> -> memref<56x16xf32, #tpu.memory_space<vmem>>
              %dma_wait3A_330 = arith.constant 0 : i32
              %dma_wait3A_331 = tpu.memref_slice %arg7[%while3A_186, %dma_wait3A_330] : memref<25088x16xf32, #tpu.memory_space<hbm>> -> memref<56x16xf32, #tpu.memory_space<hbm>>
              %dma_wait3A_332 = arith.constant 0 : i32
              %dma_wait3A_333 = tpu.memref_slice %arg7[%while3A_186, %dma_wait3A_332] : memref<25088x16xf32, #tpu.memory_space<hbm>> -> memref<56x16xf32, #tpu.memory_space<hbm>>
              %dma_wait3A_334 = arith.constant 0 : i32
              %dma_wait3A_335 = tpu.memref_slice %arg14[%sub3A_318, %dma_wait3A_334] : memref<112x16xf32, #tpu.memory_space<vmem>> -> memref<56x16xf32, #tpu.memory_space<vmem>>
              tpu.wait_dma2 semaphore(%run_scoped3A_319 : memref<!tpu.dma_semaphore, #tpu.memory_space<semaphore_mem>>) src(%dma_wait3A_335 : memref<56x16xf32, #tpu.memory_space<vmem>>) dst(%dma_wait3A_333 : memref<56x16xf32, #tpu.memory_space<hbm>>)
              tpu.yield
            }) : () -> ()
          } else {
          }
          %add3A_294 = arith.constant 1 : i32
          %add3A_295 = arith.addi %while3A_184, %add3A_294 : i32
          %eq3A_296 = arith.constant 112 : i32
          %eq3A_297 = arith.cmpi eq, %add3A_295, %eq3A_296 : i32
          %add3A_298 = arith.constant 1 : i32
          %add3A_299 = arith.addi %while3A_184, %add3A_298 : i32
          %jit3A_300 = arith.constant 0 : i32
          %select_n3A_301 = arith.select %eq3A_297, %jit3A_300, %add3A_299 : i32
          %jit3A_302 = arith.constant 0 : i32
          %select_n3A_303 = arith.select %eq3A_290, %jit3A_302, %add3A_288 : i32
          %add3A_304 = arith.constant 56 : i32
          %add3A_305 = arith.addi %while3A_186, %add3A_304 : i32
          %select_n3A_306 = arith.select %eq3A_290, %add3A_305, %while3A_186 : i32
          %add3A_307 = arith.constant 1 : i32
          %add3A_308 = arith.addi %add3A_286, %add3A_307 : i32
          %get3A_309 = arith.index_cast %add3A_308 : i32 to index
          %get3A_310 = memref.load %arg11[%get3A_309] : memref<808xi32, #tpu.memory_space<smem>>
          %broadcast_in_dim3A_311 = arith.constant -3.40282347E+38 : f32
          %broadcast_in_dim3A_312 = vector.broadcast %broadcast_in_dim3A_311 : f32 to vector<16xf32>
          %broadcast_in_dim3A_313 = arith.constant 0.000000e+00 : f32
          %broadcast_in_dim3A_314 = vector.broadcast %broadcast_in_dim3A_313 : f32 to vector<16xf32>
          scf.yield %add3A_286, %select_n3A_301, %select_n3A_303, %select_n3A_306, %get3A_310, %broadcast_in_dim3A_314, %broadcast_in_dim3A_312, %broadcast_in_dim3A_312, %broadcast_in_dim3A_312, %broadcast_in_dim3A_312, %broadcast_in_dim3A_312, %broadcast_in_dim3A_312, %broadcast_in_dim3A_312, %broadcast_in_dim3A_312 : i32, i32, i32, i32, i32, vector<16xf32>, vector<16xf32>, vector<16xf32>, vector<16xf32>, vector<16xf32>, vector<16xf32>, vector<16xf32>, vector<16xf32>, vector<16xf32>
        } else {
          scf.yield %while3A_183, %while3A_184, %while3A_185, %while3A_186, %while3A_187, %add3A_250, %max3A_202, %max3A_208, %max3A_214, %max3A_220, %max3A_226, %max3A_232, %max3A_238, %max3A_244 : i32, i32, i32, i32, i32, vector<16xf32>, vector<16xf32>, vector<16xf32>, vector<16xf32>, vector<16xf32>, vector<16xf32>, vector<16xf32>, vector<16xf32>, vector<16xf32>
        }
        scf.yield %cond3A_258#0, %cond3A_258#1, %cond3A_258#2, %cond3A_258#3, %cond3A_258#4, %cond3A_258#5, %cond3A_258#6, %cond3A_258#7, %cond3A_258#8, %cond3A_258#9, %cond3A_258#10, %cond3A_258#11, %cond3A_258#12, %cond3A_258#13 : i32, i32, i32, i32, i32, vector<16xf32>, vector<16xf32>, vector<16xf32>, vector<16xf32>, vector<16xf32>, vector<16xf32>, vector<16xf32>, vector<16xf32>, vector<16xf32>
      }
      %while3A_150 = arith.constant 1 : i32
      %while3A_151:14 = scf.for %while3A_182 = %while3A_147 to %while3A_143 step %while3A_150 iter_args(%while3A_183 = %while3A_149#0, %while3A_184 = %while3A_149#1, %while3A_185 = %while3A_149#2, %while3A_186 = %while3A_149#3, %while3A_187 = %while3A_149#4, %while3A_188 = %while3A_149#5, %while3A_189 = %while3A_149#6, %while3A_190 = %while3A_149#7, %while3A_191 = %while3A_149#8, %while3A_192 = %while3A_149#9, %while3A_193 = %while3A_149#10, %while3A_194 = %while3A_149#11, %while3A_195 = %while3A_149#12, %while3A_196 = %while3A_149#13) -> (i32, i32, i32, i32, i32, vector<16xf32>, vector<16xf32>, vector<16xf32>, vector<16xf32>, vector<16xf32>, vector<16xf32>, vector<16xf32>, vector<16xf32>, vector<16xf32>)  : i32 {
        %get3A_197 = arith.constant 0 : i32
        %get3A_198 = arith.index_cast %get3A_197 : i32 to index
        %get3A_199 = arith.index_cast %while3A_182 : i32 to index
        %get3A_200 = arith.constant 0 : index
        %get3A_201 = tpu.vector_load %arg9[%get3A_198, %get3A_199, %get3A_200] {strides = array<i32>} : memref<2x128x128xf32, #tpu.memory_space<vmem>>, vector<16xf32>,
        %max3A_202 = arith.maximumf %while3A_189, %get3A_201 : vector<16xf32>
        %get3A_203 = arith.constant 0 : i32
        %get3A_204 = arith.index_cast %get3A_203 : i32 to index
        %get3A_205 = arith.index_cast %while3A_182 : i32 to index
        %get3A_206 = arith.constant 16 : index
        %get3A_207 = tpu.vector_load %arg9[%get3A_204, %get3A_205, %get3A_206] {strides = array<i32>} : memref<2x128x128xf32, #tpu.memory_space<vmem>>, vector<16xf32>,
        %max3A_208 = arith.maximumf %while3A_190, %get3A_207 : vector<16xf32>
        %get3A_209 = arith.constant 0 : i32
        %get3A_210 = arith.index_cast %get3A_209 : i32 to index
        %get3A_211 = arith.index_cast %while3A_182 : i32 to index
        %get3A_212 = arith.constant 32 : index
        %get3A_213 = tpu.vector_load %arg9[%get3A_210, %get3A_211, %get3A_212] {strides = array<i32>} : memref<2x128x128xf32, #tpu.memory_space<vmem>>, vector<16xf32>,
        %max3A_214 = arith.maximumf %while3A_191, %get3A_213 : vector<16xf32>
        %get3A_215 = arith.constant 0 : i32
        %get3A_216 = arith.index_cast %get3A_215 : i32 to index
        %get3A_217 = arith.index_cast %while3A_182 : i32 to index
        %get3A_218 = arith.constant 48 : index
        %get3A_219 = tpu.vector_load %arg9[%get3A_216, %get3A_217, %get3A_218] {strides = array<i32>} : memref<2x128x128xf32, #tpu.memory_space<vmem>>, vector<16xf32>,
        %max3A_220 = arith.maximumf %while3A_192, %get3A_219 : vector<16xf32>
        %get3A_221 = arith.constant 0 : i32
        %get3A_222 = arith.index_cast %get3A_221 : i32 to index
        %get3A_223 = arith.index_cast %while3A_182 : i32 to index
        %get3A_224 = arith.constant 64 : index
        %get3A_225 = tpu.vector_load %arg9[%get3A_222, %get3A_223, %get3A_224] {strides = array<i32>} : memref<2x128x128xf32, #tpu.memory_space<vmem>>, vector<16xf32>,
        %max3A_226 = arith.maximumf %while3A_193, %get3A_225 : vector<16xf32>
        %get3A_227 = arith.constant 0 : i32
        %get3A_228 = arith.index_cast %get3A_227 : i32 to index
        %get3A_229 = arith.index_cast %while3A_182 : i32 to index
        %get3A_230 = arith.constant 80 : index
        %get3A_231 = tpu.vector_load %arg9[%get3A_228, %get3A_229, %get3A_230] {strides = array<i32>} : memref<2x128x128xf32, #tpu.memory_space<vmem>>, vector<16xf32>,
        %max3A_232 = arith.maximumf %while3A_194, %get3A_231 : vector<16xf32>
        %get3A_233 = arith.constant 0 : i32
        %get3A_234 = arith.index_cast %get3A_233 : i32 to index
        %get3A_235 = arith.index_cast %while3A_182 : i32 to index
        %get3A_236 = arith.constant 96 : index
        %get3A_237 = tpu.vector_load %arg9[%get3A_234, %get3A_235, %get3A_236] {strides = array<i32>} : memref<2x128x128xf32, #tpu.memory_space<vmem>>, vector<16xf32>,
        %max3A_238 = arith.maximumf %while3A_195, %get3A_237 : vector<16xf32>
        %get3A_239 = arith.constant 0 : i32
        %get3A_240 = arith.index_cast %get3A_239 : i32 to index
        %get3A_241 = arith.index_cast %while3A_182 : i32 to index
        %get3A_242 = arith.constant 112 : index
        %get3A_243 = tpu.vector_load %arg9[%get3A_240, %get3A_241, %get3A_242] {strides = array<i32>} : memref<2x128x128xf32, #tpu.memory_space<vmem>>, vector<16xf32>,
        %max3A_244 = arith.maximumf %while3A_196, %get3A_243 : vector<16xf32>
        %get3A_245 = arith.constant 0 : i32
        %get3A_246 = arith.index_cast %get3A_245 : i32 to index
        %get3A_247 = arith.index_cast %while3A_182 : i32 to index
        %get3A_248 = arith.constant 0 : index
        %get3A_249 = tpu.vector_load %arg10[%get3A_246, %get3A_247, %get3A_248] {strides = array<i32>} : memref<2x128x16xf32, #tpu.memory_space<vmem>>, vector<16xf32>,
        %add3A_250 = arith.addf %while3A_188, %get3A_249 : vector<16xf32>
        %add3A_251 = arith.addi %mul3A_136, %while3A_182 : i32
        %add3A_252 = arith.constant 1 : i32
        %add3A_253 = arith.addi %add3A_251, %add3A_252 : i32
        %eq3A = arith.cmpi eq, %add3A_253, %while3A_187 : i32
        %convert_element_type3A_254 = arith.extui %eq3A : i1 to i32
        %cond3A_255 = arith.constant 0 : i32
        %cond3A_256 = arith.constant 0 : i32
        %cond3A_257 = arith.cmpi ne, %convert_element_type3A_254, %cond3A_256 : i32
        %cond3A_258:14 = scf.if %cond3A_257 -> (i32, i32, i32, i32, i32, vector<16xf32>, vector<16xf32>, vector<16xf32>, vector<16xf32>, vector<16xf32>, vector<16xf32>, vector<16xf32>, vector<16xf32>, vector<16xf32>) {
          %swap3A = arith.index_cast %while3A_184 : i32 to index
          %swap3A_259 = arith.constant 0 : index
          %swap3A_260 = tpu.vector_load %arg13[%swap3A, %swap3A_259] {strides = array<i32>} : memref<112x128xf32, #tpu.memory_space<vmem>>, vector<16xf32>,
          tpu.vector_store %arg13[%swap3A, %swap3A_259], %max3A_202 {strides = array<i32>} : memref<112x128xf32, #tpu.memory_space<vmem>>, vector<16xf32>,
          %swap3A_261 = arith.index_cast %while3A_184 : i32 to index
          %swap3A_262 = arith.constant 16 : index
          %swap3A_263 = tpu.vector_load %arg13[%swap3A_261, %swap3A_262] {strides = array<i32>} : memref<112x128xf32, #tpu.memory_space<vmem>>, vector<16xf32>,
          tpu.vector_store %arg13[%swap3A_261, %swap3A_262], %max3A_208 {strides = array<i32>} : memref<112x128xf32, #tpu.memory_space<vmem>>, vector<16xf32>,
          %swap3A_264 = arith.index_cast %while3A_184 : i32 to index
          %swap3A_265 = arith.constant 32 : index
          %swap3A_266 = tpu.vector_load %arg13[%swap3A_264, %swap3A_265] {strides = array<i32>} : memref<112x128xf32, #tpu.memory_space<vmem>>, vector<16xf32>,
          tpu.vector_store %arg13[%swap3A_264, %swap3A_265], %max3A_214 {strides = array<i32>} : memref<112x128xf32, #tpu.memory_space<vmem>>, vector<16xf32>,
          %swap3A_267 = arith.index_cast %while3A_184 : i32 to index
          %swap3A_268 = arith.constant 48 : index
          %swap3A_269 = tpu.vector_load %arg13[%swap3A_267, %swap3A_268] {strides = array<i32>} : memref<112x128xf32, #tpu.memory_space<vmem>>, vector<16xf32>,
          tpu.vector_store %arg13[%swap3A_267, %swap3A_268], %max3A_220 {strides = array<i32>} : memref<112x128xf32, #tpu.memory_space<vmem>>, vector<16xf32>,
          %swap3A_270 = arith.index_cast %while3A_184 : i32 to index
          %swap3A_271 = arith.constant 64 : index
          %swap3A_272 = tpu.vector_load %arg13[%swap3A_270, %swap3A_271] {strides = array<i32>} : memref<112x128xf32, #tpu.memory_space<vmem>>, vector<16xf32>,
          tpu.vector_store %arg13[%swap3A_270, %swap3A_271], %max3A_226 {strides = array<i32>} : memref<112x128xf32, #tpu.memory_space<vmem>>, vector<16xf32>,
          %swap3A_273 = arith.index_cast %while3A_184 : i32 to index
          %swap3A_274 = arith.constant 80 : index
          %swap3A_275 = tpu.vector_load %arg13[%swap3A_273, %swap3A_274] {strides = array<i32>} : memref<112x128xf32, #tpu.memory_space<vmem>>, vector<16xf32>,
          tpu.vector_store %arg13[%swap3A_273, %swap3A_274], %max3A_232 {strides = array<i32>} : memref<112x128xf32, #tpu.memory_space<vmem>>, vector<16xf32>,
          %swap3A_276 = arith.index_cast %while3A_184 : i32 to index
          %swap3A_277 = arith.constant 96 : index
          %swap3A_278 = tpu.vector_load %arg13[%swap3A_276, %swap3A_277] {strides = array<i32>} : memref<112x128xf32, #tpu.memory_space<vmem>>, vector<16xf32>,
          tpu.vector_store %arg13[%swap3A_276, %swap3A_277], %max3A_238 {strides = array<i32>} : memref<112x128xf32, #tpu.memory_space<vmem>>, vector<16xf32>,
          %swap3A_279 = arith.index_cast %while3A_184 : i32 to index
          %swap3A_280 = arith.constant 112 : index
          %swap3A_281 = tpu.vector_load %arg13[%swap3A_279, %swap3A_280] {strides = array<i32>} : memref<112x128xf32, #tpu.memory_space<vmem>>, vector<16xf32>,
          tpu.vector_store %arg13[%swap3A_279, %swap3A_280], %max3A_244 {strides = array<i32>} : memref<112x128xf32, #tpu.memory_space<vmem>>, vector<16xf32>,
          %swap3A_282 = arith.index_cast %while3A_184 : i32 to index
          %swap3A_283 = arith.constant 0 : index
          %swap3A_284 = tpu.vector_load %arg14[%swap3A_282, %swap3A_283] {strides = array<i32>} : memref<112x16xf32, #tpu.memory_space<vmem>>, vector<16xf32>,
          tpu.vector_store %arg14[%swap3A_282, %swap3A_283], %add3A_250 {strides = array<i32>} : memref<112x16xf32, #tpu.memory_space<vmem>>, vector<16xf32>,
          %add3A_285 = arith.constant 1 : i32
          %add3A_286 = arith.addi %while3A_183, %add3A_285 : i32
          %add3A_287 = arith.constant 1 : i32
          %add3A_288 = arith.addi %while3A_185, %add3A_287 : i32
          %eq3A_289 = arith.constant 56 : i32
          %eq3A_290 = arith.cmpi eq, %add3A_288, %eq3A_289 : i32
          %convert_element_type3A_291 = arith.extui %eq3A_290 : i1 to i32
          %cond3A_292 = arith.constant 0 : i32
          %cond3A_293 = arith.cmpi ne, %convert_element_type3A_291, %cond3A_292 : i32
          scf.if %cond3A_293 {
            %add3A_315 = arith.constant 1 : i32
            %add3A_316 = arith.addi %while3A_184, %add3A_315 : i32
            %sub3A_317 = arith.constant 56 : i32
            %sub3A_318 = arith.subi %add3A_316, %sub3A_317 : i32
            "tpu.region"() ({
              %run_scoped3A_319 = tpu.sem_alloc : memref<!tpu.dma_semaphore, #tpu.memory_space<semaphore_mem>>
              %dma_start3A_320 = arith.constant 0 : i32
              %dma_start3A_321 = tpu.memref_slice %arg13[%sub3A_318, %dma_start3A_320] : memref<112x128xf32, #tpu.memory_space<vmem>> -> memref<56x128xf32, #tpu.memory_space<vmem>>
              %dma_start3A_322 = arith.constant 0 : i32
              %dma_start3A_323 = tpu.memref_slice %arg6[%while3A_186, %dma_start3A_322] : memref<25088x128xf32, #tpu.memory_space<hbm>> -> memref<56x128xf32, #tpu.memory_space<hbm>>
              %dma_start3A_324 = arith.constant 0 : i32
              %dma_start3A_325 = tpu.memref_slice %arg6[%while3A_186, %dma_start3A_324] : memref<25088x128xf32, #tpu.memory_space<hbm>> -> memref<56x128xf32, #tpu.memory_space<hbm>>
              %dma_start3A_326 = arith.constant 0 : i32
              %dma_start3A_327 = tpu.memref_slice %arg13[%sub3A_318, %dma_start3A_326] : memref<112x128xf32, #tpu.memory_space<vmem>> -> memref<56x128xf32, #tpu.memory_space<vmem>>
              tpu.enqueue_dma source(%dma_start3A_327 : memref<56x128xf32, #tpu.memory_space<vmem>>) target(%dma_start3A_325 : memref<56x128xf32, #tpu.memory_space<hbm>>) target_semaphore(%run_scoped3A_319 : memref<!tpu.dma_semaphore, #tpu.memory_space<semaphore_mem>>)
              %dma_wait3A_328 = arith.constant 0 : i32
              %dma_wait3A_329 = tpu.memref_slice %arg13[%sub3A_318, %dma_wait3A_328] : memref<112x128xf32, #tpu.memory_space<vmem>> -> memref<56x128xf32, #tpu.memory_space<vmem>>
              %dma_wait3A_330 = arith.constant 0 : i32
              %dma_wait3A_331 = tpu.memref_slice %arg6[%while3A_186, %dma_wait3A_330] : memref<25088x128xf32, #tpu.memory_space<hbm>> -> memref<56x128xf32, #tpu.memory_space<hbm>>
              %dma_wait3A_332 = arith.constant 0 : i32
              %dma_wait3A_333 = tpu.memref_slice %arg6[%while3A_186, %dma_wait3A_332] : memref<25088x128xf32, #tpu.memory_space<hbm>> -> memref<56x128xf32, #tpu.memory_space<hbm>>
              %dma_wait3A_334 = arith.constant 0 : i32
              %dma_wait3A_335 = tpu.memref_slice %arg13[%sub3A_318, %dma_wait3A_334] : memref<112x128xf32, #tpu.memory_space<vmem>> -> memref<56x128xf32, #tpu.memory_space<vmem>>
              tpu.wait_dma2 semaphore(%run_scoped3A_319 : memref<!tpu.dma_semaphore, #tpu.memory_space<semaphore_mem>>) src(%dma_wait3A_335 : memref<56x128xf32, #tpu.memory_space<vmem>>) dst(%dma_wait3A_333 : memref<56x128xf32, #tpu.memory_space<hbm>>)
              tpu.yield
            }) : () -> ()
            "tpu.region"() ({
              %run_scoped3A_319 = tpu.sem_alloc : memref<!tpu.dma_semaphore, #tpu.memory_space<semaphore_mem>>
              %dma_start3A_320 = arith.constant 0 : i32
              %dma_start3A_321 = tpu.memref_slice %arg14[%sub3A_318, %dma_start3A_320] : memref<112x16xf32, #tpu.memory_space<vmem>> -> memref<56x16xf32, #tpu.memory_space<vmem>>
              %dma_start3A_322 = arith.constant 0 : i32
              %dma_start3A_323 = tpu.memref_slice %arg7[%while3A_186, %dma_start3A_322] : memref<25088x16xf32, #tpu.memory_space<hbm>> -> memref<56x16xf32, #tpu.memory_space<hbm>>
              %dma_start3A_324 = arith.constant 0 : i32
              %dma_start3A_325 = tpu.memref_slice %arg7[%while3A_186, %dma_start3A_324] : memref<25088x16xf32, #tpu.memory_space<hbm>> -> memref<56x16xf32, #tpu.memory_space<hbm>>
              %dma_start3A_326 = arith.constant 0 : i32
              %dma_start3A_327 = tpu.memref_slice %arg14[%sub3A_318, %dma_start3A_326] : memref<112x16xf32, #tpu.memory_space<vmem>> -> memref<56x16xf32, #tpu.memory_space<vmem>>
              tpu.enqueue_dma source(%dma_start3A_327 : memref<56x16xf32, #tpu.memory_space<vmem>>) target(%dma_start3A_325 : memref<56x16xf32, #tpu.memory_space<hbm>>) target_semaphore(%run_scoped3A_319 : memref<!tpu.dma_semaphore, #tpu.memory_space<semaphore_mem>>)
              %dma_wait3A_328 = arith.constant 0 : i32
              %dma_wait3A_329 = tpu.memref_slice %arg14[%sub3A_318, %dma_wait3A_328] : memref<112x16xf32, #tpu.memory_space<vmem>> -> memref<56x16xf32, #tpu.memory_space<vmem>>
              %dma_wait3A_330 = arith.constant 0 : i32
              %dma_wait3A_331 = tpu.memref_slice %arg7[%while3A_186, %dma_wait3A_330] : memref<25088x16xf32, #tpu.memory_space<hbm>> -> memref<56x16xf32, #tpu.memory_space<hbm>>
              %dma_wait3A_332 = arith.constant 0 : i32
              %dma_wait3A_333 = tpu.memref_slice %arg7[%while3A_186, %dma_wait3A_332] : memref<25088x16xf32, #tpu.memory_space<hbm>> -> memref<56x16xf32, #tpu.memory_space<hbm>>
              %dma_wait3A_334 = arith.constant 0 : i32
              %dma_wait3A_335 = tpu.memref_slice %arg14[%sub3A_318, %dma_wait3A_334] : memref<112x16xf32, #tpu.memory_space<vmem>> -> memref<56x16xf32, #tpu.memory_space<vmem>>
              tpu.wait_dma2 semaphore(%run_scoped3A_319 : memref<!tpu.dma_semaphore, #tpu.memory_space<semaphore_mem>>) src(%dma_wait3A_335 : memref<56x16xf32, #tpu.memory_space<vmem>>) dst(%dma_wait3A_333 : memref<56x16xf32, #tpu.memory_space<hbm>>)
              tpu.yield
            }) : () -> ()
          } else {
          }
          %add3A_294 = arith.constant 1 : i32
          %add3A_295 = arith.addi %while3A_184, %add3A_294 : i32
          %eq3A_296 = arith.constant 112 : i32
          %eq3A_297 = arith.cmpi eq, %add3A_295, %eq3A_296 : i32
          %add3A_298 = arith.constant 1 : i32
          %add3A_299 = arith.addi %while3A_184, %add3A_298 : i32
          %jit3A_300 = arith.constant 0 : i32
          %select_n3A_301 = arith.select %eq3A_297, %jit3A_300, %add3A_299 : i32
          %jit3A_302 = arith.constant 0 : i32
          %select_n3A_303 = arith.select %eq3A_290, %jit3A_302, %add3A_288 : i32
          %add3A_304 = arith.constant 56 : i32
          %add3A_305 = arith.addi %while3A_186, %add3A_304 : i32
          %select_n3A_306 = arith.select %eq3A_290, %add3A_305, %while3A_186 : i32
          %add3A_307 = arith.constant 1 : i32
          %add3A_308 = arith.addi %add3A_286, %add3A_307 : i32
          %get3A_309 = arith.index_cast %add3A_308 : i32 to index
          %get3A_310 = memref.load %arg11[%get3A_309] : memref<808xi32, #tpu.memory_space<smem>>
          %broadcast_in_dim3A_311 = arith.constant -3.40282347E+38 : f32
          %broadcast_in_dim3A_312 = vector.broadcast %broadcast_in_dim3A_311 : f32 to vector<16xf32>
          %broadcast_in_dim3A_313 = arith.constant 0.000000e+00 : f32
          %broadcast_in_dim3A_314 = vector.broadcast %broadcast_in_dim3A_313 : f32 to vector<16xf32>
          scf.yield %add3A_286, %select_n3A_301, %select_n3A_303, %select_n3A_306, %get3A_310, %broadcast_in_dim3A_314, %broadcast_in_dim3A_312, %broadcast_in_dim3A_312, %broadcast_in_dim3A_312, %broadcast_in_dim3A_312, %broadcast_in_dim3A_312, %broadcast_in_dim3A_312, %broadcast_in_dim3A_312, %broadcast_in_dim3A_312 : i32, i32, i32, i32, i32, vector<16xf32>, vector<16xf32>, vector<16xf32>, vector<16xf32>, vector<16xf32>, vector<16xf32>, vector<16xf32>, vector<16xf32>, vector<16xf32>
        } else {
          scf.yield %while3A_183, %while3A_184, %while3A_185, %while3A_186, %while3A_187, %add3A_250, %max3A_202, %max3A_208, %max3A_214, %max3A_220, %max3A_226, %max3A_232, %max3A_238, %max3A_244 : i32, i32, i32, i32, i32, vector<16xf32>, vector<16xf32>, vector<16xf32>, vector<16xf32>, vector<16xf32>, vector<16xf32>, vector<16xf32>, vector<16xf32>, vector<16xf32>
        }
        scf.yield %cond3A_258#0, %cond3A_258#1, %cond3A_258#2, %cond3A_258#3, %cond3A_258#4, %cond3A_258#5, %cond3A_258#6, %cond3A_258#7, %cond3A_258#8, %cond3A_258#9, %cond3A_258#10, %cond3A_258#11, %cond3A_258#12, %cond3A_258#13 : i32, i32, i32, i32, i32, vector<16xf32>, vector<16xf32>, vector<16xf32>, vector<16xf32>, vector<16xf32>, vector<16xf32>, vector<16xf32>, vector<16xf32>, vector<16xf32>
      }
      %add3A_152 = arith.constant 2 : i32
      %add3A_153 = arith.addi %mul3A_99, %add3A_152 : i32
      %lt3A_154 = arith.cmpi slt, %add3A_153, %sub3A_14 : i32
      %convert_element_type3A_155 = arith.extui %lt3A_154 : i1 to i32
      %cond3A_156 = arith.constant 0 : i32
      %cond3A_157 = arith.cmpi ne, %convert_element_type3A_155, %cond3A_156 : i32
      scf.if %cond3A_157 {
        %add3A_182 = arith.constant 2 : i32
        %add3A_183 = arith.addi %mul3A_99, %add3A_182 : i32
        %add3A_184 = arith.addi %shift_right_logical3A_8, %add3A_183 : i32
        %mul3A_185 = arith.constant 128 : i32
        %mul3A_186 = arith.muli %add3A_184, %mul3A_185 : i32
        %run_scoped3A_187 = arith.constant 0 : i32
        "tpu.region"() ({
          %run_scoped3A_212 = tpu.sem_alloc : memref<!tpu.dma_semaphore, #tpu.memory_space<semaphore_mem>>
          %dma_start3A_213 = arith.constant 0 : i32
          %dma_start3A_214 = tpu.memref_slice %arg8[%run_scoped3A_187, %dma_start3A_213] : memref<2x128xi32, #tpu.memory_space<vmem>> -> memref<1x128xi32, #tpu.memory_space<vmem>>
          %dma_start3A_215 = tpu.memref_squeeze %dma_start3A_214 : memref<1x128xi32, #tpu.memory_space<vmem>> -> memref<128xi32, #tpu.memory_space<vmem>>
          %dma_start3A_216 = tpu.memref_slice %arg4[%mul3A_186] : memref<100096xi32, #tpu.memory_space<hbm>> -> memref<128xi32, #tpu.memory_space<hbm>>
          %dma_start3A_217 = arith.constant 0 : i32
          %dma_start3A_218 = tpu.memref_slice %arg8[%run_scoped3A_187, %dma_start3A_217] : memref<2x128xi32, #tpu.memory_space<vmem>> -> memref<1x128xi32, #tpu.memory_space<vmem>>
          %dma_start3A_219 = tpu.memref_squeeze %dma_start3A_218 : memref<1x128xi32, #tpu.memory_space<vmem>> -> memref<128xi32, #tpu.memory_space<vmem>>
          %dma_start3A_220 = tpu.memref_slice %arg4[%mul3A_186] : memref<100096xi32, #tpu.memory_space<hbm>> -> memref<128xi32, #tpu.memory_space<hbm>>
          tpu.enqueue_dma source(%dma_start3A_220 : memref<128xi32, #tpu.memory_space<hbm>>) target(%dma_start3A_219 : memref<128xi32, #tpu.memory_space<vmem>>) target_semaphore(%run_scoped3A_212 : memref<!tpu.dma_semaphore, #tpu.memory_space<semaphore_mem>>)
          %dma_wait3A_221 = arith.constant 0 : i32
          %dma_wait3A_222 = tpu.memref_slice %arg8[%run_scoped3A_187, %dma_wait3A_221] : memref<2x128xi32, #tpu.memory_space<vmem>> -> memref<1x128xi32, #tpu.memory_space<vmem>>
          %dma_wait3A_223 = tpu.memref_squeeze %dma_wait3A_222 : memref<1x128xi32, #tpu.memory_space<vmem>> -> memref<128xi32, #tpu.memory_space<vmem>>
          %dma_wait3A_224 = tpu.memref_slice %arg4[%mul3A_186] : memref<100096xi32, #tpu.memory_space<hbm>> -> memref<128xi32, #tpu.memory_space<hbm>>
          %dma_wait3A_225 = arith.constant 0 : i32
          %dma_wait3A_226 = tpu.memref_slice %arg8[%run_scoped3A_187, %dma_wait3A_225] : memref<2x128xi32, #tpu.memory_space<vmem>> -> memref<1x128xi32, #tpu.memory_space<vmem>>
          %dma_wait3A_227 = tpu.memref_squeeze %dma_wait3A_226 : memref<1x128xi32, #tpu.memory_space<vmem>> -> memref<128xi32, #tpu.memory_space<vmem>>
          %dma_wait3A_228 = tpu.memref_slice %arg4[%mul3A_186] : memref<100096xi32, #tpu.memory_space<hbm>> -> memref<128xi32, #tpu.memory_space<hbm>>
          tpu.wait_dma2 semaphore(%run_scoped3A_212 : memref<!tpu.dma_semaphore, #tpu.memory_space<semaphore_mem>>) src(%dma_wait3A_228 : memref<128xi32, #tpu.memory_space<hbm>>) dst(%dma_wait3A_227 : memref<128xi32, #tpu.memory_space<vmem>>)
          tpu.yield
        }) : () -> ()
        %dma_start3A_188 = arith.constant 0 : i32
        %dma_start3A_189 = arith.constant 0 : i32
        %dma_start3A_190 = arith.constant 0 : i32
        %dma_start3A_191 = arith.constant 0 : i32
        %dma_start3A_192 = tpu.memref_slice %arg9[%dma_start3A_189, %dma_start3A_190, %dma_start3A_191] : memref<2x128x128xf32, #tpu.memory_space<vmem>> -> memref<1x128x128xf32, #tpu.memory_space<vmem>>
        %dma_start3A_193 = tpu.memref_squeeze %dma_start3A_192 : memref<1x128x128xf32, #tpu.memory_space<vmem>> -> memref<128x128xf32, #tpu.memory_space<vmem>>
        %dma_start3A_194 = arith.constant 0 : i32
        %dma_start3A_195 = tpu.memref_slice %arg8[%dma_start3A_188, %dma_start3A_194] : memref<2x128xi32, #tpu.memory_space<vmem>> -> memref<1x128xi32, #tpu.memory_space<vmem>>
        %dma_start3A_196 = tpu.memref_squeeze %dma_start3A_195 : memref<1x128xi32, #tpu.memory_space<vmem>> -> memref<128xi32, #tpu.memory_space<vmem>>
        %dma_start3A_197 = arith.constant 0 : i32
        %dma_start3A_198 = arith.constant 0 : i32
        %dma_start3A_199 = tpu.memref_slice %arg2[%dma_start3A_197, %dma_start3A_198] : memref<100000x128xf32, #tpu.memory_space<hbm>> -> memref<100000x128xf32, #tpu.memory_space<hbm>>
        tpu.enqueue_indirect_dma source(%dma_start3A_199 : memref<100000x128xf32, #tpu.memory_space<hbm>>) target(%dma_start3A_193 : memref<128x128xf32, #tpu.memory_space<vmem>>) offsets(%dma_start3A_196 : memref<128xi32, #tpu.memory_space<vmem>>) semaphore(%arg15 : memref<!tpu.dma_semaphore, #tpu.memory_space<semaphore_mem>>)
        %dma_start3A_200 = arith.constant 0 : i32
        %dma_start3A_201 = arith.constant 0 : i32
        %dma_start3A_202 = arith.constant 0 : i32
        %dma_start3A_203 = arith.constant 0 : i32
        %dma_start3A_204 = tpu.memref_slice %arg10[%dma_start3A_201, %dma_start3A_202, %dma_start3A_203] : memref<2x128x16xf32, #tpu.memory_space<vmem>> -> memref<1x128x16xf32, #tpu.memory_space<vmem>>
        %dma_start3A_205 = tpu.memref_squeeze %dma_start3A_204 : memref<1x128x16xf32, #tpu.memory_space<vmem>> -> memref<128x16xf32, #tpu.memory_space<vmem>>
        %dma_start3A_206 = arith.constant 0 : i32
        %dma_start3A_207 = tpu.memref_slice %arg8[%dma_start3A_200, %dma_start3A_206] : memref<2x128xi32, #tpu.memory_space<vmem>> -> memref<1x128xi32, #tpu.memory_space<vmem>>
        %dma_start3A_208 = tpu.memref_squeeze %dma_start3A_207 : memref<1x128xi32, #tpu.memory_space<vmem>> -> memref<128xi32, #tpu.memory_space<vmem>>
        %dma_start3A_209 = arith.constant 0 : i32
        %dma_start3A_210 = arith.constant 0 : i32
        %dma_start3A_211 = tpu.memref_slice %arg3[%dma_start3A_209, %dma_start3A_210] : memref<100000x16xf32, #tpu.memory_space<hbm>> -> memref<100000x16xf32, #tpu.memory_space<hbm>>
        tpu.enqueue_indirect_dma source(%dma_start3A_211 : memref<100000x16xf32, #tpu.memory_space<hbm>>) target(%dma_start3A_205 : memref<128x16xf32, #tpu.memory_space<vmem>>) offsets(%dma_start3A_208 : memref<128xi32, #tpu.memory_space<vmem>>) semaphore(%arg17 : memref<!tpu.dma_semaphore, #tpu.memory_space<semaphore_mem>>)
      } else {
      }
      %lt3A_158 = arith.cmpi slt, %add3A_101, %sub3A_14 : i32
      %convert_element_type3A_159 = arith.extui %lt3A_158 : i1 to i32
      %cond3A_160 = arith.constant 0 : i32
      %cond3A_161 = arith.cmpi ne, %convert_element_type3A_159, %cond3A_160 : i32
      scf.if %cond3A_161 {
        %dma_wait3A_182 = arith.constant 1 : i32
        %dma_wait3A_183 = arith.constant 0 : i32
        %dma_wait3A_184 = arith.constant 0 : i32
        %dma_wait3A_185 = tpu.memref_slice %arg9[%dma_wait3A_182, %dma_wait3A_183, %dma_wait3A_184] : memref<2x128x128xf32, #tpu.memory_space<vmem>> -> memref<1x128x128xf32, #tpu.memory_space<vmem>>
        %dma_wait3A_186 = tpu.memref_squeeze %dma_wait3A_185 : memref<1x128x128xf32, #tpu.memory_space<vmem>> -> memref<128x128xf32, #tpu.memory_space<vmem>>
        %dma_wait3A_187 = arith.constant 0 : i32
        %dma_wait3A_188 = arith.constant 0 : i32
        %dma_wait3A_189 = tpu.memref_slice %arg2[%dma_wait3A_187, %dma_wait3A_188] : memref<100000x128xf32, #tpu.memory_space<hbm>> -> memref<128x128xf32, #tpu.memory_space<hbm>>
        %dma_wait3A_190 = arith.constant 0 : i32
        %dma_wait3A_191 = arith.constant 0 : i32
        %dma_wait3A_192 = tpu.memref_slice %arg9[%dma_wait3A_182, %dma_wait3A_190, %dma_wait3A_191] : memref<2x128x128xf32, #tpu.memory_space<vmem>> -> memref<1x128x128xf32, #tpu.memory_space<vmem>>
        %dma_wait3A_193 = tpu.memref_squeeze %dma_wait3A_192 : memref<1x128x128xf32, #tpu.memory_space<vmem>> -> memref<128x128xf32, #tpu.memory_space<vmem>>
        %dma_wait3A_194 = arith.constant 0 : i32
        %dma_wait3A_195 = arith.constant 0 : i32
        %dma_wait3A_196 = tpu.memref_slice %arg2[%dma_wait3A_194, %dma_wait3A_195] : memref<100000x128xf32, #tpu.memory_space<hbm>> -> memref<128x128xf32, #tpu.memory_space<hbm>>
        tpu.wait_dma2 semaphore(%arg16 : memref<!tpu.dma_semaphore, #tpu.memory_space<semaphore_mem>>) src(%dma_wait3A_196 : memref<128x128xf32, #tpu.memory_space<hbm>>) dst(%dma_wait3A_193 : memref<128x128xf32, #tpu.memory_space<vmem>>)
        %dma_wait3A_197 = arith.constant 1 : i32
        %dma_wait3A_198 = arith.constant 0 : i32
        %dma_wait3A_199 = arith.constant 0 : i32
        %dma_wait3A_200 = tpu.memref_slice %arg10[%dma_wait3A_197, %dma_wait3A_198, %dma_wait3A_199] : memref<2x128x16xf32, #tpu.memory_space<vmem>> -> memref<1x128x16xf32, #tpu.memory_space<vmem>>
        %dma_wait3A_201 = tpu.memref_squeeze %dma_wait3A_200 : memref<1x128x16xf32, #tpu.memory_space<vmem>> -> memref<128x16xf32, #tpu.memory_space<vmem>>
        %dma_wait3A_202 = arith.constant 0 : i32
        %dma_wait3A_203 = arith.constant 0 : i32
        %dma_wait3A_204 = tpu.memref_slice %arg3[%dma_wait3A_202, %dma_wait3A_203] : memref<100000x16xf32, #tpu.memory_space<hbm>> -> memref<128x16xf32, #tpu.memory_space<hbm>>
        %dma_wait3A_205 = arith.constant 0 : i32
        %dma_wait3A_206 = arith.constant 0 : i32
        %dma_wait3A_207 = tpu.memref_slice %arg10[%dma_wait3A_197, %dma_wait3A_205, %dma_wait3A_206] : memref<2x128x16xf32, #tpu.memory_space<vmem>> -> memref<1x128x16xf32, #tpu.memory_space<vmem>>
        %dma_wait3A_208 = tpu.memref_squeeze %dma_wait3A_207 : memref<1x128x16xf32, #tpu.memory_space<vmem>> -> memref<128x16xf32, #tpu.memory_space<vmem>>
        %dma_wait3A_209 = arith.constant 0 : i32
        %dma_wait3A_210 = arith.constant 0 : i32
        %dma_wait3A_211 = tpu.memref_slice %arg3[%dma_wait3A_209, %dma_wait3A_210] : memref<100000x16xf32, #tpu.memory_space<hbm>> -> memref<128x16xf32, #tpu.memory_space<hbm>>
        tpu.wait_dma2 semaphore(%arg18 : memref<!tpu.dma_semaphore, #tpu.memory_space<semaphore_mem>>) src(%dma_wait3A_211 : memref<128x16xf32, #tpu.memory_space<hbm>>) dst(%dma_wait3A_208 : memref<128x16xf32, #tpu.memory_space<vmem>>)
      } else {
      }
      %add3A_162 = arith.addi %shift_right_logical3A_8, %add3A_101 : i32
      %mul3A_163 = arith.constant 128 : i32
      %mul3A_164 = arith.muli %add3A_162, %mul3A_163 : i32
      %sub3A_165 = arith.subi %get3A_4, %mul3A_164 : i32
      %max3A_166 = arith.constant 0 : i32
      %max3A_167 = arith.maxsi %sub3A_165, %max3A_166 : i32
      %sub3A_168 = arith.subi %get3A_7, %mul3A_164 : i32
      %min3A_169 = arith.constant 128 : i32
      %min3A_170 = arith.minsi %sub3A_168, %min3A_169 : i32
      %max3A_171 = arith.maxsi %max3A_167, %min3A_170 : i32
      %while3A_172 = arith.subi %max3A_171, %max3A_167 : i32
      %while3A_173 = arith.addi %max3A_167, %while3A_172 : i32
      %while3A_174 = arith.constant 1 : i32
      %while3A_175 = arith.divsi %while3A_172, %while3A_174 : i32
      %while3A_176 = arith.muli %while3A_175, %while3A_174 : i32
      %while3A_177 = arith.addi %max3A_167, %while3A_176 : i32
      %while3A_178 = arith.constant 1 : i32
      %while3A_179:14 = scf.for %while3A_182 = %max3A_167 to %while3A_177 step %while3A_178 iter_args(%while3A_183 = %while3A_151#0, %while3A_184 = %while3A_151#1, %while3A_185 = %while3A_151#2, %while3A_186 = %while3A_151#3, %while3A_187 = %while3A_151#4, %while3A_188 = %while3A_151#5, %while3A_189 = %while3A_151#6, %while3A_190 = %while3A_151#7, %while3A_191 = %while3A_151#8, %while3A_192 = %while3A_151#9, %while3A_193 = %while3A_151#10, %while3A_194 = %while3A_151#11, %while3A_195 = %while3A_151#12, %while3A_196 = %while3A_151#13) -> (i32, i32, i32, i32, i32, vector<16xf32>, vector<16xf32>, vector<16xf32>, vector<16xf32>, vector<16xf32>, vector<16xf32>, vector<16xf32>, vector<16xf32>, vector<16xf32>)  : i32 {
        %get3A_197 = arith.constant 1 : i32
        %get3A_198 = arith.index_cast %get3A_197 : i32 to index
        %get3A_199 = arith.index_cast %while3A_182 : i32 to index
        %get3A_200 = arith.constant 0 : index
        %get3A_201 = tpu.vector_load %arg9[%get3A_198, %get3A_199, %get3A_200] {strides = array<i32>} : memref<2x128x128xf32, #tpu.memory_space<vmem>>, vector<16xf32>,
        %max3A_202 = arith.maximumf %while3A_189, %get3A_201 : vector<16xf32>
        %get3A_203 = arith.constant 1 : i32
        %get3A_204 = arith.index_cast %get3A_203 : i32 to index
        %get3A_205 = arith.index_cast %while3A_182 : i32 to index
        %get3A_206 = arith.constant 16 : index
        %get3A_207 = tpu.vector_load %arg9[%get3A_204, %get3A_205, %get3A_206] {strides = array<i32>} : memref<2x128x128xf32, #tpu.memory_space<vmem>>, vector<16xf32>,
        %max3A_208 = arith.maximumf %while3A_190, %get3A_207 : vector<16xf32>
        %get3A_209 = arith.constant 1 : i32
        %get3A_210 = arith.index_cast %get3A_209 : i32 to index
        %get3A_211 = arith.index_cast %while3A_182 : i32 to index
        %get3A_212 = arith.constant 32 : index
        %get3A_213 = tpu.vector_load %arg9[%get3A_210, %get3A_211, %get3A_212] {strides = array<i32>} : memref<2x128x128xf32, #tpu.memory_space<vmem>>, vector<16xf32>,
        %max3A_214 = arith.maximumf %while3A_191, %get3A_213 : vector<16xf32>
        %get3A_215 = arith.constant 1 : i32
        %get3A_216 = arith.index_cast %get3A_215 : i32 to index
        %get3A_217 = arith.index_cast %while3A_182 : i32 to index
        %get3A_218 = arith.constant 48 : index
        %get3A_219 = tpu.vector_load %arg9[%get3A_216, %get3A_217, %get3A_218] {strides = array<i32>} : memref<2x128x128xf32, #tpu.memory_space<vmem>>, vector<16xf32>,
        %max3A_220 = arith.maximumf %while3A_192, %get3A_219 : vector<16xf32>
        %get3A_221 = arith.constant 1 : i32
        %get3A_222 = arith.index_cast %get3A_221 : i32 to index
        %get3A_223 = arith.index_cast %while3A_182 : i32 to index
        %get3A_224 = arith.constant 64 : index
        %get3A_225 = tpu.vector_load %arg9[%get3A_222, %get3A_223, %get3A_224] {strides = array<i32>} : memref<2x128x128xf32, #tpu.memory_space<vmem>>, vector<16xf32>,
        %max3A_226 = arith.maximumf %while3A_193, %get3A_225 : vector<16xf32>
        %get3A_227 = arith.constant 1 : i32
        %get3A_228 = arith.index_cast %get3A_227 : i32 to index
        %get3A_229 = arith.index_cast %while3A_182 : i32 to index
        %get3A_230 = arith.constant 80 : index
        %get3A_231 = tpu.vector_load %arg9[%get3A_228, %get3A_229, %get3A_230] {strides = array<i32>} : memref<2x128x128xf32, #tpu.memory_space<vmem>>, vector<16xf32>,
        %max3A_232 = arith.maximumf %while3A_194, %get3A_231 : vector<16xf32>
        %get3A_233 = arith.constant 1 : i32
        %get3A_234 = arith.index_cast %get3A_233 : i32 to index
        %get3A_235 = arith.index_cast %while3A_182 : i32 to index
        %get3A_236 = arith.constant 96 : index
        %get3A_237 = tpu.vector_load %arg9[%get3A_234, %get3A_235, %get3A_236] {strides = array<i32>} : memref<2x128x128xf32, #tpu.memory_space<vmem>>, vector<16xf32>,
        %max3A_238 = arith.maximumf %while3A_195, %get3A_237 : vector<16xf32>
        %get3A_239 = arith.constant 1 : i32
        %get3A_240 = arith.index_cast %get3A_239 : i32 to index
        %get3A_241 = arith.index_cast %while3A_182 : i32 to index
        %get3A_242 = arith.constant 112 : index
        %get3A_243 = tpu.vector_load %arg9[%get3A_240, %get3A_241, %get3A_242] {strides = array<i32>} : memref<2x128x128xf32, #tpu.memory_space<vmem>>, vector<16xf32>,
        %max3A_244 = arith.maximumf %while3A_196, %get3A_243 : vector<16xf32>
        %get3A_245 = arith.constant 1 : i32
        %get3A_246 = arith.index_cast %get3A_245 : i32 to index
        %get3A_247 = arith.index_cast %while3A_182 : i32 to index
        %get3A_248 = arith.constant 0 : index
        %get3A_249 = tpu.vector_load %arg10[%get3A_246, %get3A_247, %get3A_248] {strides = array<i32>} : memref<2x128x16xf32, #tpu.memory_space<vmem>>, vector<16xf32>,
        %add3A_250 = arith.addf %while3A_188, %get3A_249 : vector<16xf32>
        %add3A_251 = arith.addi %mul3A_164, %while3A_182 : i32
        %add3A_252 = arith.constant 1 : i32
        %add3A_253 = arith.addi %add3A_251, %add3A_252 : i32
        %eq3A = arith.cmpi eq, %add3A_253, %while3A_187 : i32
        %convert_element_type3A_254 = arith.extui %eq3A : i1 to i32
        %cond3A_255 = arith.constant 0 : i32
        %cond3A_256 = arith.constant 0 : i32
        %cond3A_257 = arith.cmpi ne, %convert_element_type3A_254, %cond3A_256 : i32
        %cond3A_258:14 = scf.if %cond3A_257 -> (i32, i32, i32, i32, i32, vector<16xf32>, vector<16xf32>, vector<16xf32>, vector<16xf32>, vector<16xf32>, vector<16xf32>, vector<16xf32>, vector<16xf32>, vector<16xf32>) {
          %swap3A = arith.index_cast %while3A_184 : i32 to index
          %swap3A_259 = arith.constant 0 : index
          %swap3A_260 = tpu.vector_load %arg13[%swap3A, %swap3A_259] {strides = array<i32>} : memref<112x128xf32, #tpu.memory_space<vmem>>, vector<16xf32>,
          tpu.vector_store %arg13[%swap3A, %swap3A_259], %max3A_202 {strides = array<i32>} : memref<112x128xf32, #tpu.memory_space<vmem>>, vector<16xf32>,
          %swap3A_261 = arith.index_cast %while3A_184 : i32 to index
          %swap3A_262 = arith.constant 16 : index
          %swap3A_263 = tpu.vector_load %arg13[%swap3A_261, %swap3A_262] {strides = array<i32>} : memref<112x128xf32, #tpu.memory_space<vmem>>, vector<16xf32>,
          tpu.vector_store %arg13[%swap3A_261, %swap3A_262], %max3A_208 {strides = array<i32>} : memref<112x128xf32, #tpu.memory_space<vmem>>, vector<16xf32>,
          %swap3A_264 = arith.index_cast %while3A_184 : i32 to index
          %swap3A_265 = arith.constant 32 : index
          %swap3A_266 = tpu.vector_load %arg13[%swap3A_264, %swap3A_265] {strides = array<i32>} : memref<112x128xf32, #tpu.memory_space<vmem>>, vector<16xf32>,
          tpu.vector_store %arg13[%swap3A_264, %swap3A_265], %max3A_214 {strides = array<i32>} : memref<112x128xf32, #tpu.memory_space<vmem>>, vector<16xf32>,
          %swap3A_267 = arith.index_cast %while3A_184 : i32 to index
          %swap3A_268 = arith.constant 48 : index
          %swap3A_269 = tpu.vector_load %arg13[%swap3A_267, %swap3A_268] {strides = array<i32>} : memref<112x128xf32, #tpu.memory_space<vmem>>, vector<16xf32>,
          tpu.vector_store %arg13[%swap3A_267, %swap3A_268], %max3A_220 {strides = array<i32>} : memref<112x128xf32, #tpu.memory_space<vmem>>, vector<16xf32>,
          %swap3A_270 = arith.index_cast %while3A_184 : i32 to index
          %swap3A_271 = arith.constant 64 : index
          %swap3A_272 = tpu.vector_load %arg13[%swap3A_270, %swap3A_271] {strides = array<i32>} : memref<112x128xf32, #tpu.memory_space<vmem>>, vector<16xf32>,
          tpu.vector_store %arg13[%swap3A_270, %swap3A_271], %max3A_226 {strides = array<i32>} : memref<112x128xf32, #tpu.memory_space<vmem>>, vector<16xf32>,
          %swap3A_273 = arith.index_cast %while3A_184 : i32 to index
          %swap3A_274 = arith.constant 80 : index
          %swap3A_275 = tpu.vector_load %arg13[%swap3A_273, %swap3A_274] {strides = array<i32>} : memref<112x128xf32, #tpu.memory_space<vmem>>, vector<16xf32>,
          tpu.vector_store %arg13[%swap3A_273, %swap3A_274], %max3A_232 {strides = array<i32>} : memref<112x128xf32, #tpu.memory_space<vmem>>, vector<16xf32>,
          %swap3A_276 = arith.index_cast %while3A_184 : i32 to index
          %swap3A_277 = arith.constant 96 : index
          %swap3A_278 = tpu.vector_load %arg13[%swap3A_276, %swap3A_277] {strides = array<i32>} : memref<112x128xf32, #tpu.memory_space<vmem>>, vector<16xf32>,
          tpu.vector_store %arg13[%swap3A_276, %swap3A_277], %max3A_238 {strides = array<i32>} : memref<112x128xf32, #tpu.memory_space<vmem>>, vector<16xf32>,
          %swap3A_279 = arith.index_cast %while3A_184 : i32 to index
          %swap3A_280 = arith.constant 112 : index
          %swap3A_281 = tpu.vector_load %arg13[%swap3A_279, %swap3A_280] {strides = array<i32>} : memref<112x128xf32, #tpu.memory_space<vmem>>, vector<16xf32>,
          tpu.vector_store %arg13[%swap3A_279, %swap3A_280], %max3A_244 {strides = array<i32>} : memref<112x128xf32, #tpu.memory_space<vmem>>, vector<16xf32>,
          %swap3A_282 = arith.index_cast %while3A_184 : i32 to index
          %swap3A_283 = arith.constant 0 : index
          %swap3A_284 = tpu.vector_load %arg14[%swap3A_282, %swap3A_283] {strides = array<i32>} : memref<112x16xf32, #tpu.memory_space<vmem>>, vector<16xf32>,
          tpu.vector_store %arg14[%swap3A_282, %swap3A_283], %add3A_250 {strides = array<i32>} : memref<112x16xf32, #tpu.memory_space<vmem>>, vector<16xf32>,
          %add3A_285 = arith.constant 1 : i32
          %add3A_286 = arith.addi %while3A_183, %add3A_285 : i32
          %add3A_287 = arith.constant 1 : i32
          %add3A_288 = arith.addi %while3A_185, %add3A_287 : i32
          %eq3A_289 = arith.constant 56 : i32
          %eq3A_290 = arith.cmpi eq, %add3A_288, %eq3A_289 : i32
          %convert_element_type3A_291 = arith.extui %eq3A_290 : i1 to i32
          %cond3A_292 = arith.constant 0 : i32
          %cond3A_293 = arith.cmpi ne, %convert_element_type3A_291, %cond3A_292 : i32
          scf.if %cond3A_293 {
            %add3A_315 = arith.constant 1 : i32
            %add3A_316 = arith.addi %while3A_184, %add3A_315 : i32
            %sub3A_317 = arith.constant 56 : i32
            %sub3A_318 = arith.subi %add3A_316, %sub3A_317 : i32
            "tpu.region"() ({
              %run_scoped3A_319 = tpu.sem_alloc : memref<!tpu.dma_semaphore, #tpu.memory_space<semaphore_mem>>
              %dma_start3A_320 = arith.constant 0 : i32
              %dma_start3A_321 = tpu.memref_slice %arg13[%sub3A_318, %dma_start3A_320] : memref<112x128xf32, #tpu.memory_space<vmem>> -> memref<56x128xf32, #tpu.memory_space<vmem>>
              %dma_start3A_322 = arith.constant 0 : i32
              %dma_start3A_323 = tpu.memref_slice %arg6[%while3A_186, %dma_start3A_322] : memref<25088x128xf32, #tpu.memory_space<hbm>> -> memref<56x128xf32, #tpu.memory_space<hbm>>
              %dma_start3A_324 = arith.constant 0 : i32
              %dma_start3A_325 = tpu.memref_slice %arg6[%while3A_186, %dma_start3A_324] : memref<25088x128xf32, #tpu.memory_space<hbm>> -> memref<56x128xf32, #tpu.memory_space<hbm>>
              %dma_start3A_326 = arith.constant 0 : i32
              %dma_start3A_327 = tpu.memref_slice %arg13[%sub3A_318, %dma_start3A_326] : memref<112x128xf32, #tpu.memory_space<vmem>> -> memref<56x128xf32, #tpu.memory_space<vmem>>
              tpu.enqueue_dma source(%dma_start3A_327 : memref<56x128xf32, #tpu.memory_space<vmem>>) target(%dma_start3A_325 : memref<56x128xf32, #tpu.memory_space<hbm>>) target_semaphore(%run_scoped3A_319 : memref<!tpu.dma_semaphore, #tpu.memory_space<semaphore_mem>>)
              %dma_wait3A_328 = arith.constant 0 : i32
              %dma_wait3A_329 = tpu.memref_slice %arg13[%sub3A_318, %dma_wait3A_328] : memref<112x128xf32, #tpu.memory_space<vmem>> -> memref<56x128xf32, #tpu.memory_space<vmem>>
              %dma_wait3A_330 = arith.constant 0 : i32
              %dma_wait3A_331 = tpu.memref_slice %arg6[%while3A_186, %dma_wait3A_330] : memref<25088x128xf32, #tpu.memory_space<hbm>> -> memref<56x128xf32, #tpu.memory_space<hbm>>
              %dma_wait3A_332 = arith.constant 0 : i32
              %dma_wait3A_333 = tpu.memref_slice %arg6[%while3A_186, %dma_wait3A_332] : memref<25088x128xf32, #tpu.memory_space<hbm>> -> memref<56x128xf32, #tpu.memory_space<hbm>>
              %dma_wait3A_334 = arith.constant 0 : i32
              %dma_wait3A_335 = tpu.memref_slice %arg13[%sub3A_318, %dma_wait3A_334] : memref<112x128xf32, #tpu.memory_space<vmem>> -> memref<56x128xf32, #tpu.memory_space<vmem>>
              tpu.wait_dma2 semaphore(%run_scoped3A_319 : memref<!tpu.dma_semaphore, #tpu.memory_space<semaphore_mem>>) src(%dma_wait3A_335 : memref<56x128xf32, #tpu.memory_space<vmem>>) dst(%dma_wait3A_333 : memref<56x128xf32, #tpu.memory_space<hbm>>)
              tpu.yield
            }) : () -> ()
            "tpu.region"() ({
              %run_scoped3A_319 = tpu.sem_alloc : memref<!tpu.dma_semaphore, #tpu.memory_space<semaphore_mem>>
              %dma_start3A_320 = arith.constant 0 : i32
              %dma_start3A_321 = tpu.memref_slice %arg14[%sub3A_318, %dma_start3A_320] : memref<112x16xf32, #tpu.memory_space<vmem>> -> memref<56x16xf32, #tpu.memory_space<vmem>>
              %dma_start3A_322 = arith.constant 0 : i32
              %dma_start3A_323 = tpu.memref_slice %arg7[%while3A_186, %dma_start3A_322] : memref<25088x16xf32, #tpu.memory_space<hbm>> -> memref<56x16xf32, #tpu.memory_space<hbm>>
              %dma_start3A_324 = arith.constant 0 : i32
              %dma_start3A_325 = tpu.memref_slice %arg7[%while3A_186, %dma_start3A_324] : memref<25088x16xf32, #tpu.memory_space<hbm>> -> memref<56x16xf32, #tpu.memory_space<hbm>>
              %dma_start3A_326 = arith.constant 0 : i32
              %dma_start3A_327 = tpu.memref_slice %arg14[%sub3A_318, %dma_start3A_326] : memref<112x16xf32, #tpu.memory_space<vmem>> -> memref<56x16xf32, #tpu.memory_space<vmem>>
              tpu.enqueue_dma source(%dma_start3A_327 : memref<56x16xf32, #tpu.memory_space<vmem>>) target(%dma_start3A_325 : memref<56x16xf32, #tpu.memory_space<hbm>>) target_semaphore(%run_scoped3A_319 : memref<!tpu.dma_semaphore, #tpu.memory_space<semaphore_mem>>)
              %dma_wait3A_328 = arith.constant 0 : i32
              %dma_wait3A_329 = tpu.memref_slice %arg14[%sub3A_318, %dma_wait3A_328] : memref<112x16xf32, #tpu.memory_space<vmem>> -> memref<56x16xf32, #tpu.memory_space<vmem>>
              %dma_wait3A_330 = arith.constant 0 : i32
              %dma_wait3A_331 = tpu.memref_slice %arg7[%while3A_186, %dma_wait3A_330] : memref<25088x16xf32, #tpu.memory_space<hbm>> -> memref<56x16xf32, #tpu.memory_space<hbm>>
              %dma_wait3A_332 = arith.constant 0 : i32
              %dma_wait3A_333 = tpu.memref_slice %arg7[%while3A_186, %dma_wait3A_332] : memref<25088x16xf32, #tpu.memory_space<hbm>> -> memref<56x16xf32, #tpu.memory_space<hbm>>
              %dma_wait3A_334 = arith.constant 0 : i32
              %dma_wait3A_335 = tpu.memref_slice %arg14[%sub3A_318, %dma_wait3A_334] : memref<112x16xf32, #tpu.memory_space<vmem>> -> memref<56x16xf32, #tpu.memory_space<vmem>>
              tpu.wait_dma2 semaphore(%run_scoped3A_319 : memref<!tpu.dma_semaphore, #tpu.memory_space<semaphore_mem>>) src(%dma_wait3A_335 : memref<56x16xf32, #tpu.memory_space<vmem>>) dst(%dma_wait3A_333 : memref<56x16xf32, #tpu.memory_space<hbm>>)
              tpu.yield
            }) : () -> ()
          } else {
          }
          %add3A_294 = arith.constant 1 : i32
          %add3A_295 = arith.addi %while3A_184, %add3A_294 : i32
          %eq3A_296 = arith.constant 112 : i32
          %eq3A_297 = arith.cmpi eq, %add3A_295, %eq3A_296 : i32
          %add3A_298 = arith.constant 1 : i32
          %add3A_299 = arith.addi %while3A_184, %add3A_298 : i32
          %jit3A_300 = arith.constant 0 : i32
          %select_n3A_301 = arith.select %eq3A_297, %jit3A_300, %add3A_299 : i32
          %jit3A_302 = arith.constant 0 : i32
          %select_n3A_303 = arith.select %eq3A_290, %jit3A_302, %add3A_288 : i32
          %add3A_304 = arith.constant 56 : i32
          %add3A_305 = arith.addi %while3A_186, %add3A_304 : i32
          %select_n3A_306 = arith.select %eq3A_290, %add3A_305, %while3A_186 : i32
          %add3A_307 = arith.constant 1 : i32
          %add3A_308 = arith.addi %add3A_286, %add3A_307 : i32
          %get3A_309 = arith.index_cast %add3A_308 : i32 to index
          %get3A_310 = memref.load %arg11[%get3A_309] : memref<808xi32, #tpu.memory_space<smem>>
          %broadcast_in_dim3A_311 = arith.constant -3.40282347E+38 : f32
          %broadcast_in_dim3A_312 = vector.broadcast %broadcast_in_dim3A_311 : f32 to vector<16xf32>
          %broadcast_in_dim3A_313 = arith.constant 0.000000e+00 : f32
          %broadcast_in_dim3A_314 = vector.broadcast %broadcast_in_dim3A_313 : f32 to vector<16xf32>
          scf.yield %add3A_286, %select_n3A_301, %select_n3A_303, %select_n3A_306, %get3A_310, %broadcast_in_dim3A_314, %broadcast_in_dim3A_312, %broadcast_in_dim3A_312, %broadcast_in_dim3A_312, %broadcast_in_dim3A_312, %broadcast_in_dim3A_312, %broadcast_in_dim3A_312, %broadcast_in_dim3A_312, %broadcast_in_dim3A_312 : i32, i32, i32, i32, i32, vector<16xf32>, vector<16xf32>, vector<16xf32>, vector<16xf32>, vector<16xf32>, vector<16xf32>, vector<16xf32>, vector<16xf32>, vector<16xf32>
        } else {
          scf.yield %while3A_183, %while3A_184, %while3A_185, %while3A_186, %while3A_187, %add3A_250, %max3A_202, %max3A_208, %max3A_214, %max3A_220, %max3A_226, %max3A_232, %max3A_238, %max3A_244 : i32, i32, i32, i32, i32, vector<16xf32>, vector<16xf32>, vector<16xf32>, vector<16xf32>, vector<16xf32>, vector<16xf32>, vector<16xf32>, vector<16xf32>, vector<16xf32>
        }
        scf.yield %cond3A_258#0, %cond3A_258#1, %cond3A_258#2, %cond3A_258#3, %cond3A_258#4, %cond3A_258#5, %cond3A_258#6, %cond3A_258#7, %cond3A_258#8, %cond3A_258#9, %cond3A_258#10, %cond3A_258#11, %cond3A_258#12, %cond3A_258#13 : i32, i32, i32, i32, i32, vector<16xf32>, vector<16xf32>, vector<16xf32>, vector<16xf32>, vector<16xf32>, vector<16xf32>, vector<16xf32>, vector<16xf32>, vector<16xf32>
      }
      %while3A_180 = arith.constant 1 : i32
      %while3A_181:14 = scf.for %while3A_182 = %while3A_177 to %while3A_173 step %while3A_180 iter_args(%while3A_183 = %while3A_179#0, %while3A_184 = %while3A_179#1, %while3A_185 = %while3A_179#2, %while3A_186 = %while3A_179#3, %while3A_187 = %while3A_179#4, %while3A_188 = %while3A_179#5, %while3A_189 = %while3A_179#6, %while3A_190 = %while3A_179#7, %while3A_191 = %while3A_179#8, %while3A_192 = %while3A_179#9, %while3A_193 = %while3A_179#10, %while3A_194 = %while3A_179#11, %while3A_195 = %while3A_179#12, %while3A_196 = %while3A_179#13) -> (i32, i32, i32, i32, i32, vector<16xf32>, vector<16xf32>, vector<16xf32>, vector<16xf32>, vector<16xf32>, vector<16xf32>, vector<16xf32>, vector<16xf32>, vector<16xf32>)  : i32 {
        %get3A_197 = arith.constant 1 : i32
        %get3A_198 = arith.index_cast %get3A_197 : i32 to index
        %get3A_199 = arith.index_cast %while3A_182 : i32 to index
        %get3A_200 = arith.constant 0 : index
        %get3A_201 = tpu.vector_load %arg9[%get3A_198, %get3A_199, %get3A_200] {strides = array<i32>} : memref<2x128x128xf32, #tpu.memory_space<vmem>>, vector<16xf32>,
        %max3A_202 = arith.maximumf %while3A_189, %get3A_201 : vector<16xf32>
        %get3A_203 = arith.constant 1 : i32
        %get3A_204 = arith.index_cast %get3A_203 : i32 to index
        %get3A_205 = arith.index_cast %while3A_182 : i32 to index
        %get3A_206 = arith.constant 16 : index
        %get3A_207 = tpu.vector_load %arg9[%get3A_204, %get3A_205, %get3A_206] {strides = array<i32>} : memref<2x128x128xf32, #tpu.memory_space<vmem>>, vector<16xf32>,
        %max3A_208 = arith.maximumf %while3A_190, %get3A_207 : vector<16xf32>
        %get3A_209 = arith.constant 1 : i32
        %get3A_210 = arith.index_cast %get3A_209 : i32 to index
        %get3A_211 = arith.index_cast %while3A_182 : i32 to index
        %get3A_212 = arith.constant 32 : index
        %get3A_213 = tpu.vector_load %arg9[%get3A_210, %get3A_211, %get3A_212] {strides = array<i32>} : memref<2x128x128xf32, #tpu.memory_space<vmem>>, vector<16xf32>,
        %max3A_214 = arith.maximumf %while3A_191, %get3A_213 : vector<16xf32>
        %get3A_215 = arith.constant 1 : i32
        %get3A_216 = arith.index_cast %get3A_215 : i32 to index
        %get3A_217 = arith.index_cast %while3A_182 : i32 to index
        %get3A_218 = arith.constant 48 : index
        %get3A_219 = tpu.vector_load %arg9[%get3A_216, %get3A_217, %get3A_218] {strides = array<i32>} : memref<2x128x128xf32, #tpu.memory_space<vmem>>, vector<16xf32>,
        %max3A_220 = arith.maximumf %while3A_192, %get3A_219 : vector<16xf32>
        %get3A_221 = arith.constant 1 : i32
        %get3A_222 = arith.index_cast %get3A_221 : i32 to index
        %get3A_223 = arith.index_cast %while3A_182 : i32 to index
        %get3A_224 = arith.constant 64 : index
        %get3A_225 = tpu.vector_load %arg9[%get3A_222, %get3A_223, %get3A_224] {strides = array<i32>} : memref<2x128x128xf32, #tpu.memory_space<vmem>>, vector<16xf32>,
        %max3A_226 = arith.maximumf %while3A_193, %get3A_225 : vector<16xf32>
        %get3A_227 = arith.constant 1 : i32
        %get3A_228 = arith.index_cast %get3A_227 : i32 to index
        %get3A_229 = arith.index_cast %while3A_182 : i32 to index
        %get3A_230 = arith.constant 80 : index
        %get3A_231 = tpu.vector_load %arg9[%get3A_228, %get3A_229, %get3A_230] {strides = array<i32>} : memref<2x128x128xf32, #tpu.memory_space<vmem>>, vector<16xf32>,
        %max3A_232 = arith.maximumf %while3A_194, %get3A_231 : vector<16xf32>
        %get3A_233 = arith.constant 1 : i32
        %get3A_234 = arith.index_cast %get3A_233 : i32 to index
        %get3A_235 = arith.index_cast %while3A_182 : i32 to index
        %get3A_236 = arith.constant 96 : index
        %get3A_237 = tpu.vector_load %arg9[%get3A_234, %get3A_235, %get3A_236] {strides = array<i32>} : memref<2x128x128xf32, #tpu.memory_space<vmem>>, vector<16xf32>,
        %max3A_238 = arith.maximumf %while3A_195, %get3A_237 : vector<16xf32>
        %get3A_239 = arith.constant 1 : i32
        %get3A_240 = arith.index_cast %get3A_239 : i32 to index
        %get3A_241 = arith.index_cast %while3A_182 : i32 to index
        %get3A_242 = arith.constant 112 : index
        %get3A_243 = tpu.vector_load %arg9[%get3A_240, %get3A_241, %get3A_242] {strides = array<i32>} : memref<2x128x128xf32, #tpu.memory_space<vmem>>, vector<16xf32>,
        %max3A_244 = arith.maximumf %while3A_196, %get3A_243 : vector<16xf32>
        %get3A_245 = arith.constant 1 : i32
        %get3A_246 = arith.index_cast %get3A_245 : i32 to index
        %get3A_247 = arith.index_cast %while3A_182 : i32 to index
        %get3A_248 = arith.constant 0 : index
        %get3A_249 = tpu.vector_load %arg10[%get3A_246, %get3A_247, %get3A_248] {strides = array<i32>} : memref<2x128x16xf32, #tpu.memory_space<vmem>>, vector<16xf32>,
        %add3A_250 = arith.addf %while3A_188, %get3A_249 : vector<16xf32>
        %add3A_251 = arith.addi %mul3A_164, %while3A_182 : i32
        %add3A_252 = arith.constant 1 : i32
        %add3A_253 = arith.addi %add3A_251, %add3A_252 : i32
        %eq3A = arith.cmpi eq, %add3A_253, %while3A_187 : i32
        %convert_element_type3A_254 = arith.extui %eq3A : i1 to i32
        %cond3A_255 = arith.constant 0 : i32
        %cond3A_256 = arith.constant 0 : i32
        %cond3A_257 = arith.cmpi ne, %convert_element_type3A_254, %cond3A_256 : i32
        %cond3A_258:14 = scf.if %cond3A_257 -> (i32, i32, i32, i32, i32, vector<16xf32>, vector<16xf32>, vector<16xf32>, vector<16xf32>, vector<16xf32>, vector<16xf32>, vector<16xf32>, vector<16xf32>, vector<16xf32>) {
          %swap3A = arith.index_cast %while3A_184 : i32 to index
          %swap3A_259 = arith.constant 0 : index
          %swap3A_260 = tpu.vector_load %arg13[%swap3A, %swap3A_259] {strides = array<i32>} : memref<112x128xf32, #tpu.memory_space<vmem>>, vector<16xf32>,
          tpu.vector_store %arg13[%swap3A, %swap3A_259], %max3A_202 {strides = array<i32>} : memref<112x128xf32, #tpu.memory_space<vmem>>, vector<16xf32>,
          %swap3A_261 = arith.index_cast %while3A_184 : i32 to index
          %swap3A_262 = arith.constant 16 : index
          %swap3A_263 = tpu.vector_load %arg13[%swap3A_261, %swap3A_262] {strides = array<i32>} : memref<112x128xf32, #tpu.memory_space<vmem>>, vector<16xf32>,
          tpu.vector_store %arg13[%swap3A_261, %swap3A_262], %max3A_208 {strides = array<i32>} : memref<112x128xf32, #tpu.memory_space<vmem>>, vector<16xf32>,
          %swap3A_264 = arith.index_cast %while3A_184 : i32 to index
          %swap3A_265 = arith.constant 32 : index
          %swap3A_266 = tpu.vector_load %arg13[%swap3A_264, %swap3A_265] {strides = array<i32>} : memref<112x128xf32, #tpu.memory_space<vmem>>, vector<16xf32>,
          tpu.vector_store %arg13[%swap3A_264, %swap3A_265], %max3A_214 {strides = array<i32>} : memref<112x128xf32, #tpu.memory_space<vmem>>, vector<16xf32>,
          %swap3A_267 = arith.index_cast %while3A_184 : i32 to index
          %swap3A_268 = arith.constant 48 : index
          %swap3A_269 = tpu.vector_load %arg13[%swap3A_267, %swap3A_268] {strides = array<i32>} : memref<112x128xf32, #tpu.memory_space<vmem>>, vector<16xf32>,
          tpu.vector_store %arg13[%swap3A_267, %swap3A_268], %max3A_220 {strides = array<i32>} : memref<112x128xf32, #tpu.memory_space<vmem>>, vector<16xf32>,
          %swap3A_270 = arith.index_cast %while3A_184 : i32 to index
          %swap3A_271 = arith.constant 64 : index
          %swap3A_272 = tpu.vector_load %arg13[%swap3A_270, %swap3A_271] {strides = array<i32>} : memref<112x128xf32, #tpu.memory_space<vmem>>, vector<16xf32>,
          tpu.vector_store %arg13[%swap3A_270, %swap3A_271], %max3A_226 {strides = array<i32>} : memref<112x128xf32, #tpu.memory_space<vmem>>, vector<16xf32>,
          %swap3A_273 = arith.index_cast %while3A_184 : i32 to index
          %swap3A_274 = arith.constant 80 : index
          %swap3A_275 = tpu.vector_load %arg13[%swap3A_273, %swap3A_274] {strides = array<i32>} : memref<112x128xf32, #tpu.memory_space<vmem>>, vector<16xf32>,
          tpu.vector_store %arg13[%swap3A_273, %swap3A_274], %max3A_232 {strides = array<i32>} : memref<112x128xf32, #tpu.memory_space<vmem>>, vector<16xf32>,
          %swap3A_276 = arith.index_cast %while3A_184 : i32 to index
          %swap3A_277 = arith.constant 96 : index
          %swap3A_278 = tpu.vector_load %arg13[%swap3A_276, %swap3A_277] {strides = array<i32>} : memref<112x128xf32, #tpu.memory_space<vmem>>, vector<16xf32>,
          tpu.vector_store %arg13[%swap3A_276, %swap3A_277], %max3A_238 {strides = array<i32>} : memref<112x128xf32, #tpu.memory_space<vmem>>, vector<16xf32>,
          %swap3A_279 = arith.index_cast %while3A_184 : i32 to index
          %swap3A_280 = arith.constant 112 : index
          %swap3A_281 = tpu.vector_load %arg13[%swap3A_279, %swap3A_280] {strides = array<i32>} : memref<112x128xf32, #tpu.memory_space<vmem>>, vector<16xf32>,
          tpu.vector_store %arg13[%swap3A_279, %swap3A_280], %max3A_244 {strides = array<i32>} : memref<112x128xf32, #tpu.memory_space<vmem>>, vector<16xf32>,
          %swap3A_282 = arith.index_cast %while3A_184 : i32 to index
          %swap3A_283 = arith.constant 0 : index
          %swap3A_284 = tpu.vector_load %arg14[%swap3A_282, %swap3A_283] {strides = array<i32>} : memref<112x16xf32, #tpu.memory_space<vmem>>, vector<16xf32>,
          tpu.vector_store %arg14[%swap3A_282, %swap3A_283], %add3A_250 {strides = array<i32>} : memref<112x16xf32, #tpu.memory_space<vmem>>, vector<16xf32>,
          %add3A_285 = arith.constant 1 : i32
          %add3A_286 = arith.addi %while3A_183, %add3A_285 : i32
          %add3A_287 = arith.constant 1 : i32
          %add3A_288 = arith.addi %while3A_185, %add3A_287 : i32
          %eq3A_289 = arith.constant 56 : i32
          %eq3A_290 = arith.cmpi eq, %add3A_288, %eq3A_289 : i32
          %convert_element_type3A_291 = arith.extui %eq3A_290 : i1 to i32
          %cond3A_292 = arith.constant 0 : i32
          %cond3A_293 = arith.cmpi ne, %convert_element_type3A_291, %cond3A_292 : i32
          scf.if %cond3A_293 {
            %add3A_315 = arith.constant 1 : i32
            %add3A_316 = arith.addi %while3A_184, %add3A_315 : i32
            %sub3A_317 = arith.constant 56 : i32
            %sub3A_318 = arith.subi %add3A_316, %sub3A_317 : i32
            "tpu.region"() ({
              %run_scoped3A_319 = tpu.sem_alloc : memref<!tpu.dma_semaphore, #tpu.memory_space<semaphore_mem>>
              %dma_start3A_320 = arith.constant 0 : i32
              %dma_start3A_321 = tpu.memref_slice %arg13[%sub3A_318, %dma_start3A_320] : memref<112x128xf32, #tpu.memory_space<vmem>> -> memref<56x128xf32, #tpu.memory_space<vmem>>
              %dma_start3A_322 = arith.constant 0 : i32
              %dma_start3A_323 = tpu.memref_slice %arg6[%while3A_186, %dma_start3A_322] : memref<25088x128xf32, #tpu.memory_space<hbm>> -> memref<56x128xf32, #tpu.memory_space<hbm>>
              %dma_start3A_324 = arith.constant 0 : i32
              %dma_start3A_325 = tpu.memref_slice %arg6[%while3A_186, %dma_start3A_324] : memref<25088x128xf32, #tpu.memory_space<hbm>> -> memref<56x128xf32, #tpu.memory_space<hbm>>
              %dma_start3A_326 = arith.constant 0 : i32
              %dma_start3A_327 = tpu.memref_slice %arg13[%sub3A_318, %dma_start3A_326] : memref<112x128xf32, #tpu.memory_space<vmem>> -> memref<56x128xf32, #tpu.memory_space<vmem>>
              tpu.enqueue_dma source(%dma_start3A_327 : memref<56x128xf32, #tpu.memory_space<vmem>>) target(%dma_start3A_325 : memref<56x128xf32, #tpu.memory_space<hbm>>) target_semaphore(%run_scoped3A_319 : memref<!tpu.dma_semaphore, #tpu.memory_space<semaphore_mem>>)
              %dma_wait3A_328 = arith.constant 0 : i32
              %dma_wait3A_329 = tpu.memref_slice %arg13[%sub3A_318, %dma_wait3A_328] : memref<112x128xf32, #tpu.memory_space<vmem>> -> memref<56x128xf32, #tpu.memory_space<vmem>>
              %dma_wait3A_330 = arith.constant 0 : i32
              %dma_wait3A_331 = tpu.memref_slice %arg6[%while3A_186, %dma_wait3A_330] : memref<25088x128xf32, #tpu.memory_space<hbm>> -> memref<56x128xf32, #tpu.memory_space<hbm>>
              %dma_wait3A_332 = arith.constant 0 : i32
              %dma_wait3A_333 = tpu.memref_slice %arg6[%while3A_186, %dma_wait3A_332] : memref<25088x128xf32, #tpu.memory_space<hbm>> -> memref<56x128xf32, #tpu.memory_space<hbm>>
              %dma_wait3A_334 = arith.constant 0 : i32
              %dma_wait3A_335 = tpu.memref_slice %arg13[%sub3A_318, %dma_wait3A_334] : memref<112x128xf32, #tpu.memory_space<vmem>> -> memref<56x128xf32, #tpu.memory_space<vmem>>
              tpu.wait_dma2 semaphore(%run_scoped3A_319 : memref<!tpu.dma_semaphore, #tpu.memory_space<semaphore_mem>>) src(%dma_wait3A_335 : memref<56x128xf32, #tpu.memory_space<vmem>>) dst(%dma_wait3A_333 : memref<56x128xf32, #tpu.memory_space<hbm>>)
              tpu.yield
            }) : () -> ()
            "tpu.region"() ({
              %run_scoped3A_319 = tpu.sem_alloc : memref<!tpu.dma_semaphore, #tpu.memory_space<semaphore_mem>>
              %dma_start3A_320 = arith.constant 0 : i32
              %dma_start3A_321 = tpu.memref_slice %arg14[%sub3A_318, %dma_start3A_320] : memref<112x16xf32, #tpu.memory_space<vmem>> -> memref<56x16xf32, #tpu.memory_space<vmem>>
              %dma_start3A_322 = arith.constant 0 : i32
              %dma_start3A_323 = tpu.memref_slice %arg7[%while3A_186, %dma_start3A_322] : memref<25088x16xf32, #tpu.memory_space<hbm>> -> memref<56x16xf32, #tpu.memory_space<hbm>>
              %dma_start3A_324 = arith.constant 0 : i32
              %dma_start3A_325 = tpu.memref_slice %arg7[%while3A_186, %dma_start3A_324] : memref<25088x16xf32, #tpu.memory_space<hbm>> -> memref<56x16xf32, #tpu.memory_space<hbm>>
              %dma_start3A_326 = arith.constant 0 : i32
              %dma_start3A_327 = tpu.memref_slice %arg14[%sub3A_318, %dma_start3A_326] : memref<112x16xf32, #tpu.memory_space<vmem>> -> memref<56x16xf32, #tpu.memory_space<vmem>>
              tpu.enqueue_dma source(%dma_start3A_327 : memref<56x16xf32, #tpu.memory_space<vmem>>) target(%dma_start3A_325 : memref<56x16xf32, #tpu.memory_space<hbm>>) target_semaphore(%run_scoped3A_319 : memref<!tpu.dma_semaphore, #tpu.memory_space<semaphore_mem>>)
              %dma_wait3A_328 = arith.constant 0 : i32
              %dma_wait3A_329 = tpu.memref_slice %arg14[%sub3A_318, %dma_wait3A_328] : memref<112x16xf32, #tpu.memory_space<vmem>> -> memref<56x16xf32, #tpu.memory_space<vmem>>
              %dma_wait3A_330 = arith.constant 0 : i32
              %dma_wait3A_331 = tpu.memref_slice %arg7[%while3A_186, %dma_wait3A_330] : memref<25088x16xf32, #tpu.memory_space<hbm>> -> memref<56x16xf32, #tpu.memory_space<hbm>>
              %dma_wait3A_332 = arith.constant 0 : i32
              %dma_wait3A_333 = tpu.memref_slice %arg7[%while3A_186, %dma_wait3A_332] : memref<25088x16xf32, #tpu.memory_space<hbm>> -> memref<56x16xf32, #tpu.memory_space<hbm>>
              %dma_wait3A_334 = arith.constant 0 : i32
              %dma_wait3A_335 = tpu.memref_slice %arg14[%sub3A_318, %dma_wait3A_334] : memref<112x16xf32, #tpu.memory_space<vmem>> -> memref<56x16xf32, #tpu.memory_space<vmem>>
              tpu.wait_dma2 semaphore(%run_scoped3A_319 : memref<!tpu.dma_semaphore, #tpu.memory_space<semaphore_mem>>) src(%dma_wait3A_335 : memref<56x16xf32, #tpu.memory_space<vmem>>) dst(%dma_wait3A_333 : memref<56x16xf32, #tpu.memory_space<hbm>>)
              tpu.yield
            }) : () -> ()
          } else {
          }
          %add3A_294 = arith.constant 1 : i32
          %add3A_295 = arith.addi %while3A_184, %add3A_294 : i32
          %eq3A_296 = arith.constant 112 : i32
          %eq3A_297 = arith.cmpi eq, %add3A_295, %eq3A_296 : i32
          %add3A_298 = arith.constant 1 : i32
          %add3A_299 = arith.addi %while3A_184, %add3A_298 : i32
          %jit3A_300 = arith.constant 0 : i32
          %select_n3A_301 = arith.select %eq3A_297, %jit3A_300, %add3A_299 : i32
          %jit3A_302 = arith.constant 0 : i32
          %select_n3A_303 = arith.select %eq3A_290, %jit3A_302, %add3A_288 : i32
          %add3A_304 = arith.constant 56 : i32
          %add3A_305 = arith.addi %while3A_186, %add3A_304 : i32
          %select_n3A_306 = arith.select %eq3A_290, %add3A_305, %while3A_186 : i32
          %add3A_307 = arith.constant 1 : i32
          %add3A_308 = arith.addi %add3A_286, %add3A_307 : i32
          %get3A_309 = arith.index_cast %add3A_308 : i32 to index
          %get3A_310 = memref.load %arg11[%get3A_309] : memref<808xi32, #tpu.memory_space<smem>>
          %broadcast_in_dim3A_311 = arith.constant -3.40282347E+38 : f32
          %broadcast_in_dim3A_312 = vector.broadcast %broadcast_in_dim3A_311 : f32 to vector<16xf32>
          %broadcast_in_dim3A_313 = arith.constant 0.000000e+00 : f32
          %broadcast_in_dim3A_314 = vector.broadcast %broadcast_in_dim3A_313 : f32 to vector<16xf32>
          scf.yield %add3A_286, %select_n3A_301, %select_n3A_303, %select_n3A_306, %get3A_310, %broadcast_in_dim3A_314, %broadcast_in_dim3A_312, %broadcast_in_dim3A_312, %broadcast_in_dim3A_312, %broadcast_in_dim3A_312, %broadcast_in_dim3A_312, %broadcast_in_dim3A_312, %broadcast_in_dim3A_312, %broadcast_in_dim3A_312 : i32, i32, i32, i32, i32, vector<16xf32>, vector<16xf32>, vector<16xf32>, vector<16xf32>, vector<16xf32>, vector<16xf32>, vector<16xf32>, vector<16xf32>, vector<16xf32>
        } else {
          scf.yield %while3A_183, %while3A_184, %while3A_185, %while3A_186, %while3A_187, %add3A_250, %max3A_202, %max3A_208, %max3A_214, %max3A_220, %max3A_226, %max3A_232, %max3A_238, %max3A_244 : i32, i32, i32, i32, i32, vector<16xf32>, vector<16xf32>, vector<16xf32>, vector<16xf32>, vector<16xf32>, vector<16xf32>, vector<16xf32>, vector<16xf32>, vector<16xf32>
        }
        scf.yield %cond3A_258#0, %cond3A_258#1, %cond3A_258#2, %cond3A_258#3, %cond3A_258#4, %cond3A_258#5, %cond3A_258#6, %cond3A_258#7, %cond3A_258#8, %cond3A_258#9, %cond3A_258#10, %cond3A_258#11, %cond3A_258#12, %cond3A_258#13 : i32, i32, i32, i32, i32, vector<16xf32>, vector<16xf32>, vector<16xf32>, vector<16xf32>, vector<16xf32>, vector<16xf32>, vector<16xf32>, vector<16xf32>, vector<16xf32>
      }
      scf.yield %while3A_181#0, %while3A_181#1, %while3A_181#2, %while3A_181#3, %while3A_181#4, %while3A_181#5, %while3A_181#6, %while3A_181#7, %while3A_181#8, %while3A_181#9, %while3A_181#10, %while3A_181#11, %while3A_181#12, %while3A_181#13 : i32, i32, i32, i32, i32, vector<16xf32>, vector<16xf32>, vector<16xf32>, vector<16xf32>, vector<16xf32>, vector<16xf32>, vector<16xf32>, vector<16xf32>, vector<16xf32>
    }
    %while3A_78 = arith.constant 1 : i32
    %while3A_79:14 = scf.for %while3A_83 = %while3A_75 to %while3A_71 step %while3A_78 iter_args(%while3A_84 = %while3A_77#0, %while3A_85 = %while3A_77#1, %while3A_86 = %while3A_77#2, %while3A_87 = %while3A_77#3, %while3A_88 = %while3A_77#4, %while3A_89 = %while3A_77#5, %while3A_90 = %while3A_77#6, %while3A_91 = %while3A_77#7, %while3A_92 = %while3A_77#8, %while3A_93 = %while3A_77#9, %while3A_94 = %while3A_77#10, %while3A_95 = %while3A_77#11, %while3A_96 = %while3A_77#12, %while3A_97 = %while3A_77#13) -> (i32, i32, i32, i32, i32, vector<16xf32>, vector<16xf32>, vector<16xf32>, vector<16xf32>, vector<16xf32>, vector<16xf32>, vector<16xf32>, vector<16xf32>, vector<16xf32>)  : i32 {
      %mul3A_98 = arith.constant 2 : i32
      %mul3A_99 = arith.muli %mul3A_98, %while3A_83 : i32
      %add3A_100 = arith.constant 1 : i32
      %add3A_101 = arith.addi %mul3A_99, %add3A_100 : i32
      %lt3A = arith.cmpi slt, %add3A_101, %sub3A_14 : i32
      %convert_element_type3A_102 = arith.extui %lt3A : i1 to i32
      %cond3A_103 = arith.constant 0 : i32
      %cond3A_104 = arith.cmpi ne, %convert_element_type3A_102, %cond3A_103 : i32
      scf.if %cond3A_104 {
        %add3A_182 = arith.addi %shift_right_logical3A_8, %add3A_101 : i32
        %mul3A_183 = arith.constant 128 : i32
        %mul3A_184 = arith.muli %add3A_182, %mul3A_183 : i32
        %run_scoped3A_185 = arith.constant 1 : i32
        "tpu.region"() ({
          %run_scoped3A_210 = tpu.sem_alloc : memref<!tpu.dma_semaphore, #tpu.memory_space<semaphore_mem>>
          %dma_start3A_211 = arith.constant 0 : i32
          %dma_start3A_212 = tpu.memref_slice %arg8[%run_scoped3A_185, %dma_start3A_211] : memref<2x128xi32, #tpu.memory_space<vmem>> -> memref<1x128xi32, #tpu.memory_space<vmem>>
          %dma_start3A_213 = tpu.memref_squeeze %dma_start3A_212 : memref<1x128xi32, #tpu.memory_space<vmem>> -> memref<128xi32, #tpu.memory_space<vmem>>
          %dma_start3A_214 = tpu.memref_slice %arg4[%mul3A_184] : memref<100096xi32, #tpu.memory_space<hbm>> -> memref<128xi32, #tpu.memory_space<hbm>>
          %dma_start3A_215 = arith.constant 0 : i32
          %dma_start3A_216 = tpu.memref_slice %arg8[%run_scoped3A_185, %dma_start3A_215] : memref<2x128xi32, #tpu.memory_space<vmem>> -> memref<1x128xi32, #tpu.memory_space<vmem>>
          %dma_start3A_217 = tpu.memref_squeeze %dma_start3A_216 : memref<1x128xi32, #tpu.memory_space<vmem>> -> memref<128xi32, #tpu.memory_space<vmem>>
          %dma_start3A_218 = tpu.memref_slice %arg4[%mul3A_184] : memref<100096xi32, #tpu.memory_space<hbm>> -> memref<128xi32, #tpu.memory_space<hbm>>
          tpu.enqueue_dma source(%dma_start3A_218 : memref<128xi32, #tpu.memory_space<hbm>>) target(%dma_start3A_217 : memref<128xi32, #tpu.memory_space<vmem>>) target_semaphore(%run_scoped3A_210 : memref<!tpu.dma_semaphore, #tpu.memory_space<semaphore_mem>>)
          %dma_wait3A_219 = arith.constant 0 : i32
          %dma_wait3A_220 = tpu.memref_slice %arg8[%run_scoped3A_185, %dma_wait3A_219] : memref<2x128xi32, #tpu.memory_space<vmem>> -> memref<1x128xi32, #tpu.memory_space<vmem>>
          %dma_wait3A_221 = tpu.memref_squeeze %dma_wait3A_220 : memref<1x128xi32, #tpu.memory_space<vmem>> -> memref<128xi32, #tpu.memory_space<vmem>>
          %dma_wait3A_222 = tpu.memref_slice %arg4[%mul3A_184] : memref<100096xi32, #tpu.memory_space<hbm>> -> memref<128xi32, #tpu.memory_space<hbm>>
          %dma_wait3A_223 = arith.constant 0 : i32
          %dma_wait3A_224 = tpu.memref_slice %arg8[%run_scoped3A_185, %dma_wait3A_223] : memref<2x128xi32, #tpu.memory_space<vmem>> -> memref<1x128xi32, #tpu.memory_space<vmem>>
          %dma_wait3A_225 = tpu.memref_squeeze %dma_wait3A_224 : memref<1x128xi32, #tpu.memory_space<vmem>> -> memref<128xi32, #tpu.memory_space<vmem>>
          %dma_wait3A_226 = tpu.memref_slice %arg4[%mul3A_184] : memref<100096xi32, #tpu.memory_space<hbm>> -> memref<128xi32, #tpu.memory_space<hbm>>
          tpu.wait_dma2 semaphore(%run_scoped3A_210 : memref<!tpu.dma_semaphore, #tpu.memory_space<semaphore_mem>>) src(%dma_wait3A_226 : memref<128xi32, #tpu.memory_space<hbm>>) dst(%dma_wait3A_225 : memref<128xi32, #tpu.memory_space<vmem>>)
          tpu.yield
        }) : () -> ()
        %dma_start3A_186 = arith.constant 1 : i32
        %dma_start3A_187 = arith.constant 1 : i32
        %dma_start3A_188 = arith.constant 0 : i32
        %dma_start3A_189 = arith.constant 0 : i32
        %dma_start3A_190 = tpu.memref_slice %arg9[%dma_start3A_187, %dma_start3A_188, %dma_start3A_189] : memref<2x128x128xf32, #tpu.memory_space<vmem>> -> memref<1x128x128xf32, #tpu.memory_space<vmem>>
        %dma_start3A_191 = tpu.memref_squeeze %dma_start3A_190 : memref<1x128x128xf32, #tpu.memory_space<vmem>> -> memref<128x128xf32, #tpu.memory_space<vmem>>
        %dma_start3A_192 = arith.constant 0 : i32
        %dma_start3A_193 = tpu.memref_slice %arg8[%dma_start3A_186, %dma_start3A_192] : memref<2x128xi32, #tpu.memory_space<vmem>> -> memref<1x128xi32, #tpu.memory_space<vmem>>
        %dma_start3A_194 = tpu.memref_squeeze %dma_start3A_193 : memref<1x128xi32, #tpu.memory_space<vmem>> -> memref<128xi32, #tpu.memory_space<vmem>>
        %dma_start3A_195 = arith.constant 0 : i32
        %dma_start3A_196 = arith.constant 0 : i32
        %dma_start3A_197 = tpu.memref_slice %arg2[%dma_start3A_195, %dma_start3A_196] : memref<100000x128xf32, #tpu.memory_space<hbm>> -> memref<100000x128xf32, #tpu.memory_space<hbm>>
        tpu.enqueue_indirect_dma source(%dma_start3A_197 : memref<100000x128xf32, #tpu.memory_space<hbm>>) target(%dma_start3A_191 : memref<128x128xf32, #tpu.memory_space<vmem>>) offsets(%dma_start3A_194 : memref<128xi32, #tpu.memory_space<vmem>>) semaphore(%arg16 : memref<!tpu.dma_semaphore, #tpu.memory_space<semaphore_mem>>)
        %dma_start3A_198 = arith.constant 1 : i32
        %dma_start3A_199 = arith.constant 1 : i32
        %dma_start3A_200 = arith.constant 0 : i32
        %dma_start3A_201 = arith.constant 0 : i32
        %dma_start3A_202 = tpu.memref_slice %arg10[%dma_start3A_199, %dma_start3A_200, %dma_start3A_201] : memref<2x128x16xf32, #tpu.memory_space<vmem>> -> memref<1x128x16xf32, #tpu.memory_space<vmem>>
        %dma_start3A_203 = tpu.memref_squeeze %dma_start3A_202 : memref<1x128x16xf32, #tpu.memory_space<vmem>> -> memref<128x16xf32, #tpu.memory_space<vmem>>
        %dma_start3A_204 = arith.constant 0 : i32
        %dma_start3A_205 = tpu.memref_slice %arg8[%dma_start3A_198, %dma_start3A_204] : memref<2x128xi32, #tpu.memory_space<vmem>> -> memref<1x128xi32, #tpu.memory_space<vmem>>
        %dma_start3A_206 = tpu.memref_squeeze %dma_start3A_205 : memref<1x128xi32, #tpu.memory_space<vmem>> -> memref<128xi32, #tpu.memory_space<vmem>>
        %dma_start3A_207 = arith.constant 0 : i32
        %dma_start3A_208 = arith.constant 0 : i32
        %dma_start3A_209 = tpu.memref_slice %arg3[%dma_start3A_207, %dma_start3A_208] : memref<100000x16xf32, #tpu.memory_space<hbm>> -> memref<100000x16xf32, #tpu.memory_space<hbm>>
        tpu.enqueue_indirect_dma source(%dma_start3A_209 : memref<100000x16xf32, #tpu.memory_space<hbm>>) target(%dma_start3A_203 : memref<128x16xf32, #tpu.memory_space<vmem>>) offsets(%dma_start3A_206 : memref<128xi32, #tpu.memory_space<vmem>>) semaphore(%arg18 : memref<!tpu.dma_semaphore, #tpu.memory_space<semaphore_mem>>)
      } else {
      }
      %dma_wait3A = arith.constant 0 : i32
      %dma_wait3A_105 = arith.constant 0 : i32
      %dma_wait3A_106 = arith.constant 0 : i32
      %dma_wait3A_107 = tpu.memref_slice %arg9[%dma_wait3A, %dma_wait3A_105, %dma_wait3A_106] : memref<2x128x128xf32, #tpu.memory_space<vmem>> -> memref<1x128x128xf32, #tpu.memory_space<vmem>>
      %dma_wait3A_108 = tpu.memref_squeeze %dma_wait3A_107 : memref<1x128x128xf32, #tpu.memory_space<vmem>> -> memref<128x128xf32, #tpu.memory_space<vmem>>
      %dma_wait3A_109 = arith.constant 0 : i32
      %dma_wait3A_110 = arith.constant 0 : i32
      %dma_wait3A_111 = tpu.memref_slice %arg2[%dma_wait3A_109, %dma_wait3A_110] : memref<100000x128xf32, #tpu.memory_space<hbm>> -> memref<128x128xf32, #tpu.memory_space<hbm>>
      %dma_wait3A_112 = arith.constant 0 : i32
      %dma_wait3A_113 = arith.constant 0 : i32
      %dma_wait3A_114 = tpu.memref_slice %arg9[%dma_wait3A, %dma_wait3A_112, %dma_wait3A_113] : memref<2x128x128xf32, #tpu.memory_space<vmem>> -> memref<1x128x128xf32, #tpu.memory_space<vmem>>
      %dma_wait3A_115 = tpu.memref_squeeze %dma_wait3A_114 : memref<1x128x128xf32, #tpu.memory_space<vmem>> -> memref<128x128xf32, #tpu.memory_space<vmem>>
      %dma_wait3A_116 = arith.constant 0 : i32
      %dma_wait3A_117 = arith.constant 0 : i32
      %dma_wait3A_118 = tpu.memref_slice %arg2[%dma_wait3A_116, %dma_wait3A_117] : memref<100000x128xf32, #tpu.memory_space<hbm>> -> memref<128x128xf32, #tpu.memory_space<hbm>>
      tpu.wait_dma2 semaphore(%arg15 : memref<!tpu.dma_semaphore, #tpu.memory_space<semaphore_mem>>) src(%dma_wait3A_118 : memref<128x128xf32, #tpu.memory_space<hbm>>) dst(%dma_wait3A_115 : memref<128x128xf32, #tpu.memory_space<vmem>>)
      %dma_wait3A_119 = arith.constant 0 : i32
      %dma_wait3A_120 = arith.constant 0 : i32
      %dma_wait3A_121 = arith.constant 0 : i32
      %dma_wait3A_122 = tpu.memref_slice %arg10[%dma_wait3A_119, %dma_wait3A_120, %dma_wait3A_121] : memref<2x128x16xf32, #tpu.memory_space<vmem>> -> memref<1x128x16xf32, #tpu.memory_space<vmem>>
      %dma_wait3A_123 = tpu.memref_squeeze %dma_wait3A_122 : memref<1x128x16xf32, #tpu.memory_space<vmem>> -> memref<128x16xf32, #tpu.memory_space<vmem>>
      %dma_wait3A_124 = arith.constant 0 : i32
      %dma_wait3A_125 = arith.constant 0 : i32
      %dma_wait3A_126 = tpu.memref_slice %arg3[%dma_wait3A_124, %dma_wait3A_125] : memref<100000x16xf32, #tpu.memory_space<hbm>> -> memref<128x16xf32, #tpu.memory_space<hbm>>
      %dma_wait3A_127 = arith.constant 0 : i32
      %dma_wait3A_128 = arith.constant 0 : i32
      %dma_wait3A_129 = tpu.memref_slice %arg10[%dma_wait3A_119, %dma_wait3A_127, %dma_wait3A_128] : memref<2x128x16xf32, #tpu.memory_space<vmem>> -> memref<1x128x16xf32, #tpu.memory_space<vmem>>
      %dma_wait3A_130 = tpu.memref_squeeze %dma_wait3A_129 : memref<1x128x16xf32, #tpu.memory_space<vmem>> -> memref<128x16xf32, #tpu.memory_space<vmem>>
      %dma_wait3A_131 = arith.constant 0 : i32
      %dma_wait3A_132 = arith.constant 0 : i32
      %dma_wait3A_133 = tpu.memref_slice %arg3[%dma_wait3A_131, %dma_wait3A_132] : memref<100000x16xf32, #tpu.memory_space<hbm>> -> memref<128x16xf32, #tpu.memory_space<hbm>>
      tpu.wait_dma2 semaphore(%arg17 : memref<!tpu.dma_semaphore, #tpu.memory_space<semaphore_mem>>) src(%dma_wait3A_133 : memref<128x16xf32, #tpu.memory_space<hbm>>) dst(%dma_wait3A_130 : memref<128x16xf32, #tpu.memory_space<vmem>>)
      %add3A_134 = arith.addi %shift_right_logical3A_8, %mul3A_99 : i32
      %mul3A_135 = arith.constant 128 : i32
      %mul3A_136 = arith.muli %add3A_134, %mul3A_135 : i32
      %sub3A_137 = arith.subi %get3A_4, %mul3A_136 : i32
      %max3A = arith.constant 0 : i32
      %max3A_138 = arith.maxsi %sub3A_137, %max3A : i32
      %sub3A_139 = arith.subi %get3A_7, %mul3A_136 : i32
      %min3A = arith.constant 128 : i32
      %min3A_140 = arith.minsi %sub3A_139, %min3A : i32
      %max3A_141 = arith.maxsi %max3A_138, %min3A_140 : i32
      %while3A_142 = arith.subi %max3A_141, %max3A_138 : i32
      %while3A_143 = arith.addi %max3A_138, %while3A_142 : i32
      %while3A_144 = arith.constant 1 : i32
      %while3A_145 = arith.divsi %while3A_142, %while3A_144 : i32
      %while3A_146 = arith.muli %while3A_145, %while3A_144 : i32
      %while3A_147 = arith.addi %max3A_138, %while3A_146 : i32
      %while3A_148 = arith.constant 1 : i32
      %while3A_149:14 = scf.for %while3A_182 = %max3A_138 to %while3A_147 step %while3A_148 iter_args(%while3A_183 = %while3A_84, %while3A_184 = %while3A_85, %while3A_185 = %while3A_86, %while3A_186 = %while3A_87, %while3A_187 = %while3A_88, %while3A_188 = %while3A_89, %while3A_189 = %while3A_90, %while3A_190 = %while3A_91, %while3A_191 = %while3A_92, %while3A_192 = %while3A_93, %while3A_193 = %while3A_94, %while3A_194 = %while3A_95, %while3A_195 = %while3A_96, %while3A_196 = %while3A_97) -> (i32, i32, i32, i32, i32, vector<16xf32>, vector<16xf32>, vector<16xf32>, vector<16xf32>, vector<16xf32>, vector<16xf32>, vector<16xf32>, vector<16xf32>, vector<16xf32>)  : i32 {
        %get3A_197 = arith.constant 0 : i32
        %get3A_198 = arith.index_cast %get3A_197 : i32 to index
        %get3A_199 = arith.index_cast %while3A_182 : i32 to index
        %get3A_200 = arith.constant 0 : index
        %get3A_201 = tpu.vector_load %arg9[%get3A_198, %get3A_199, %get3A_200] {strides = array<i32>} : memref<2x128x128xf32, #tpu.memory_space<vmem>>, vector<16xf32>,
        %max3A_202 = arith.maximumf %while3A_189, %get3A_201 : vector<16xf32>
        %get3A_203 = arith.constant 0 : i32
        %get3A_204 = arith.index_cast %get3A_203 : i32 to index
        %get3A_205 = arith.index_cast %while3A_182 : i32 to index
        %get3A_206 = arith.constant 16 : index
        %get3A_207 = tpu.vector_load %arg9[%get3A_204, %get3A_205, %get3A_206] {strides = array<i32>} : memref<2x128x128xf32, #tpu.memory_space<vmem>>, vector<16xf32>,
        %max3A_208 = arith.maximumf %while3A_190, %get3A_207 : vector<16xf32>
        %get3A_209 = arith.constant 0 : i32
        %get3A_210 = arith.index_cast %get3A_209 : i32 to index
        %get3A_211 = arith.index_cast %while3A_182 : i32 to index
        %get3A_212 = arith.constant 32 : index
        %get3A_213 = tpu.vector_load %arg9[%get3A_210, %get3A_211, %get3A_212] {strides = array<i32>} : memref<2x128x128xf32, #tpu.memory_space<vmem>>, vector<16xf32>,
        %max3A_214 = arith.maximumf %while3A_191, %get3A_213 : vector<16xf32>
        %get3A_215 = arith.constant 0 : i32
        %get3A_216 = arith.index_cast %get3A_215 : i32 to index
        %get3A_217 = arith.index_cast %while3A_182 : i32 to index
        %get3A_218 = arith.constant 48 : index
        %get3A_219 = tpu.vector_load %arg9[%get3A_216, %get3A_217, %get3A_218] {strides = array<i32>} : memref<2x128x128xf32, #tpu.memory_space<vmem>>, vector<16xf32>,
        %max3A_220 = arith.maximumf %while3A_192, %get3A_219 : vector<16xf32>
        %get3A_221 = arith.constant 0 : i32
        %get3A_222 = arith.index_cast %get3A_221 : i32 to index
        %get3A_223 = arith.index_cast %while3A_182 : i32 to index
        %get3A_224 = arith.constant 64 : index
        %get3A_225 = tpu.vector_load %arg9[%get3A_222, %get3A_223, %get3A_224] {strides = array<i32>} : memref<2x128x128xf32, #tpu.memory_space<vmem>>, vector<16xf32>,
        %max3A_226 = arith.maximumf %while3A_193, %get3A_225 : vector<16xf32>
        %get3A_227 = arith.constant 0 : i32
        %get3A_228 = arith.index_cast %get3A_227 : i32 to index
        %get3A_229 = arith.index_cast %while3A_182 : i32 to index
        %get3A_230 = arith.constant 80 : index
        %get3A_231 = tpu.vector_load %arg9[%get3A_228, %get3A_229, %get3A_230] {strides = array<i32>} : memref<2x128x128xf32, #tpu.memory_space<vmem>>, vector<16xf32>,
        %max3A_232 = arith.maximumf %while3A_194, %get3A_231 : vector<16xf32>
        %get3A_233 = arith.constant 0 : i32
        %get3A_234 = arith.index_cast %get3A_233 : i32 to index
        %get3A_235 = arith.index_cast %while3A_182 : i32 to index
        %get3A_236 = arith.constant 96 : index
        %get3A_237 = tpu.vector_load %arg9[%get3A_234, %get3A_235, %get3A_236] {strides = array<i32>} : memref<2x128x128xf32, #tpu.memory_space<vmem>>, vector<16xf32>,
        %max3A_238 = arith.maximumf %while3A_195, %get3A_237 : vector<16xf32>
        %get3A_239 = arith.constant 0 : i32
        %get3A_240 = arith.index_cast %get3A_239 : i32 to index
        %get3A_241 = arith.index_cast %while3A_182 : i32 to index
        %get3A_242 = arith.constant 112 : index
        %get3A_243 = tpu.vector_load %arg9[%get3A_240, %get3A_241, %get3A_242] {strides = array<i32>} : memref<2x128x128xf32, #tpu.memory_space<vmem>>, vector<16xf32>,
        %max3A_244 = arith.maximumf %while3A_196, %get3A_243 : vector<16xf32>
        %get3A_245 = arith.constant 0 : i32
        %get3A_246 = arith.index_cast %get3A_245 : i32 to index
        %get3A_247 = arith.index_cast %while3A_182 : i32 to index
        %get3A_248 = arith.constant 0 : index
        %get3A_249 = tpu.vector_load %arg10[%get3A_246, %get3A_247, %get3A_248] {strides = array<i32>} : memref<2x128x16xf32, #tpu.memory_space<vmem>>, vector<16xf32>,
        %add3A_250 = arith.addf %while3A_188, %get3A_249 : vector<16xf32>
        %add3A_251 = arith.addi %mul3A_136, %while3A_182 : i32
        %add3A_252 = arith.constant 1 : i32
        %add3A_253 = arith.addi %add3A_251, %add3A_252 : i32
        %eq3A = arith.cmpi eq, %add3A_253, %while3A_187 : i32
        %convert_element_type3A_254 = arith.extui %eq3A : i1 to i32
        %cond3A_255 = arith.constant 0 : i32
        %cond3A_256 = arith.constant 0 : i32
        %cond3A_257 = arith.cmpi ne, %convert_element_type3A_254, %cond3A_256 : i32
        %cond3A_258:14 = scf.if %cond3A_257 -> (i32, i32, i32, i32, i32, vector<16xf32>, vector<16xf32>, vector<16xf32>, vector<16xf32>, vector<16xf32>, vector<16xf32>, vector<16xf32>, vector<16xf32>, vector<16xf32>) {
          %swap3A = arith.index_cast %while3A_184 : i32 to index
          %swap3A_259 = arith.constant 0 : index
          %swap3A_260 = tpu.vector_load %arg13[%swap3A, %swap3A_259] {strides = array<i32>} : memref<112x128xf32, #tpu.memory_space<vmem>>, vector<16xf32>,
          tpu.vector_store %arg13[%swap3A, %swap3A_259], %max3A_202 {strides = array<i32>} : memref<112x128xf32, #tpu.memory_space<vmem>>, vector<16xf32>,
          %swap3A_261 = arith.index_cast %while3A_184 : i32 to index
          %swap3A_262 = arith.constant 16 : index
          %swap3A_263 = tpu.vector_load %arg13[%swap3A_261, %swap3A_262] {strides = array<i32>} : memref<112x128xf32, #tpu.memory_space<vmem>>, vector<16xf32>,
          tpu.vector_store %arg13[%swap3A_261, %swap3A_262], %max3A_208 {strides = array<i32>} : memref<112x128xf32, #tpu.memory_space<vmem>>, vector<16xf32>,
          %swap3A_264 = arith.index_cast %while3A_184 : i32 to index
          %swap3A_265 = arith.constant 32 : index
          %swap3A_266 = tpu.vector_load %arg13[%swap3A_264, %swap3A_265] {strides = array<i32>} : memref<112x128xf32, #tpu.memory_space<vmem>>, vector<16xf32>,
          tpu.vector_store %arg13[%swap3A_264, %swap3A_265], %max3A_214 {strides = array<i32>} : memref<112x128xf32, #tpu.memory_space<vmem>>, vector<16xf32>,
          %swap3A_267 = arith.index_cast %while3A_184 : i32 to index
          %swap3A_268 = arith.constant 48 : index
          %swap3A_269 = tpu.vector_load %arg13[%swap3A_267, %swap3A_268] {strides = array<i32>} : memref<112x128xf32, #tpu.memory_space<vmem>>, vector<16xf32>,
          tpu.vector_store %arg13[%swap3A_267, %swap3A_268], %max3A_220 {strides = array<i32>} : memref<112x128xf32, #tpu.memory_space<vmem>>, vector<16xf32>,
          %swap3A_270 = arith.index_cast %while3A_184 : i32 to index
          %swap3A_271 = arith.constant 64 : index
          %swap3A_272 = tpu.vector_load %arg13[%swap3A_270, %swap3A_271] {strides = array<i32>} : memref<112x128xf32, #tpu.memory_space<vmem>>, vector<16xf32>,
          tpu.vector_store %arg13[%swap3A_270, %swap3A_271], %max3A_226 {strides = array<i32>} : memref<112x128xf32, #tpu.memory_space<vmem>>, vector<16xf32>,
          %swap3A_273 = arith.index_cast %while3A_184 : i32 to index
          %swap3A_274 = arith.constant 80 : index
          %swap3A_275 = tpu.vector_load %arg13[%swap3A_273, %swap3A_274] {strides = array<i32>} : memref<112x128xf32, #tpu.memory_space<vmem>>, vector<16xf32>,
          tpu.vector_store %arg13[%swap3A_273, %swap3A_274], %max3A_232 {strides = array<i32>} : memref<112x128xf32, #tpu.memory_space<vmem>>, vector<16xf32>,
          %swap3A_276 = arith.index_cast %while3A_184 : i32 to index
          %swap3A_277 = arith.constant 96 : index
          %swap3A_278 = tpu.vector_load %arg13[%swap3A_276, %swap3A_277] {strides = array<i32>} : memref<112x128xf32, #tpu.memory_space<vmem>>, vector<16xf32>,
          tpu.vector_store %arg13[%swap3A_276, %swap3A_277], %max3A_238 {strides = array<i32>} : memref<112x128xf32, #tpu.memory_space<vmem>>, vector<16xf32>,
          %swap3A_279 = arith.index_cast %while3A_184 : i32 to index
          %swap3A_280 = arith.constant 112 : index
          %swap3A_281 = tpu.vector_load %arg13[%swap3A_279, %swap3A_280] {strides = array<i32>} : memref<112x128xf32, #tpu.memory_space<vmem>>, vector<16xf32>,
          tpu.vector_store %arg13[%swap3A_279, %swap3A_280], %max3A_244 {strides = array<i32>} : memref<112x128xf32, #tpu.memory_space<vmem>>, vector<16xf32>,
          %swap3A_282 = arith.index_cast %while3A_184 : i32 to index
          %swap3A_283 = arith.constant 0 : index
          %swap3A_284 = tpu.vector_load %arg14[%swap3A_282, %swap3A_283] {strides = array<i32>} : memref<112x16xf32, #tpu.memory_space<vmem>>, vector<16xf32>,
          tpu.vector_store %arg14[%swap3A_282, %swap3A_283], %add3A_250 {strides = array<i32>} : memref<112x16xf32, #tpu.memory_space<vmem>>, vector<16xf32>,
          %add3A_285 = arith.constant 1 : i32
          %add3A_286 = arith.addi %while3A_183, %add3A_285 : i32
          %add3A_287 = arith.constant 1 : i32
          %add3A_288 = arith.addi %while3A_185, %add3A_287 : i32
          %eq3A_289 = arith.constant 56 : i32
          %eq3A_290 = arith.cmpi eq, %add3A_288, %eq3A_289 : i32
          %convert_element_type3A_291 = arith.extui %eq3A_290 : i1 to i32
          %cond3A_292 = arith.constant 0 : i32
          %cond3A_293 = arith.cmpi ne, %convert_element_type3A_291, %cond3A_292 : i32
          scf.if %cond3A_293 {
            %add3A_315 = arith.constant 1 : i32
            %add3A_316 = arith.addi %while3A_184, %add3A_315 : i32
            %sub3A_317 = arith.constant 56 : i32
            %sub3A_318 = arith.subi %add3A_316, %sub3A_317 : i32
            "tpu.region"() ({
              %run_scoped3A_319 = tpu.sem_alloc : memref<!tpu.dma_semaphore, #tpu.memory_space<semaphore_mem>>
              %dma_start3A_320 = arith.constant 0 : i32
              %dma_start3A_321 = tpu.memref_slice %arg13[%sub3A_318, %dma_start3A_320] : memref<112x128xf32, #tpu.memory_space<vmem>> -> memref<56x128xf32, #tpu.memory_space<vmem>>
              %dma_start3A_322 = arith.constant 0 : i32
              %dma_start3A_323 = tpu.memref_slice %arg6[%while3A_186, %dma_start3A_322] : memref<25088x128xf32, #tpu.memory_space<hbm>> -> memref<56x128xf32, #tpu.memory_space<hbm>>
              %dma_start3A_324 = arith.constant 0 : i32
              %dma_start3A_325 = tpu.memref_slice %arg6[%while3A_186, %dma_start3A_324] : memref<25088x128xf32, #tpu.memory_space<hbm>> -> memref<56x128xf32, #tpu.memory_space<hbm>>
              %dma_start3A_326 = arith.constant 0 : i32
              %dma_start3A_327 = tpu.memref_slice %arg13[%sub3A_318, %dma_start3A_326] : memref<112x128xf32, #tpu.memory_space<vmem>> -> memref<56x128xf32, #tpu.memory_space<vmem>>
              tpu.enqueue_dma source(%dma_start3A_327 : memref<56x128xf32, #tpu.memory_space<vmem>>) target(%dma_start3A_325 : memref<56x128xf32, #tpu.memory_space<hbm>>) target_semaphore(%run_scoped3A_319 : memref<!tpu.dma_semaphore, #tpu.memory_space<semaphore_mem>>)
              %dma_wait3A_328 = arith.constant 0 : i32
              %dma_wait3A_329 = tpu.memref_slice %arg13[%sub3A_318, %dma_wait3A_328] : memref<112x128xf32, #tpu.memory_space<vmem>> -> memref<56x128xf32, #tpu.memory_space<vmem>>
              %dma_wait3A_330 = arith.constant 0 : i32
              %dma_wait3A_331 = tpu.memref_slice %arg6[%while3A_186, %dma_wait3A_330] : memref<25088x128xf32, #tpu.memory_space<hbm>> -> memref<56x128xf32, #tpu.memory_space<hbm>>
              %dma_wait3A_332 = arith.constant 0 : i32
              %dma_wait3A_333 = tpu.memref_slice %arg6[%while3A_186, %dma_wait3A_332] : memref<25088x128xf32, #tpu.memory_space<hbm>> -> memref<56x128xf32, #tpu.memory_space<hbm>>
              %dma_wait3A_334 = arith.constant 0 : i32
              %dma_wait3A_335 = tpu.memref_slice %arg13[%sub3A_318, %dma_wait3A_334] : memref<112x128xf32, #tpu.memory_space<vmem>> -> memref<56x128xf32, #tpu.memory_space<vmem>>
              tpu.wait_dma2 semaphore(%run_scoped3A_319 : memref<!tpu.dma_semaphore, #tpu.memory_space<semaphore_mem>>) src(%dma_wait3A_335 : memref<56x128xf32, #tpu.memory_space<vmem>>) dst(%dma_wait3A_333 : memref<56x128xf32, #tpu.memory_space<hbm>>)
              tpu.yield
            }) : () -> ()
            "tpu.region"() ({
              %run_scoped3A_319 = tpu.sem_alloc : memref<!tpu.dma_semaphore, #tpu.memory_space<semaphore_mem>>
              %dma_start3A_320 = arith.constant 0 : i32
              %dma_start3A_321 = tpu.memref_slice %arg14[%sub3A_318, %dma_start3A_320] : memref<112x16xf32, #tpu.memory_space<vmem>> -> memref<56x16xf32, #tpu.memory_space<vmem>>
              %dma_start3A_322 = arith.constant 0 : i32
              %dma_start3A_323 = tpu.memref_slice %arg7[%while3A_186, %dma_start3A_322] : memref<25088x16xf32, #tpu.memory_space<hbm>> -> memref<56x16xf32, #tpu.memory_space<hbm>>
              %dma_start3A_324 = arith.constant 0 : i32
              %dma_start3A_325 = tpu.memref_slice %arg7[%while3A_186, %dma_start3A_324] : memref<25088x16xf32, #tpu.memory_space<hbm>> -> memref<56x16xf32, #tpu.memory_space<hbm>>
              %dma_start3A_326 = arith.constant 0 : i32
              %dma_start3A_327 = tpu.memref_slice %arg14[%sub3A_318, %dma_start3A_326] : memref<112x16xf32, #tpu.memory_space<vmem>> -> memref<56x16xf32, #tpu.memory_space<vmem>>
              tpu.enqueue_dma source(%dma_start3A_327 : memref<56x16xf32, #tpu.memory_space<vmem>>) target(%dma_start3A_325 : memref<56x16xf32, #tpu.memory_space<hbm>>) target_semaphore(%run_scoped3A_319 : memref<!tpu.dma_semaphore, #tpu.memory_space<semaphore_mem>>)
              %dma_wait3A_328 = arith.constant 0 : i32
              %dma_wait3A_329 = tpu.memref_slice %arg14[%sub3A_318, %dma_wait3A_328] : memref<112x16xf32, #tpu.memory_space<vmem>> -> memref<56x16xf32, #tpu.memory_space<vmem>>
              %dma_wait3A_330 = arith.constant 0 : i32
              %dma_wait3A_331 = tpu.memref_slice %arg7[%while3A_186, %dma_wait3A_330] : memref<25088x16xf32, #tpu.memory_space<hbm>> -> memref<56x16xf32, #tpu.memory_space<hbm>>
              %dma_wait3A_332 = arith.constant 0 : i32
              %dma_wait3A_333 = tpu.memref_slice %arg7[%while3A_186, %dma_wait3A_332] : memref<25088x16xf32, #tpu.memory_space<hbm>> -> memref<56x16xf32, #tpu.memory_space<hbm>>
              %dma_wait3A_334 = arith.constant 0 : i32
              %dma_wait3A_335 = tpu.memref_slice %arg14[%sub3A_318, %dma_wait3A_334] : memref<112x16xf32, #tpu.memory_space<vmem>> -> memref<56x16xf32, #tpu.memory_space<vmem>>
              tpu.wait_dma2 semaphore(%run_scoped3A_319 : memref<!tpu.dma_semaphore, #tpu.memory_space<semaphore_mem>>) src(%dma_wait3A_335 : memref<56x16xf32, #tpu.memory_space<vmem>>) dst(%dma_wait3A_333 : memref<56x16xf32, #tpu.memory_space<hbm>>)
              tpu.yield
            }) : () -> ()
          } else {
          }
          %add3A_294 = arith.constant 1 : i32
          %add3A_295 = arith.addi %while3A_184, %add3A_294 : i32
          %eq3A_296 = arith.constant 112 : i32
          %eq3A_297 = arith.cmpi eq, %add3A_295, %eq3A_296 : i32
          %add3A_298 = arith.constant 1 : i32
          %add3A_299 = arith.addi %while3A_184, %add3A_298 : i32
          %jit3A_300 = arith.constant 0 : i32
          %select_n3A_301 = arith.select %eq3A_297, %jit3A_300, %add3A_299 : i32
          %jit3A_302 = arith.constant 0 : i32
          %select_n3A_303 = arith.select %eq3A_290, %jit3A_302, %add3A_288 : i32
          %add3A_304 = arith.constant 56 : i32
          %add3A_305 = arith.addi %while3A_186, %add3A_304 : i32
          %select_n3A_306 = arith.select %eq3A_290, %add3A_305, %while3A_186 : i32
          %add3A_307 = arith.constant 1 : i32
          %add3A_308 = arith.addi %add3A_286, %add3A_307 : i32
          %get3A_309 = arith.index_cast %add3A_308 : i32 to index
          %get3A_310 = memref.load %arg11[%get3A_309] : memref<808xi32, #tpu.memory_space<smem>>
          %broadcast_in_dim3A_311 = arith.constant -3.40282347E+38 : f32
          %broadcast_in_dim3A_312 = vector.broadcast %broadcast_in_dim3A_311 : f32 to vector<16xf32>
          %broadcast_in_dim3A_313 = arith.constant 0.000000e+00 : f32
          %broadcast_in_dim3A_314 = vector.broadcast %broadcast_in_dim3A_313 : f32 to vector<16xf32>
          scf.yield %add3A_286, %select_n3A_301, %select_n3A_303, %select_n3A_306, %get3A_310, %broadcast_in_dim3A_314, %broadcast_in_dim3A_312, %broadcast_in_dim3A_312, %broadcast_in_dim3A_312, %broadcast_in_dim3A_312, %broadcast_in_dim3A_312, %broadcast_in_dim3A_312, %broadcast_in_dim3A_312, %broadcast_in_dim3A_312 : i32, i32, i32, i32, i32, vector<16xf32>, vector<16xf32>, vector<16xf32>, vector<16xf32>, vector<16xf32>, vector<16xf32>, vector<16xf32>, vector<16xf32>, vector<16xf32>
        } else {
          scf.yield %while3A_183, %while3A_184, %while3A_185, %while3A_186, %while3A_187, %add3A_250, %max3A_202, %max3A_208, %max3A_214, %max3A_220, %max3A_226, %max3A_232, %max3A_238, %max3A_244 : i32, i32, i32, i32, i32, vector<16xf32>, vector<16xf32>, vector<16xf32>, vector<16xf32>, vector<16xf32>, vector<16xf32>, vector<16xf32>, vector<16xf32>, vector<16xf32>
        }
        scf.yield %cond3A_258#0, %cond3A_258#1, %cond3A_258#2, %cond3A_258#3, %cond3A_258#4, %cond3A_258#5, %cond3A_258#6, %cond3A_258#7, %cond3A_258#8, %cond3A_258#9, %cond3A_258#10, %cond3A_258#11, %cond3A_258#12, %cond3A_258#13 : i32, i32, i32, i32, i32, vector<16xf32>, vector<16xf32>, vector<16xf32>, vector<16xf32>, vector<16xf32>, vector<16xf32>, vector<16xf32>, vector<16xf32>, vector<16xf32>
      }
      %while3A_150 = arith.constant 1 : i32
      %while3A_151:14 = scf.for %while3A_182 = %while3A_147 to %while3A_143 step %while3A_150 iter_args(%while3A_183 = %while3A_149#0, %while3A_184 = %while3A_149#1, %while3A_185 = %while3A_149#2, %while3A_186 = %while3A_149#3, %while3A_187 = %while3A_149#4, %while3A_188 = %while3A_149#5, %while3A_189 = %while3A_149#6, %while3A_190 = %while3A_149#7, %while3A_191 = %while3A_149#8, %while3A_192 = %while3A_149#9, %while3A_193 = %while3A_149#10, %while3A_194 = %while3A_149#11, %while3A_195 = %while3A_149#12, %while3A_196 = %while3A_149#13) -> (i32, i32, i32, i32, i32, vector<16xf32>, vector<16xf32>, vector<16xf32>, vector<16xf32>, vector<16xf32>, vector<16xf32>, vector<16xf32>, vector<16xf32>, vector<16xf32>)  : i32 {
        %get3A_197 = arith.constant 0 : i32
        %get3A_198 = arith.index_cast %get3A_197 : i32 to index
        %get3A_199 = arith.index_cast %while3A_182 : i32 to index
        %get3A_200 = arith.constant 0 : index
        %get3A_201 = tpu.vector_load %arg9[%get3A_198, %get3A_199, %get3A_200] {strides = array<i32>} : memref<2x128x128xf32, #tpu.memory_space<vmem>>, vector<16xf32>,
        %max3A_202 = arith.maximumf %while3A_189, %get3A_201 : vector<16xf32>
        %get3A_203 = arith.constant 0 : i32
        %get3A_204 = arith.index_cast %get3A_203 : i32 to index
        %get3A_205 = arith.index_cast %while3A_182 : i32 to index
        %get3A_206 = arith.constant 16 : index
        %get3A_207 = tpu.vector_load %arg9[%get3A_204, %get3A_205, %get3A_206] {strides = array<i32>} : memref<2x128x128xf32, #tpu.memory_space<vmem>>, vector<16xf32>,
        %max3A_208 = arith.maximumf %while3A_190, %get3A_207 : vector<16xf32>
        %get3A_209 = arith.constant 0 : i32
        %get3A_210 = arith.index_cast %get3A_209 : i32 to index
        %get3A_211 = arith.index_cast %while3A_182 : i32 to index
        %get3A_212 = arith.constant 32 : index
        %get3A_213 = tpu.vector_load %arg9[%get3A_210, %get3A_211, %get3A_212] {strides = array<i32>} : memref<2x128x128xf32, #tpu.memory_space<vmem>>, vector<16xf32>,
        %max3A_214 = arith.maximumf %while3A_191, %get3A_213 : vector<16xf32>
        %get3A_215 = arith.constant 0 : i32
        %get3A_216 = arith.index_cast %get3A_215 : i32 to index
        %get3A_217 = arith.index_cast %while3A_182 : i32 to index
        %get3A_218 = arith.constant 48 : index
        %get3A_219 = tpu.vector_load %arg9[%get3A_216, %get3A_217, %get3A_218] {strides = array<i32>} : memref<2x128x128xf32, #tpu.memory_space<vmem>>, vector<16xf32>,
        %max3A_220 = arith.maximumf %while3A_192, %get3A_219 : vector<16xf32>
        %get3A_221 = arith.constant 0 : i32
        %get3A_222 = arith.index_cast %get3A_221 : i32 to index
        %get3A_223 = arith.index_cast %while3A_182 : i32 to index
        %get3A_224 = arith.constant 64 : index
        %get3A_225 = tpu.vector_load %arg9[%get3A_222, %get3A_223, %get3A_224] {strides = array<i32>} : memref<2x128x128xf32, #tpu.memory_space<vmem>>, vector<16xf32>,
        %max3A_226 = arith.maximumf %while3A_193, %get3A_225 : vector<16xf32>
        %get3A_227 = arith.constant 0 : i32
        %get3A_228 = arith.index_cast %get3A_227 : i32 to index
        %get3A_229 = arith.index_cast %while3A_182 : i32 to index
        %get3A_230 = arith.constant 80 : index
        %get3A_231 = tpu.vector_load %arg9[%get3A_228, %get3A_229, %get3A_230] {strides = array<i32>} : memref<2x128x128xf32, #tpu.memory_space<vmem>>, vector<16xf32>,
        %max3A_232 = arith.maximumf %while3A_194, %get3A_231 : vector<16xf32>
        %get3A_233 = arith.constant 0 : i32
        %get3A_234 = arith.index_cast %get3A_233 : i32 to index
        %get3A_235 = arith.index_cast %while3A_182 : i32 to index
        %get3A_236 = arith.constant 96 : index
        %get3A_237 = tpu.vector_load %arg9[%get3A_234, %get3A_235, %get3A_236] {strides = array<i32>} : memref<2x128x128xf32, #tpu.memory_space<vmem>>, vector<16xf32>,
        %max3A_238 = arith.maximumf %while3A_195, %get3A_237 : vector<16xf32>
        %get3A_239 = arith.constant 0 : i32
        %get3A_240 = arith.index_cast %get3A_239 : i32 to index
        %get3A_241 = arith.index_cast %while3A_182 : i32 to index
        %get3A_242 = arith.constant 112 : index
        %get3A_243 = tpu.vector_load %arg9[%get3A_240, %get3A_241, %get3A_242] {strides = array<i32>} : memref<2x128x128xf32, #tpu.memory_space<vmem>>, vector<16xf32>,
        %max3A_244 = arith.maximumf %while3A_196, %get3A_243 : vector<16xf32>
        %get3A_245 = arith.constant 0 : i32
        %get3A_246 = arith.index_cast %get3A_245 : i32 to index
        %get3A_247 = arith.index_cast %while3A_182 : i32 to index
        %get3A_248 = arith.constant 0 : index
        %get3A_249 = tpu.vector_load %arg10[%get3A_246, %get3A_247, %get3A_248] {strides = array<i32>} : memref<2x128x16xf32, #tpu.memory_space<vmem>>, vector<16xf32>,
        %add3A_250 = arith.addf %while3A_188, %get3A_249 : vector<16xf32>
        %add3A_251 = arith.addi %mul3A_136, %while3A_182 : i32
        %add3A_252 = arith.constant 1 : i32
        %add3A_253 = arith.addi %add3A_251, %add3A_252 : i32
        %eq3A = arith.cmpi eq, %add3A_253, %while3A_187 : i32
        %convert_element_type3A_254 = arith.extui %eq3A : i1 to i32
        %cond3A_255 = arith.constant 0 : i32
        %cond3A_256 = arith.constant 0 : i32
        %cond3A_257 = arith.cmpi ne, %convert_element_type3A_254, %cond3A_256 : i32
        %cond3A_258:14 = scf.if %cond3A_257 -> (i32, i32, i32, i32, i32, vector<16xf32>, vector<16xf32>, vector<16xf32>, vector<16xf32>, vector<16xf32>, vector<16xf32>, vector<16xf32>, vector<16xf32>, vector<16xf32>) {
          %swap3A = arith.index_cast %while3A_184 : i32 to index
          %swap3A_259 = arith.constant 0 : index
          %swap3A_260 = tpu.vector_load %arg13[%swap3A, %swap3A_259] {strides = array<i32>} : memref<112x128xf32, #tpu.memory_space<vmem>>, vector<16xf32>,
          tpu.vector_store %arg13[%swap3A, %swap3A_259], %max3A_202 {strides = array<i32>} : memref<112x128xf32, #tpu.memory_space<vmem>>, vector<16xf32>,
          %swap3A_261 = arith.index_cast %while3A_184 : i32 to index
          %swap3A_262 = arith.constant 16 : index
          %swap3A_263 = tpu.vector_load %arg13[%swap3A_261, %swap3A_262] {strides = array<i32>} : memref<112x128xf32, #tpu.memory_space<vmem>>, vector<16xf32>,
          tpu.vector_store %arg13[%swap3A_261, %swap3A_262], %max3A_208 {strides = array<i32>} : memref<112x128xf32, #tpu.memory_space<vmem>>, vector<16xf32>,
          %swap3A_264 = arith.index_cast %while3A_184 : i32 to index
          %swap3A_265 = arith.constant 32 : index
          %swap3A_266 = tpu.vector_load %arg13[%swap3A_264, %swap3A_265] {strides = array<i32>} : memref<112x128xf32, #tpu.memory_space<vmem>>, vector<16xf32>,
          tpu.vector_store %arg13[%swap3A_264, %swap3A_265], %max3A_214 {strides = array<i32>} : memref<112x128xf32, #tpu.memory_space<vmem>>, vector<16xf32>,
          %swap3A_267 = arith.index_cast %while3A_184 : i32 to index
          %swap3A_268 = arith.constant 48 : index
          %swap3A_269 = tpu.vector_load %arg13[%swap3A_267, %swap3A_268] {strides = array<i32>} : memref<112x128xf32, #tpu.memory_space<vmem>>, vector<16xf32>,
          tpu.vector_store %arg13[%swap3A_267, %swap3A_268], %max3A_220 {strides = array<i32>} : memref<112x128xf32, #tpu.memory_space<vmem>>, vector<16xf32>,
          %swap3A_270 = arith.index_cast %while3A_184 : i32 to index
          %swap3A_271 = arith.constant 64 : index
          %swap3A_272 = tpu.vector_load %arg13[%swap3A_270, %swap3A_271] {strides = array<i32>} : memref<112x128xf32, #tpu.memory_space<vmem>>, vector<16xf32>,
          tpu.vector_store %arg13[%swap3A_270, %swap3A_271], %max3A_226 {strides = array<i32>} : memref<112x128xf32, #tpu.memory_space<vmem>>, vector<16xf32>,
          %swap3A_273 = arith.index_cast %while3A_184 : i32 to index
          %swap3A_274 = arith.constant 80 : index
          %swap3A_275 = tpu.vector_load %arg13[%swap3A_273, %swap3A_274] {strides = array<i32>} : memref<112x128xf32, #tpu.memory_space<vmem>>, vector<16xf32>,
          tpu.vector_store %arg13[%swap3A_273, %swap3A_274], %max3A_232 {strides = array<i32>} : memref<112x128xf32, #tpu.memory_space<vmem>>, vector<16xf32>,
          %swap3A_276 = arith.index_cast %while3A_184 : i32 to index
          %swap3A_277 = arith.constant 96 : index
          %swap3A_278 = tpu.vector_load %arg13[%swap3A_276, %swap3A_277] {strides = array<i32>} : memref<112x128xf32, #tpu.memory_space<vmem>>, vector<16xf32>,
          tpu.vector_store %arg13[%swap3A_276, %swap3A_277], %max3A_238 {strides = array<i32>} : memref<112x128xf32, #tpu.memory_space<vmem>>, vector<16xf32>,
          %swap3A_279 = arith.index_cast %while3A_184 : i32 to index
          %swap3A_280 = arith.constant 112 : index
          %swap3A_281 = tpu.vector_load %arg13[%swap3A_279, %swap3A_280] {strides = array<i32>} : memref<112x128xf32, #tpu.memory_space<vmem>>, vector<16xf32>,
          tpu.vector_store %arg13[%swap3A_279, %swap3A_280], %max3A_244 {strides = array<i32>} : memref<112x128xf32, #tpu.memory_space<vmem>>, vector<16xf32>,
          %swap3A_282 = arith.index_cast %while3A_184 : i32 to index
          %swap3A_283 = arith.constant 0 : index
          %swap3A_284 = tpu.vector_load %arg14[%swap3A_282, %swap3A_283] {strides = array<i32>} : memref<112x16xf32, #tpu.memory_space<vmem>>, vector<16xf32>,
          tpu.vector_store %arg14[%swap3A_282, %swap3A_283], %add3A_250 {strides = array<i32>} : memref<112x16xf32, #tpu.memory_space<vmem>>, vector<16xf32>,
          %add3A_285 = arith.constant 1 : i32
          %add3A_286 = arith.addi %while3A_183, %add3A_285 : i32
          %add3A_287 = arith.constant 1 : i32
          %add3A_288 = arith.addi %while3A_185, %add3A_287 : i32
          %eq3A_289 = arith.constant 56 : i32
          %eq3A_290 = arith.cmpi eq, %add3A_288, %eq3A_289 : i32
          %convert_element_type3A_291 = arith.extui %eq3A_290 : i1 to i32
          %cond3A_292 = arith.constant 0 : i32
          %cond3A_293 = arith.cmpi ne, %convert_element_type3A_291, %cond3A_292 : i32
          scf.if %cond3A_293 {
            %add3A_315 = arith.constant 1 : i32
            %add3A_316 = arith.addi %while3A_184, %add3A_315 : i32
            %sub3A_317 = arith.constant 56 : i32
            %sub3A_318 = arith.subi %add3A_316, %sub3A_317 : i32
            "tpu.region"() ({
              %run_scoped3A_319 = tpu.sem_alloc : memref<!tpu.dma_semaphore, #tpu.memory_space<semaphore_mem>>
              %dma_start3A_320 = arith.constant 0 : i32
              %dma_start3A_321 = tpu.memref_slice %arg13[%sub3A_318, %dma_start3A_320] : memref<112x128xf32, #tpu.memory_space<vmem>> -> memref<56x128xf32, #tpu.memory_space<vmem>>
              %dma_start3A_322 = arith.constant 0 : i32
              %dma_start3A_323 = tpu.memref_slice %arg6[%while3A_186, %dma_start3A_322] : memref<25088x128xf32, #tpu.memory_space<hbm>> -> memref<56x128xf32, #tpu.memory_space<hbm>>
              %dma_start3A_324 = arith.constant 0 : i32
              %dma_start3A_325 = tpu.memref_slice %arg6[%while3A_186, %dma_start3A_324] : memref<25088x128xf32, #tpu.memory_space<hbm>> -> memref<56x128xf32, #tpu.memory_space<hbm>>
              %dma_start3A_326 = arith.constant 0 : i32
              %dma_start3A_327 = tpu.memref_slice %arg13[%sub3A_318, %dma_start3A_326] : memref<112x128xf32, #tpu.memory_space<vmem>> -> memref<56x128xf32, #tpu.memory_space<vmem>>
              tpu.enqueue_dma source(%dma_start3A_327 : memref<56x128xf32, #tpu.memory_space<vmem>>) target(%dma_start3A_325 : memref<56x128xf32, #tpu.memory_space<hbm>>) target_semaphore(%run_scoped3A_319 : memref<!tpu.dma_semaphore, #tpu.memory_space<semaphore_mem>>)
              %dma_wait3A_328 = arith.constant 0 : i32
              %dma_wait3A_329 = tpu.memref_slice %arg13[%sub3A_318, %dma_wait3A_328] : memref<112x128xf32, #tpu.memory_space<vmem>> -> memref<56x128xf32, #tpu.memory_space<vmem>>
              %dma_wait3A_330 = arith.constant 0 : i32
              %dma_wait3A_331 = tpu.memref_slice %arg6[%while3A_186, %dma_wait3A_330] : memref<25088x128xf32, #tpu.memory_space<hbm>> -> memref<56x128xf32, #tpu.memory_space<hbm>>
              %dma_wait3A_332 = arith.constant 0 : i32
              %dma_wait3A_333 = tpu.memref_slice %arg6[%while3A_186, %dma_wait3A_332] : memref<25088x128xf32, #tpu.memory_space<hbm>> -> memref<56x128xf32, #tpu.memory_space<hbm>>
              %dma_wait3A_334 = arith.constant 0 : i32
              %dma_wait3A_335 = tpu.memref_slice %arg13[%sub3A_318, %dma_wait3A_334] : memref<112x128xf32, #tpu.memory_space<vmem>> -> memref<56x128xf32, #tpu.memory_space<vmem>>
              tpu.wait_dma2 semaphore(%run_scoped3A_319 : memref<!tpu.dma_semaphore, #tpu.memory_space<semaphore_mem>>) src(%dma_wait3A_335 : memref<56x128xf32, #tpu.memory_space<vmem>>) dst(%dma_wait3A_333 : memref<56x128xf32, #tpu.memory_space<hbm>>)
              tpu.yield
            }) : () -> ()
            "tpu.region"() ({
              %run_scoped3A_319 = tpu.sem_alloc : memref<!tpu.dma_semaphore, #tpu.memory_space<semaphore_mem>>
              %dma_start3A_320 = arith.constant 0 : i32
              %dma_start3A_321 = tpu.memref_slice %arg14[%sub3A_318, %dma_start3A_320] : memref<112x16xf32, #tpu.memory_space<vmem>> -> memref<56x16xf32, #tpu.memory_space<vmem>>
              %dma_start3A_322 = arith.constant 0 : i32
              %dma_start3A_323 = tpu.memref_slice %arg7[%while3A_186, %dma_start3A_322] : memref<25088x16xf32, #tpu.memory_space<hbm>> -> memref<56x16xf32, #tpu.memory_space<hbm>>
              %dma_start3A_324 = arith.constant 0 : i32
              %dma_start3A_325 = tpu.memref_slice %arg7[%while3A_186, %dma_start3A_324] : memref<25088x16xf32, #tpu.memory_space<hbm>> -> memref<56x16xf32, #tpu.memory_space<hbm>>
              %dma_start3A_326 = arith.constant 0 : i32
              %dma_start3A_327 = tpu.memref_slice %arg14[%sub3A_318, %dma_start3A_326] : memref<112x16xf32, #tpu.memory_space<vmem>> -> memref<56x16xf32, #tpu.memory_space<vmem>>
              tpu.enqueue_dma source(%dma_start3A_327 : memref<56x16xf32, #tpu.memory_space<vmem>>) target(%dma_start3A_325 : memref<56x16xf32, #tpu.memory_space<hbm>>) target_semaphore(%run_scoped3A_319 : memref<!tpu.dma_semaphore, #tpu.memory_space<semaphore_mem>>)
              %dma_wait3A_328 = arith.constant 0 : i32
              %dma_wait3A_329 = tpu.memref_slice %arg14[%sub3A_318, %dma_wait3A_328] : memref<112x16xf32, #tpu.memory_space<vmem>> -> memref<56x16xf32, #tpu.memory_space<vmem>>
              %dma_wait3A_330 = arith.constant 0 : i32
              %dma_wait3A_331 = tpu.memref_slice %arg7[%while3A_186, %dma_wait3A_330] : memref<25088x16xf32, #tpu.memory_space<hbm>> -> memref<56x16xf32, #tpu.memory_space<hbm>>
              %dma_wait3A_332 = arith.constant 0 : i32
              %dma_wait3A_333 = tpu.memref_slice %arg7[%while3A_186, %dma_wait3A_332] : memref<25088x16xf32, #tpu.memory_space<hbm>> -> memref<56x16xf32, #tpu.memory_space<hbm>>
              %dma_wait3A_334 = arith.constant 0 : i32
              %dma_wait3A_335 = tpu.memref_slice %arg14[%sub3A_318, %dma_wait3A_334] : memref<112x16xf32, #tpu.memory_space<vmem>> -> memref<56x16xf32, #tpu.memory_space<vmem>>
              tpu.wait_dma2 semaphore(%run_scoped3A_319 : memref<!tpu.dma_semaphore, #tpu.memory_space<semaphore_mem>>) src(%dma_wait3A_335 : memref<56x16xf32, #tpu.memory_space<vmem>>) dst(%dma_wait3A_333 : memref<56x16xf32, #tpu.memory_space<hbm>>)
              tpu.yield
            }) : () -> ()
          } else {
          }
          %add3A_294 = arith.constant 1 : i32
          %add3A_295 = arith.addi %while3A_184, %add3A_294 : i32
          %eq3A_296 = arith.constant 112 : i32
          %eq3A_297 = arith.cmpi eq, %add3A_295, %eq3A_296 : i32
          %add3A_298 = arith.constant 1 : i32
          %add3A_299 = arith.addi %while3A_184, %add3A_298 : i32
          %jit3A_300 = arith.constant 0 : i32
          %select_n3A_301 = arith.select %eq3A_297, %jit3A_300, %add3A_299 : i32
          %jit3A_302 = arith.constant 0 : i32
          %select_n3A_303 = arith.select %eq3A_290, %jit3A_302, %add3A_288 : i32
          %add3A_304 = arith.constant 56 : i32
          %add3A_305 = arith.addi %while3A_186, %add3A_304 : i32
          %select_n3A_306 = arith.select %eq3A_290, %add3A_305, %while3A_186 : i32
          %add3A_307 = arith.constant 1 : i32
          %add3A_308 = arith.addi %add3A_286, %add3A_307 : i32
          %get3A_309 = arith.index_cast %add3A_308 : i32 to index
          %get3A_310 = memref.load %arg11[%get3A_309] : memref<808xi32, #tpu.memory_space<smem>>
          %broadcast_in_dim3A_311 = arith.constant -3.40282347E+38 : f32
          %broadcast_in_dim3A_312 = vector.broadcast %broadcast_in_dim3A_311 : f32 to vector<16xf32>
          %broadcast_in_dim3A_313 = arith.constant 0.000000e+00 : f32
          %broadcast_in_dim3A_314 = vector.broadcast %broadcast_in_dim3A_313 : f32 to vector<16xf32>
          scf.yield %add3A_286, %select_n3A_301, %select_n3A_303, %select_n3A_306, %get3A_310, %broadcast_in_dim3A_314, %broadcast_in_dim3A_312, %broadcast_in_dim3A_312, %broadcast_in_dim3A_312, %broadcast_in_dim3A_312, %broadcast_in_dim3A_312, %broadcast_in_dim3A_312, %broadcast_in_dim3A_312, %broadcast_in_dim3A_312 : i32, i32, i32, i32, i32, vector<16xf32>, vector<16xf32>, vector<16xf32>, vector<16xf32>, vector<16xf32>, vector<16xf32>, vector<16xf32>, vector<16xf32>, vector<16xf32>
        } else {
          scf.yield %while3A_183, %while3A_184, %while3A_185, %while3A_186, %while3A_187, %add3A_250, %max3A_202, %max3A_208, %max3A_214, %max3A_220, %max3A_226, %max3A_232, %max3A_238, %max3A_244 : i32, i32, i32, i32, i32, vector<16xf32>, vector<16xf32>, vector<16xf32>, vector<16xf32>, vector<16xf32>, vector<16xf32>, vector<16xf32>, vector<16xf32>, vector<16xf32>
        }
        scf.yield %cond3A_258#0, %cond3A_258#1, %cond3A_258#2, %cond3A_258#3, %cond3A_258#4, %cond3A_258#5, %cond3A_258#6, %cond3A_258#7, %cond3A_258#8, %cond3A_258#9, %cond3A_258#10, %cond3A_258#11, %cond3A_258#12, %cond3A_258#13 : i32, i32, i32, i32, i32, vector<16xf32>, vector<16xf32>, vector<16xf32>, vector<16xf32>, vector<16xf32>, vector<16xf32>, vector<16xf32>, vector<16xf32>, vector<16xf32>
      }
      %add3A_152 = arith.constant 2 : i32
      %add3A_153 = arith.addi %mul3A_99, %add3A_152 : i32
      %lt3A_154 = arith.cmpi slt, %add3A_153, %sub3A_14 : i32
      %convert_element_type3A_155 = arith.extui %lt3A_154 : i1 to i32
      %cond3A_156 = arith.constant 0 : i32
      %cond3A_157 = arith.cmpi ne, %convert_element_type3A_155, %cond3A_156 : i32
      scf.if %cond3A_157 {
        %add3A_182 = arith.constant 2 : i32
        %add3A_183 = arith.addi %mul3A_99, %add3A_182 : i32
        %add3A_184 = arith.addi %shift_right_logical3A_8, %add3A_183 : i32
        %mul3A_185 = arith.constant 128 : i32
        %mul3A_186 = arith.muli %add3A_184, %mul3A_185 : i32
        %run_scoped3A_187 = arith.constant 0 : i32
        "tpu.region"() ({
          %run_scoped3A_212 = tpu.sem_alloc : memref<!tpu.dma_semaphore, #tpu.memory_space<semaphore_mem>>
          %dma_start3A_213 = arith.constant 0 : i32
          %dma_start3A_214 = tpu.memref_slice %arg8[%run_scoped3A_187, %dma_start3A_213] : memref<2x128xi32, #tpu.memory_space<vmem>> -> memref<1x128xi32, #tpu.memory_space<vmem>>
          %dma_start3A_215 = tpu.memref_squeeze %dma_start3A_214 : memref<1x128xi32, #tpu.memory_space<vmem>> -> memref<128xi32, #tpu.memory_space<vmem>>
          %dma_start3A_216 = tpu.memref_slice %arg4[%mul3A_186] : memref<100096xi32, #tpu.memory_space<hbm>> -> memref<128xi32, #tpu.memory_space<hbm>>
          %dma_start3A_217 = arith.constant 0 : i32
          %dma_start3A_218 = tpu.memref_slice %arg8[%run_scoped3A_187, %dma_start3A_217] : memref<2x128xi32, #tpu.memory_space<vmem>> -> memref<1x128xi32, #tpu.memory_space<vmem>>
          %dma_start3A_219 = tpu.memref_squeeze %dma_start3A_218 : memref<1x128xi32, #tpu.memory_space<vmem>> -> memref<128xi32, #tpu.memory_space<vmem>>
          %dma_start3A_220 = tpu.memref_slice %arg4[%mul3A_186] : memref<100096xi32, #tpu.memory_space<hbm>> -> memref<128xi32, #tpu.memory_space<hbm>>
          tpu.enqueue_dma source(%dma_start3A_220 : memref<128xi32, #tpu.memory_space<hbm>>) target(%dma_start3A_219 : memref<128xi32, #tpu.memory_space<vmem>>) target_semaphore(%run_scoped3A_212 : memref<!tpu.dma_semaphore, #tpu.memory_space<semaphore_mem>>)
          %dma_wait3A_221 = arith.constant 0 : i32
          %dma_wait3A_222 = tpu.memref_slice %arg8[%run_scoped3A_187, %dma_wait3A_221] : memref<2x128xi32, #tpu.memory_space<vmem>> -> memref<1x128xi32, #tpu.memory_space<vmem>>
          %dma_wait3A_223 = tpu.memref_squeeze %dma_wait3A_222 : memref<1x128xi32, #tpu.memory_space<vmem>> -> memref<128xi32, #tpu.memory_space<vmem>>
          %dma_wait3A_224 = tpu.memref_slice %arg4[%mul3A_186] : memref<100096xi32, #tpu.memory_space<hbm>> -> memref<128xi32, #tpu.memory_space<hbm>>
          %dma_wait3A_225 = arith.constant 0 : i32
          %dma_wait3A_226 = tpu.memref_slice %arg8[%run_scoped3A_187, %dma_wait3A_225] : memref<2x128xi32, #tpu.memory_space<vmem>> -> memref<1x128xi32, #tpu.memory_space<vmem>>
          %dma_wait3A_227 = tpu.memref_squeeze %dma_wait3A_226 : memref<1x128xi32, #tpu.memory_space<vmem>> -> memref<128xi32, #tpu.memory_space<vmem>>
          %dma_wait3A_228 = tpu.memref_slice %arg4[%mul3A_186] : memref<100096xi32, #tpu.memory_space<hbm>> -> memref<128xi32, #tpu.memory_space<hbm>>
          tpu.wait_dma2 semaphore(%run_scoped3A_212 : memref<!tpu.dma_semaphore, #tpu.memory_space<semaphore_mem>>) src(%dma_wait3A_228 : memref<128xi32, #tpu.memory_space<hbm>>) dst(%dma_wait3A_227 : memref<128xi32, #tpu.memory_space<vmem>>)
          tpu.yield
        }) : () -> ()
        %dma_start3A_188 = arith.constant 0 : i32
        %dma_start3A_189 = arith.constant 0 : i32
        %dma_start3A_190 = arith.constant 0 : i32
        %dma_start3A_191 = arith.constant 0 : i32
        %dma_start3A_192 = tpu.memref_slice %arg9[%dma_start3A_189, %dma_start3A_190, %dma_start3A_191] : memref<2x128x128xf32, #tpu.memory_space<vmem>> -> memref<1x128x128xf32, #tpu.memory_space<vmem>>
        %dma_start3A_193 = tpu.memref_squeeze %dma_start3A_192 : memref<1x128x128xf32, #tpu.memory_space<vmem>> -> memref<128x128xf32, #tpu.memory_space<vmem>>
        %dma_start3A_194 = arith.constant 0 : i32
        %dma_start3A_195 = tpu.memref_slice %arg8[%dma_start3A_188, %dma_start3A_194] : memref<2x128xi32, #tpu.memory_space<vmem>> -> memref<1x128xi32, #tpu.memory_space<vmem>>
        %dma_start3A_196 = tpu.memref_squeeze %dma_start3A_195 : memref<1x128xi32, #tpu.memory_space<vmem>> -> memref<128xi32, #tpu.memory_space<vmem>>
        %dma_start3A_197 = arith.constant 0 : i32
        %dma_start3A_198 = arith.constant 0 : i32
        %dma_start3A_199 = tpu.memref_slice %arg2[%dma_start3A_197, %dma_start3A_198] : memref<100000x128xf32, #tpu.memory_space<hbm>> -> memref<100000x128xf32, #tpu.memory_space<hbm>>
        tpu.enqueue_indirect_dma source(%dma_start3A_199 : memref<100000x128xf32, #tpu.memory_space<hbm>>) target(%dma_start3A_193 : memref<128x128xf32, #tpu.memory_space<vmem>>) offsets(%dma_start3A_196 : memref<128xi32, #tpu.memory_space<vmem>>) semaphore(%arg15 : memref<!tpu.dma_semaphore, #tpu.memory_space<semaphore_mem>>)
        %dma_start3A_200 = arith.constant 0 : i32
        %dma_start3A_201 = arith.constant 0 : i32
        %dma_start3A_202 = arith.constant 0 : i32
        %dma_start3A_203 = arith.constant 0 : i32
        %dma_start3A_204 = tpu.memref_slice %arg10[%dma_start3A_201, %dma_start3A_202, %dma_start3A_203] : memref<2x128x16xf32, #tpu.memory_space<vmem>> -> memref<1x128x16xf32, #tpu.memory_space<vmem>>
        %dma_start3A_205 = tpu.memref_squeeze %dma_start3A_204 : memref<1x128x16xf32, #tpu.memory_space<vmem>> -> memref<128x16xf32, #tpu.memory_space<vmem>>
        %dma_start3A_206 = arith.constant 0 : i32
        %dma_start3A_207 = tpu.memref_slice %arg8[%dma_start3A_200, %dma_start3A_206] : memref<2x128xi32, #tpu.memory_space<vmem>> -> memref<1x128xi32, #tpu.memory_space<vmem>>
        %dma_start3A_208 = tpu.memref_squeeze %dma_start3A_207 : memref<1x128xi32, #tpu.memory_space<vmem>> -> memref<128xi32, #tpu.memory_space<vmem>>
        %dma_start3A_209 = arith.constant 0 : i32
        %dma_start3A_210 = arith.constant 0 : i32
        %dma_start3A_211 = tpu.memref_slice %arg3[%dma_start3A_209, %dma_start3A_210] : memref<100000x16xf32, #tpu.memory_space<hbm>> -> memref<100000x16xf32, #tpu.memory_space<hbm>>
        tpu.enqueue_indirect_dma source(%dma_start3A_211 : memref<100000x16xf32, #tpu.memory_space<hbm>>) target(%dma_start3A_205 : memref<128x16xf32, #tpu.memory_space<vmem>>) offsets(%dma_start3A_208 : memref<128xi32, #tpu.memory_space<vmem>>) semaphore(%arg17 : memref<!tpu.dma_semaphore, #tpu.memory_space<semaphore_mem>>)
      } else {
      }
      %lt3A_158 = arith.cmpi slt, %add3A_101, %sub3A_14 : i32
      %convert_element_type3A_159 = arith.extui %lt3A_158 : i1 to i32
      %cond3A_160 = arith.constant 0 : i32
      %cond3A_161 = arith.cmpi ne, %convert_element_type3A_159, %cond3A_160 : i32
      scf.if %cond3A_161 {
        %dma_wait3A_182 = arith.constant 1 : i32
        %dma_wait3A_183 = arith.constant 0 : i32
        %dma_wait3A_184 = arith.constant 0 : i32
        %dma_wait3A_185 = tpu.memref_slice %arg9[%dma_wait3A_182, %dma_wait3A_183, %dma_wait3A_184] : memref<2x128x128xf32, #tpu.memory_space<vmem>> -> memref<1x128x128xf32, #tpu.memory_space<vmem>>
        %dma_wait3A_186 = tpu.memref_squeeze %dma_wait3A_185 : memref<1x128x128xf32, #tpu.memory_space<vmem>> -> memref<128x128xf32, #tpu.memory_space<vmem>>
        %dma_wait3A_187 = arith.constant 0 : i32
        %dma_wait3A_188 = arith.constant 0 : i32
        %dma_wait3A_189 = tpu.memref_slice %arg2[%dma_wait3A_187, %dma_wait3A_188] : memref<100000x128xf32, #tpu.memory_space<hbm>> -> memref<128x128xf32, #tpu.memory_space<hbm>>
        %dma_wait3A_190 = arith.constant 0 : i32
        %dma_wait3A_191 = arith.constant 0 : i32
        %dma_wait3A_192 = tpu.memref_slice %arg9[%dma_wait3A_182, %dma_wait3A_190, %dma_wait3A_191] : memref<2x128x128xf32, #tpu.memory_space<vmem>> -> memref<1x128x128xf32, #tpu.memory_space<vmem>>
        %dma_wait3A_193 = tpu.memref_squeeze %dma_wait3A_192 : memref<1x128x128xf32, #tpu.memory_space<vmem>> -> memref<128x128xf32, #tpu.memory_space<vmem>>
        %dma_wait3A_194 = arith.constant 0 : i32
        %dma_wait3A_195 = arith.constant 0 : i32
        %dma_wait3A_196 = tpu.memref_slice %arg2[%dma_wait3A_194, %dma_wait3A_195] : memref<100000x128xf32, #tpu.memory_space<hbm>> -> memref<128x128xf32, #tpu.memory_space<hbm>>
        tpu.wait_dma2 semaphore(%arg16 : memref<!tpu.dma_semaphore, #tpu.memory_space<semaphore_mem>>) src(%dma_wait3A_196 : memref<128x128xf32, #tpu.memory_space<hbm>>) dst(%dma_wait3A_193 : memref<128x128xf32, #tpu.memory_space<vmem>>)
        %dma_wait3A_197 = arith.constant 1 : i32
        %dma_wait3A_198 = arith.constant 0 : i32
        %dma_wait3A_199 = arith.constant 0 : i32
        %dma_wait3A_200 = tpu.memref_slice %arg10[%dma_wait3A_197, %dma_wait3A_198, %dma_wait3A_199] : memref<2x128x16xf32, #tpu.memory_space<vmem>> -> memref<1x128x16xf32, #tpu.memory_space<vmem>>
        %dma_wait3A_201 = tpu.memref_squeeze %dma_wait3A_200 : memref<1x128x16xf32, #tpu.memory_space<vmem>> -> memref<128x16xf32, #tpu.memory_space<vmem>>
        %dma_wait3A_202 = arith.constant 0 : i32
        %dma_wait3A_203 = arith.constant 0 : i32
        %dma_wait3A_204 = tpu.memref_slice %arg3[%dma_wait3A_202, %dma_wait3A_203] : memref<100000x16xf32, #tpu.memory_space<hbm>> -> memref<128x16xf32, #tpu.memory_space<hbm>>
        %dma_wait3A_205 = arith.constant 0 : i32
        %dma_wait3A_206 = arith.constant 0 : i32
        %dma_wait3A_207 = tpu.memref_slice %arg10[%dma_wait3A_197, %dma_wait3A_205, %dma_wait3A_206] : memref<2x128x16xf32, #tpu.memory_space<vmem>> -> memref<1x128x16xf32, #tpu.memory_space<vmem>>
        %dma_wait3A_208 = tpu.memref_squeeze %dma_wait3A_207 : memref<1x128x16xf32, #tpu.memory_space<vmem>> -> memref<128x16xf32, #tpu.memory_space<vmem>>
        %dma_wait3A_209 = arith.constant 0 : i32
        %dma_wait3A_210 = arith.constant 0 : i32
        %dma_wait3A_211 = tpu.memref_slice %arg3[%dma_wait3A_209, %dma_wait3A_210] : memref<100000x16xf32, #tpu.memory_space<hbm>> -> memref<128x16xf32, #tpu.memory_space<hbm>>
        tpu.wait_dma2 semaphore(%arg18 : memref<!tpu.dma_semaphore, #tpu.memory_space<semaphore_mem>>) src(%dma_wait3A_211 : memref<128x16xf32, #tpu.memory_space<hbm>>) dst(%dma_wait3A_208 : memref<128x16xf32, #tpu.memory_space<vmem>>)
      } else {
      }
      %add3A_162 = arith.addi %shift_right_logical3A_8, %add3A_101 : i32
      %mul3A_163 = arith.constant 128 : i32
      %mul3A_164 = arith.muli %add3A_162, %mul3A_163 : i32
      %sub3A_165 = arith.subi %get3A_4, %mul3A_164 : i32
      %max3A_166 = arith.constant 0 : i32
      %max3A_167 = arith.maxsi %sub3A_165, %max3A_166 : i32
      %sub3A_168 = arith.subi %get3A_7, %mul3A_164 : i32
      %min3A_169 = arith.constant 128 : i32
      %min3A_170 = arith.minsi %sub3A_168, %min3A_169 : i32
      %max3A_171 = arith.maxsi %max3A_167, %min3A_170 : i32
      %while3A_172 = arith.subi %max3A_171, %max3A_167 : i32
      %while3A_173 = arith.addi %max3A_167, %while3A_172 : i32
      %while3A_174 = arith.constant 1 : i32
      %while3A_175 = arith.divsi %while3A_172, %while3A_174 : i32
      %while3A_176 = arith.muli %while3A_175, %while3A_174 : i32
      %while3A_177 = arith.addi %max3A_167, %while3A_176 : i32
      %while3A_178 = arith.constant 1 : i32
      %while3A_179:14 = scf.for %while3A_182 = %max3A_167 to %while3A_177 step %while3A_178 iter_args(%while3A_183 = %while3A_151#0, %while3A_184 = %while3A_151#1, %while3A_185 = %while3A_151#2, %while3A_186 = %while3A_151#3, %while3A_187 = %while3A_151#4, %while3A_188 = %while3A_151#5, %while3A_189 = %while3A_151#6, %while3A_190 = %while3A_151#7, %while3A_191 = %while3A_151#8, %while3A_192 = %while3A_151#9, %while3A_193 = %while3A_151#10, %while3A_194 = %while3A_151#11, %while3A_195 = %while3A_151#12, %while3A_196 = %while3A_151#13) -> (i32, i32, i32, i32, i32, vector<16xf32>, vector<16xf32>, vector<16xf32>, vector<16xf32>, vector<16xf32>, vector<16xf32>, vector<16xf32>, vector<16xf32>, vector<16xf32>)  : i32 {
        %get3A_197 = arith.constant 1 : i32
        %get3A_198 = arith.index_cast %get3A_197 : i32 to index
        %get3A_199 = arith.index_cast %while3A_182 : i32 to index
        %get3A_200 = arith.constant 0 : index
        %get3A_201 = tpu.vector_load %arg9[%get3A_198, %get3A_199, %get3A_200] {strides = array<i32>} : memref<2x128x128xf32, #tpu.memory_space<vmem>>, vector<16xf32>,
        %max3A_202 = arith.maximumf %while3A_189, %get3A_201 : vector<16xf32>
        %get3A_203 = arith.constant 1 : i32
        %get3A_204 = arith.index_cast %get3A_203 : i32 to index
        %get3A_205 = arith.index_cast %while3A_182 : i32 to index
        %get3A_206 = arith.constant 16 : index
        %get3A_207 = tpu.vector_load %arg9[%get3A_204, %get3A_205, %get3A_206] {strides = array<i32>} : memref<2x128x128xf32, #tpu.memory_space<vmem>>, vector<16xf32>,
        %max3A_208 = arith.maximumf %while3A_190, %get3A_207 : vector<16xf32>
        %get3A_209 = arith.constant 1 : i32
        %get3A_210 = arith.index_cast %get3A_209 : i32 to index
        %get3A_211 = arith.index_cast %while3A_182 : i32 to index
        %get3A_212 = arith.constant 32 : index
        %get3A_213 = tpu.vector_load %arg9[%get3A_210, %get3A_211, %get3A_212] {strides = array<i32>} : memref<2x128x128xf32, #tpu.memory_space<vmem>>, vector<16xf32>,
        %max3A_214 = arith.maximumf %while3A_191, %get3A_213 : vector<16xf32>
        %get3A_215 = arith.constant 1 : i32
        %get3A_216 = arith.index_cast %get3A_215 : i32 to index
        %get3A_217 = arith.index_cast %while3A_182 : i32 to index
        %get3A_218 = arith.constant 48 : index
        %get3A_219 = tpu.vector_load %arg9[%get3A_216, %get3A_217, %get3A_218] {strides = array<i32>} : memref<2x128x128xf32, #tpu.memory_space<vmem>>, vector<16xf32>,
        %max3A_220 = arith.maximumf %while3A_192, %get3A_219 : vector<16xf32>
        %get3A_221 = arith.constant 1 : i32
        %get3A_222 = arith.index_cast %get3A_221 : i32 to index
        %get3A_223 = arith.index_cast %while3A_182 : i32 to index
        %get3A_224 = arith.constant 64 : index
        %get3A_225 = tpu.vector_load %arg9[%get3A_222, %get3A_223, %get3A_224] {strides = array<i32>} : memref<2x128x128xf32, #tpu.memory_space<vmem>>, vector<16xf32>,
        %max3A_226 = arith.maximumf %while3A_193, %get3A_225 : vector<16xf32>
        %get3A_227 = arith.constant 1 : i32
        %get3A_228 = arith.index_cast %get3A_227 : i32 to index
        %get3A_229 = arith.index_cast %while3A_182 : i32 to index
        %get3A_230 = arith.constant 80 : index
        %get3A_231 = tpu.vector_load %arg9[%get3A_228, %get3A_229, %get3A_230] {strides = array<i32>} : memref<2x128x128xf32, #tpu.memory_space<vmem>>, vector<16xf32>,
        %max3A_232 = arith.maximumf %while3A_194, %get3A_231 : vector<16xf32>
        %get3A_233 = arith.constant 1 : i32
        %get3A_234 = arith.index_cast %get3A_233 : i32 to index
        %get3A_235 = arith.index_cast %while3A_182 : i32 to index
        %get3A_236 = arith.constant 96 : index
        %get3A_237 = tpu.vector_load %arg9[%get3A_234, %get3A_235, %get3A_236] {strides = array<i32>} : memref<2x128x128xf32, #tpu.memory_space<vmem>>, vector<16xf32>,
        %max3A_238 = arith.maximumf %while3A_195, %get3A_237 : vector<16xf32>
        %get3A_239 = arith.constant 1 : i32
        %get3A_240 = arith.index_cast %get3A_239 : i32 to index
        %get3A_241 = arith.index_cast %while3A_182 : i32 to index
        %get3A_242 = arith.constant 112 : index
        %get3A_243 = tpu.vector_load %arg9[%get3A_240, %get3A_241, %get3A_242] {strides = array<i32>} : memref<2x128x128xf32, #tpu.memory_space<vmem>>, vector<16xf32>,
        %max3A_244 = arith.maximumf %while3A_196, %get3A_243 : vector<16xf32>
        %get3A_245 = arith.constant 1 : i32
        %get3A_246 = arith.index_cast %get3A_245 : i32 to index
        %get3A_247 = arith.index_cast %while3A_182 : i32 to index
        %get3A_248 = arith.constant 0 : index
        %get3A_249 = tpu.vector_load %arg10[%get3A_246, %get3A_247, %get3A_248] {strides = array<i32>} : memref<2x128x16xf32, #tpu.memory_space<vmem>>, vector<16xf32>,
        %add3A_250 = arith.addf %while3A_188, %get3A_249 : vector<16xf32>
        %add3A_251 = arith.addi %mul3A_164, %while3A_182 : i32
        %add3A_252 = arith.constant 1 : i32
        %add3A_253 = arith.addi %add3A_251, %add3A_252 : i32
        %eq3A = arith.cmpi eq, %add3A_253, %while3A_187 : i32
        %convert_element_type3A_254 = arith.extui %eq3A : i1 to i32
        %cond3A_255 = arith.constant 0 : i32
        %cond3A_256 = arith.constant 0 : i32
        %cond3A_257 = arith.cmpi ne, %convert_element_type3A_254, %cond3A_256 : i32
        %cond3A_258:14 = scf.if %cond3A_257 -> (i32, i32, i32, i32, i32, vector<16xf32>, vector<16xf32>, vector<16xf32>, vector<16xf32>, vector<16xf32>, vector<16xf32>, vector<16xf32>, vector<16xf32>, vector<16xf32>) {
          %swap3A = arith.index_cast %while3A_184 : i32 to index
          %swap3A_259 = arith.constant 0 : index
          %swap3A_260 = tpu.vector_load %arg13[%swap3A, %swap3A_259] {strides = array<i32>} : memref<112x128xf32, #tpu.memory_space<vmem>>, vector<16xf32>,
          tpu.vector_store %arg13[%swap3A, %swap3A_259], %max3A_202 {strides = array<i32>} : memref<112x128xf32, #tpu.memory_space<vmem>>, vector<16xf32>,
          %swap3A_261 = arith.index_cast %while3A_184 : i32 to index
          %swap3A_262 = arith.constant 16 : index
          %swap3A_263 = tpu.vector_load %arg13[%swap3A_261, %swap3A_262] {strides = array<i32>} : memref<112x128xf32, #tpu.memory_space<vmem>>, vector<16xf32>,
          tpu.vector_store %arg13[%swap3A_261, %swap3A_262], %max3A_208 {strides = array<i32>} : memref<112x128xf32, #tpu.memory_space<vmem>>, vector<16xf32>,
          %swap3A_264 = arith.index_cast %while3A_184 : i32 to index
          %swap3A_265 = arith.constant 32 : index
          %swap3A_266 = tpu.vector_load %arg13[%swap3A_264, %swap3A_265] {strides = array<i32>} : memref<112x128xf32, #tpu.memory_space<vmem>>, vector<16xf32>,
          tpu.vector_store %arg13[%swap3A_264, %swap3A_265], %max3A_214 {strides = array<i32>} : memref<112x128xf32, #tpu.memory_space<vmem>>, vector<16xf32>,
          %swap3A_267 = arith.index_cast %while3A_184 : i32 to index
          %swap3A_268 = arith.constant 48 : index
          %swap3A_269 = tpu.vector_load %arg13[%swap3A_267, %swap3A_268] {strides = array<i32>} : memref<112x128xf32, #tpu.memory_space<vmem>>, vector<16xf32>,
          tpu.vector_store %arg13[%swap3A_267, %swap3A_268], %max3A_220 {strides = array<i32>} : memref<112x128xf32, #tpu.memory_space<vmem>>, vector<16xf32>,
          %swap3A_270 = arith.index_cast %while3A_184 : i32 to index
          %swap3A_271 = arith.constant 64 : index
          %swap3A_272 = tpu.vector_load %arg13[%swap3A_270, %swap3A_271] {strides = array<i32>} : memref<112x128xf32, #tpu.memory_space<vmem>>, vector<16xf32>,
          tpu.vector_store %arg13[%swap3A_270, %swap3A_271], %max3A_226 {strides = array<i32>} : memref<112x128xf32, #tpu.memory_space<vmem>>, vector<16xf32>,
          %swap3A_273 = arith.index_cast %while3A_184 : i32 to index
          %swap3A_274 = arith.constant 80 : index
          %swap3A_275 = tpu.vector_load %arg13[%swap3A_273, %swap3A_274] {strides = array<i32>} : memref<112x128xf32, #tpu.memory_space<vmem>>, vector<16xf32>,
          tpu.vector_store %arg13[%swap3A_273, %swap3A_274], %max3A_232 {strides = array<i32>} : memref<112x128xf32, #tpu.memory_space<vmem>>, vector<16xf32>,
          %swap3A_276 = arith.index_cast %while3A_184 : i32 to index
          %swap3A_277 = arith.constant 96 : index
          %swap3A_278 = tpu.vector_load %arg13[%swap3A_276, %swap3A_277] {strides = array<i32>} : memref<112x128xf32, #tpu.memory_space<vmem>>, vector<16xf32>,
          tpu.vector_store %arg13[%swap3A_276, %swap3A_277], %max3A_238 {strides = array<i32>} : memref<112x128xf32, #tpu.memory_space<vmem>>, vector<16xf32>,
          %swap3A_279 = arith.index_cast %while3A_184 : i32 to index
          %swap3A_280 = arith.constant 112 : index
          %swap3A_281 = tpu.vector_load %arg13[%swap3A_279, %swap3A_280] {strides = array<i32>} : memref<112x128xf32, #tpu.memory_space<vmem>>, vector<16xf32>,
          tpu.vector_store %arg13[%swap3A_279, %swap3A_280], %max3A_244 {strides = array<i32>} : memref<112x128xf32, #tpu.memory_space<vmem>>, vector<16xf32>,
          %swap3A_282 = arith.index_cast %while3A_184 : i32 to index
          %swap3A_283 = arith.constant 0 : index
          %swap3A_284 = tpu.vector_load %arg14[%swap3A_282, %swap3A_283] {strides = array<i32>} : memref<112x16xf32, #tpu.memory_space<vmem>>, vector<16xf32>,
          tpu.vector_store %arg14[%swap3A_282, %swap3A_283], %add3A_250 {strides = array<i32>} : memref<112x16xf32, #tpu.memory_space<vmem>>, vector<16xf32>,
          %add3A_285 = arith.constant 1 : i32
          %add3A_286 = arith.addi %while3A_183, %add3A_285 : i32
          %add3A_287 = arith.constant 1 : i32
          %add3A_288 = arith.addi %while3A_185, %add3A_287 : i32
          %eq3A_289 = arith.constant 56 : i32
          %eq3A_290 = arith.cmpi eq, %add3A_288, %eq3A_289 : i32
          %convert_element_type3A_291 = arith.extui %eq3A_290 : i1 to i32
          %cond3A_292 = arith.constant 0 : i32
          %cond3A_293 = arith.cmpi ne, %convert_element_type3A_291, %cond3A_292 : i32
          scf.if %cond3A_293 {
            %add3A_315 = arith.constant 1 : i32
            %add3A_316 = arith.addi %while3A_184, %add3A_315 : i32
            %sub3A_317 = arith.constant 56 : i32
            %sub3A_318 = arith.subi %add3A_316, %sub3A_317 : i32
            "tpu.region"() ({
              %run_scoped3A_319 = tpu.sem_alloc : memref<!tpu.dma_semaphore, #tpu.memory_space<semaphore_mem>>
              %dma_start3A_320 = arith.constant 0 : i32
              %dma_start3A_321 = tpu.memref_slice %arg13[%sub3A_318, %dma_start3A_320] : memref<112x128xf32, #tpu.memory_space<vmem>> -> memref<56x128xf32, #tpu.memory_space<vmem>>
              %dma_start3A_322 = arith.constant 0 : i32
              %dma_start3A_323 = tpu.memref_slice %arg6[%while3A_186, %dma_start3A_322] : memref<25088x128xf32, #tpu.memory_space<hbm>> -> memref<56x128xf32, #tpu.memory_space<hbm>>
              %dma_start3A_324 = arith.constant 0 : i32
              %dma_start3A_325 = tpu.memref_slice %arg6[%while3A_186, %dma_start3A_324] : memref<25088x128xf32, #tpu.memory_space<hbm>> -> memref<56x128xf32, #tpu.memory_space<hbm>>
              %dma_start3A_326 = arith.constant 0 : i32
              %dma_start3A_327 = tpu.memref_slice %arg13[%sub3A_318, %dma_start3A_326] : memref<112x128xf32, #tpu.memory_space<vmem>> -> memref<56x128xf32, #tpu.memory_space<vmem>>
              tpu.enqueue_dma source(%dma_start3A_327 : memref<56x128xf32, #tpu.memory_space<vmem>>) target(%dma_start3A_325 : memref<56x128xf32, #tpu.memory_space<hbm>>) target_semaphore(%run_scoped3A_319 : memref<!tpu.dma_semaphore, #tpu.memory_space<semaphore_mem>>)
              %dma_wait3A_328 = arith.constant 0 : i32
              %dma_wait3A_329 = tpu.memref_slice %arg13[%sub3A_318, %dma_wait3A_328] : memref<112x128xf32, #tpu.memory_space<vmem>> -> memref<56x128xf32, #tpu.memory_space<vmem>>
              %dma_wait3A_330 = arith.constant 0 : i32
              %dma_wait3A_331 = tpu.memref_slice %arg6[%while3A_186, %dma_wait3A_330] : memref<25088x128xf32, #tpu.memory_space<hbm>> -> memref<56x128xf32, #tpu.memory_space<hbm>>
              %dma_wait3A_332 = arith.constant 0 : i32
              %dma_wait3A_333 = tpu.memref_slice %arg6[%while3A_186, %dma_wait3A_332] : memref<25088x128xf32, #tpu.memory_space<hbm>> -> memref<56x128xf32, #tpu.memory_space<hbm>>
              %dma_wait3A_334 = arith.constant 0 : i32
              %dma_wait3A_335 = tpu.memref_slice %arg13[%sub3A_318, %dma_wait3A_334] : memref<112x128xf32, #tpu.memory_space<vmem>> -> memref<56x128xf32, #tpu.memory_space<vmem>>
              tpu.wait_dma2 semaphore(%run_scoped3A_319 : memref<!tpu.dma_semaphore, #tpu.memory_space<semaphore_mem>>) src(%dma_wait3A_335 : memref<56x128xf32, #tpu.memory_space<vmem>>) dst(%dma_wait3A_333 : memref<56x128xf32, #tpu.memory_space<hbm>>)
              tpu.yield
            }) : () -> ()
            "tpu.region"() ({
              %run_scoped3A_319 = tpu.sem_alloc : memref<!tpu.dma_semaphore, #tpu.memory_space<semaphore_mem>>
              %dma_start3A_320 = arith.constant 0 : i32
              %dma_start3A_321 = tpu.memref_slice %arg14[%sub3A_318, %dma_start3A_320] : memref<112x16xf32, #tpu.memory_space<vmem>> -> memref<56x16xf32, #tpu.memory_space<vmem>>
              %dma_start3A_322 = arith.constant 0 : i32
              %dma_start3A_323 = tpu.memref_slice %arg7[%while3A_186, %dma_start3A_322] : memref<25088x16xf32, #tpu.memory_space<hbm>> -> memref<56x16xf32, #tpu.memory_space<hbm>>
              %dma_start3A_324 = arith.constant 0 : i32
              %dma_start3A_325 = tpu.memref_slice %arg7[%while3A_186, %dma_start3A_324] : memref<25088x16xf32, #tpu.memory_space<hbm>> -> memref<56x16xf32, #tpu.memory_space<hbm>>
              %dma_start3A_326 = arith.constant 0 : i32
              %dma_start3A_327 = tpu.memref_slice %arg14[%sub3A_318, %dma_start3A_326] : memref<112x16xf32, #tpu.memory_space<vmem>> -> memref<56x16xf32, #tpu.memory_space<vmem>>
              tpu.enqueue_dma source(%dma_start3A_327 : memref<56x16xf32, #tpu.memory_space<vmem>>) target(%dma_start3A_325 : memref<56x16xf32, #tpu.memory_space<hbm>>) target_semaphore(%run_scoped3A_319 : memref<!tpu.dma_semaphore, #tpu.memory_space<semaphore_mem>>)
              %dma_wait3A_328 = arith.constant 0 : i32
              %dma_wait3A_329 = tpu.memref_slice %arg14[%sub3A_318, %dma_wait3A_328] : memref<112x16xf32, #tpu.memory_space<vmem>> -> memref<56x16xf32, #tpu.memory_space<vmem>>
              %dma_wait3A_330 = arith.constant 0 : i32
              %dma_wait3A_331 = tpu.memref_slice %arg7[%while3A_186, %dma_wait3A_330] : memref<25088x16xf32, #tpu.memory_space<hbm>> -> memref<56x16xf32, #tpu.memory_space<hbm>>
              %dma_wait3A_332 = arith.constant 0 : i32
              %dma_wait3A_333 = tpu.memref_slice %arg7[%while3A_186, %dma_wait3A_332] : memref<25088x16xf32, #tpu.memory_space<hbm>> -> memref<56x16xf32, #tpu.memory_space<hbm>>
              %dma_wait3A_334 = arith.constant 0 : i32
              %dma_wait3A_335 = tpu.memref_slice %arg14[%sub3A_318, %dma_wait3A_334] : memref<112x16xf32, #tpu.memory_space<vmem>> -> memref<56x16xf32, #tpu.memory_space<vmem>>
              tpu.wait_dma2 semaphore(%run_scoped3A_319 : memref<!tpu.dma_semaphore, #tpu.memory_space<semaphore_mem>>) src(%dma_wait3A_335 : memref<56x16xf32, #tpu.memory_space<vmem>>) dst(%dma_wait3A_333 : memref<56x16xf32, #tpu.memory_space<hbm>>)
              tpu.yield
            }) : () -> ()
          } else {
          }
          %add3A_294 = arith.constant 1 : i32
          %add3A_295 = arith.addi %while3A_184, %add3A_294 : i32
          %eq3A_296 = arith.constant 112 : i32
          %eq3A_297 = arith.cmpi eq, %add3A_295, %eq3A_296 : i32
          %add3A_298 = arith.constant 1 : i32
          %add3A_299 = arith.addi %while3A_184, %add3A_298 : i32
          %jit3A_300 = arith.constant 0 : i32
          %select_n3A_301 = arith.select %eq3A_297, %jit3A_300, %add3A_299 : i32
          %jit3A_302 = arith.constant 0 : i32
          %select_n3A_303 = arith.select %eq3A_290, %jit3A_302, %add3A_288 : i32
          %add3A_304 = arith.constant 56 : i32
          %add3A_305 = arith.addi %while3A_186, %add3A_304 : i32
          %select_n3A_306 = arith.select %eq3A_290, %add3A_305, %while3A_186 : i32
          %add3A_307 = arith.constant 1 : i32
          %add3A_308 = arith.addi %add3A_286, %add3A_307 : i32
          %get3A_309 = arith.index_cast %add3A_308 : i32 to index
          %get3A_310 = memref.load %arg11[%get3A_309] : memref<808xi32, #tpu.memory_space<smem>>
          %broadcast_in_dim3A_311 = arith.constant -3.40282347E+38 : f32
          %broadcast_in_dim3A_312 = vector.broadcast %broadcast_in_dim3A_311 : f32 to vector<16xf32>
          %broadcast_in_dim3A_313 = arith.constant 0.000000e+00 : f32
          %broadcast_in_dim3A_314 = vector.broadcast %broadcast_in_dim3A_313 : f32 to vector<16xf32>
          scf.yield %add3A_286, %select_n3A_301, %select_n3A_303, %select_n3A_306, %get3A_310, %broadcast_in_dim3A_314, %broadcast_in_dim3A_312, %broadcast_in_dim3A_312, %broadcast_in_dim3A_312, %broadcast_in_dim3A_312, %broadcast_in_dim3A_312, %broadcast_in_dim3A_312, %broadcast_in_dim3A_312, %broadcast_in_dim3A_312 : i32, i32, i32, i32, i32, vector<16xf32>, vector<16xf32>, vector<16xf32>, vector<16xf32>, vector<16xf32>, vector<16xf32>, vector<16xf32>, vector<16xf32>, vector<16xf32>
        } else {
          scf.yield %while3A_183, %while3A_184, %while3A_185, %while3A_186, %while3A_187, %add3A_250, %max3A_202, %max3A_208, %max3A_214, %max3A_220, %max3A_226, %max3A_232, %max3A_238, %max3A_244 : i32, i32, i32, i32, i32, vector<16xf32>, vector<16xf32>, vector<16xf32>, vector<16xf32>, vector<16xf32>, vector<16xf32>, vector<16xf32>, vector<16xf32>, vector<16xf32>
        }
        scf.yield %cond3A_258#0, %cond3A_258#1, %cond3A_258#2, %cond3A_258#3, %cond3A_258#4, %cond3A_258#5, %cond3A_258#6, %cond3A_258#7, %cond3A_258#8, %cond3A_258#9, %cond3A_258#10, %cond3A_258#11, %cond3A_258#12, %cond3A_258#13 : i32, i32, i32, i32, i32, vector<16xf32>, vector<16xf32>, vector<16xf32>, vector<16xf32>, vector<16xf32>, vector<16xf32>, vector<16xf32>, vector<16xf32>, vector<16xf32>
      }
      %while3A_180 = arith.constant 1 : i32
      %while3A_181:14 = scf.for %while3A_182 = %while3A_177 to %while3A_173 step %while3A_180 iter_args(%while3A_183 = %while3A_179#0, %while3A_184 = %while3A_179#1, %while3A_185 = %while3A_179#2, %while3A_186 = %while3A_179#3, %while3A_187 = %while3A_179#4, %while3A_188 = %while3A_179#5, %while3A_189 = %while3A_179#6, %while3A_190 = %while3A_179#7, %while3A_191 = %while3A_179#8, %while3A_192 = %while3A_179#9, %while3A_193 = %while3A_179#10, %while3A_194 = %while3A_179#11, %while3A_195 = %while3A_179#12, %while3A_196 = %while3A_179#13) -> (i32, i32, i32, i32, i32, vector<16xf32>, vector<16xf32>, vector<16xf32>, vector<16xf32>, vector<16xf32>, vector<16xf32>, vector<16xf32>, vector<16xf32>, vector<16xf32>)  : i32 {
        %get3A_197 = arith.constant 1 : i32
        %get3A_198 = arith.index_cast %get3A_197 : i32 to index
        %get3A_199 = arith.index_cast %while3A_182 : i32 to index
        %get3A_200 = arith.constant 0 : index
        %get3A_201 = tpu.vector_load %arg9[%get3A_198, %get3A_199, %get3A_200] {strides = array<i32>} : memref<2x128x128xf32, #tpu.memory_space<vmem>>, vector<16xf32>,
        %max3A_202 = arith.maximumf %while3A_189, %get3A_201 : vector<16xf32>
        %get3A_203 = arith.constant 1 : i32
        %get3A_204 = arith.index_cast %get3A_203 : i32 to index
        %get3A_205 = arith.index_cast %while3A_182 : i32 to index
        %get3A_206 = arith.constant 16 : index
        %get3A_207 = tpu.vector_load %arg9[%get3A_204, %get3A_205, %get3A_206] {strides = array<i32>} : memref<2x128x128xf32, #tpu.memory_space<vmem>>, vector<16xf32>,
        %max3A_208 = arith.maximumf %while3A_190, %get3A_207 : vector<16xf32>
        %get3A_209 = arith.constant 1 : i32
        %get3A_210 = arith.index_cast %get3A_209 : i32 to index
        %get3A_211 = arith.index_cast %while3A_182 : i32 to index
        %get3A_212 = arith.constant 32 : index
        %get3A_213 = tpu.vector_load %arg9[%get3A_210, %get3A_211, %get3A_212] {strides = array<i32>} : memref<2x128x128xf32, #tpu.memory_space<vmem>>, vector<16xf32>,
        %max3A_214 = arith.maximumf %while3A_191, %get3A_213 : vector<16xf32>
        %get3A_215 = arith.constant 1 : i32
        %get3A_216 = arith.index_cast %get3A_215 : i32 to index
        %get3A_217 = arith.index_cast %while3A_182 : i32 to index
        %get3A_218 = arith.constant 48 : index
        %get3A_219 = tpu.vector_load %arg9[%get3A_216, %get3A_217, %get3A_218] {strides = array<i32>} : memref<2x128x128xf32, #tpu.memory_space<vmem>>, vector<16xf32>,
        %max3A_220 = arith.maximumf %while3A_192, %get3A_219 : vector<16xf32>
        %get3A_221 = arith.constant 1 : i32
        %get3A_222 = arith.index_cast %get3A_221 : i32 to index
        %get3A_223 = arith.index_cast %while3A_182 : i32 to index
        %get3A_224 = arith.constant 64 : index
        %get3A_225 = tpu.vector_load %arg9[%get3A_222, %get3A_223, %get3A_224] {strides = array<i32>} : memref<2x128x128xf32, #tpu.memory_space<vmem>>, vector<16xf32>,
        %max3A_226 = arith.maximumf %while3A_193, %get3A_225 : vector<16xf32>
        %get3A_227 = arith.constant 1 : i32
        %get3A_228 = arith.index_cast %get3A_227 : i32 to index
        %get3A_229 = arith.index_cast %while3A_182 : i32 to index
        %get3A_230 = arith.constant 80 : index
        %get3A_231 = tpu.vector_load %arg9[%get3A_228, %get3A_229, %get3A_230] {strides = array<i32>} : memref<2x128x128xf32, #tpu.memory_space<vmem>>, vector<16xf32>,
        %max3A_232 = arith.maximumf %while3A_194, %get3A_231 : vector<16xf32>
        %get3A_233 = arith.constant 1 : i32
        %get3A_234 = arith.index_cast %get3A_233 : i32 to index
        %get3A_235 = arith.index_cast %while3A_182 : i32 to index
        %get3A_236 = arith.constant 96 : index
        %get3A_237 = tpu.vector_load %arg9[%get3A_234, %get3A_235, %get3A_236] {strides = array<i32>} : memref<2x128x128xf32, #tpu.memory_space<vmem>>, vector<16xf32>,
        %max3A_238 = arith.maximumf %while3A_195, %get3A_237 : vector<16xf32>
        %get3A_239 = arith.constant 1 : i32
        %get3A_240 = arith.index_cast %get3A_239 : i32 to index
        %get3A_241 = arith.index_cast %while3A_182 : i32 to index
        %get3A_242 = arith.constant 112 : index
        %get3A_243 = tpu.vector_load %arg9[%get3A_240, %get3A_241, %get3A_242] {strides = array<i32>} : memref<2x128x128xf32, #tpu.memory_space<vmem>>, vector<16xf32>,
        %max3A_244 = arith.maximumf %while3A_196, %get3A_243 : vector<16xf32>
        %get3A_245 = arith.constant 1 : i32
        %get3A_246 = arith.index_cast %get3A_245 : i32 to index
        %get3A_247 = arith.index_cast %while3A_182 : i32 to index
        %get3A_248 = arith.constant 0 : index
        %get3A_249 = tpu.vector_load %arg10[%get3A_246, %get3A_247, %get3A_248] {strides = array<i32>} : memref<2x128x16xf32, #tpu.memory_space<vmem>>, vector<16xf32>,
        %add3A_250 = arith.addf %while3A_188, %get3A_249 : vector<16xf32>
        %add3A_251 = arith.addi %mul3A_164, %while3A_182 : i32
        %add3A_252 = arith.constant 1 : i32
        %add3A_253 = arith.addi %add3A_251, %add3A_252 : i32
        %eq3A = arith.cmpi eq, %add3A_253, %while3A_187 : i32
        %convert_element_type3A_254 = arith.extui %eq3A : i1 to i32
        %cond3A_255 = arith.constant 0 : i32
        %cond3A_256 = arith.constant 0 : i32
        %cond3A_257 = arith.cmpi ne, %convert_element_type3A_254, %cond3A_256 : i32
        %cond3A_258:14 = scf.if %cond3A_257 -> (i32, i32, i32, i32, i32, vector<16xf32>, vector<16xf32>, vector<16xf32>, vector<16xf32>, vector<16xf32>, vector<16xf32>, vector<16xf32>, vector<16xf32>, vector<16xf32>) {
          %swap3A = arith.index_cast %while3A_184 : i32 to index
          %swap3A_259 = arith.constant 0 : index
          %swap3A_260 = tpu.vector_load %arg13[%swap3A, %swap3A_259] {strides = array<i32>} : memref<112x128xf32, #tpu.memory_space<vmem>>, vector<16xf32>,
          tpu.vector_store %arg13[%swap3A, %swap3A_259], %max3A_202 {strides = array<i32>} : memref<112x128xf32, #tpu.memory_space<vmem>>, vector<16xf32>,
          %swap3A_261 = arith.index_cast %while3A_184 : i32 to index
          %swap3A_262 = arith.constant 16 : index
          %swap3A_263 = tpu.vector_load %arg13[%swap3A_261, %swap3A_262] {strides = array<i32>} : memref<112x128xf32, #tpu.memory_space<vmem>>, vector<16xf32>,
          tpu.vector_store %arg13[%swap3A_261, %swap3A_262], %max3A_208 {strides = array<i32>} : memref<112x128xf32, #tpu.memory_space<vmem>>, vector<16xf32>,
          %swap3A_264 = arith.index_cast %while3A_184 : i32 to index
          %swap3A_265 = arith.constant 32 : index
          %swap3A_266 = tpu.vector_load %arg13[%swap3A_264, %swap3A_265] {strides = array<i32>} : memref<112x128xf32, #tpu.memory_space<vmem>>, vector<16xf32>,
          tpu.vector_store %arg13[%swap3A_264, %swap3A_265], %max3A_214 {strides = array<i32>} : memref<112x128xf32, #tpu.memory_space<vmem>>, vector<16xf32>,
          %swap3A_267 = arith.index_cast %while3A_184 : i32 to index
          %swap3A_268 = arith.constant 48 : index
          %swap3A_269 = tpu.vector_load %arg13[%swap3A_267, %swap3A_268] {strides = array<i32>} : memref<112x128xf32, #tpu.memory_space<vmem>>, vector<16xf32>,
          tpu.vector_store %arg13[%swap3A_267, %swap3A_268], %max3A_220 {strides = array<i32>} : memref<112x128xf32, #tpu.memory_space<vmem>>, vector<16xf32>,
          %swap3A_270 = arith.index_cast %while3A_184 : i32 to index
          %swap3A_271 = arith.constant 64 : index
          %swap3A_272 = tpu.vector_load %arg13[%swap3A_270, %swap3A_271] {strides = array<i32>} : memref<112x128xf32, #tpu.memory_space<vmem>>, vector<16xf32>,
          tpu.vector_store %arg13[%swap3A_270, %swap3A_271], %max3A_226 {strides = array<i32>} : memref<112x128xf32, #tpu.memory_space<vmem>>, vector<16xf32>,
          %swap3A_273 = arith.index_cast %while3A_184 : i32 to index
          %swap3A_274 = arith.constant 80 : index
          %swap3A_275 = tpu.vector_load %arg13[%swap3A_273, %swap3A_274] {strides = array<i32>} : memref<112x128xf32, #tpu.memory_space<vmem>>, vector<16xf32>,
          tpu.vector_store %arg13[%swap3A_273, %swap3A_274], %max3A_232 {strides = array<i32>} : memref<112x128xf32, #tpu.memory_space<vmem>>, vector<16xf32>,
          %swap3A_276 = arith.index_cast %while3A_184 : i32 to index
          %swap3A_277 = arith.constant 96 : index
          %swap3A_278 = tpu.vector_load %arg13[%swap3A_276, %swap3A_277] {strides = array<i32>} : memref<112x128xf32, #tpu.memory_space<vmem>>, vector<16xf32>,
          tpu.vector_store %arg13[%swap3A_276, %swap3A_277], %max3A_238 {strides = array<i32>} : memref<112x128xf32, #tpu.memory_space<vmem>>, vector<16xf32>,
          %swap3A_279 = arith.index_cast %while3A_184 : i32 to index
          %swap3A_280 = arith.constant 112 : index
          %swap3A_281 = tpu.vector_load %arg13[%swap3A_279, %swap3A_280] {strides = array<i32>} : memref<112x128xf32, #tpu.memory_space<vmem>>, vector<16xf32>,
          tpu.vector_store %arg13[%swap3A_279, %swap3A_280], %max3A_244 {strides = array<i32>} : memref<112x128xf32, #tpu.memory_space<vmem>>, vector<16xf32>,
          %swap3A_282 = arith.index_cast %while3A_184 : i32 to index
          %swap3A_283 = arith.constant 0 : index
          %swap3A_284 = tpu.vector_load %arg14[%swap3A_282, %swap3A_283] {strides = array<i32>} : memref<112x16xf32, #tpu.memory_space<vmem>>, vector<16xf32>,
          tpu.vector_store %arg14[%swap3A_282, %swap3A_283], %add3A_250 {strides = array<i32>} : memref<112x16xf32, #tpu.memory_space<vmem>>, vector<16xf32>,
          %add3A_285 = arith.constant 1 : i32
          %add3A_286 = arith.addi %while3A_183, %add3A_285 : i32
          %add3A_287 = arith.constant 1 : i32
          %add3A_288 = arith.addi %while3A_185, %add3A_287 : i32
          %eq3A_289 = arith.constant 56 : i32
          %eq3A_290 = arith.cmpi eq, %add3A_288, %eq3A_289 : i32
          %convert_element_type3A_291 = arith.extui %eq3A_290 : i1 to i32
          %cond3A_292 = arith.constant 0 : i32
          %cond3A_293 = arith.cmpi ne, %convert_element_type3A_291, %cond3A_292 : i32
          scf.if %cond3A_293 {
            %add3A_315 = arith.constant 1 : i32
            %add3A_316 = arith.addi %while3A_184, %add3A_315 : i32
            %sub3A_317 = arith.constant 56 : i32
            %sub3A_318 = arith.subi %add3A_316, %sub3A_317 : i32
            "tpu.region"() ({
              %run_scoped3A_319 = tpu.sem_alloc : memref<!tpu.dma_semaphore, #tpu.memory_space<semaphore_mem>>
              %dma_start3A_320 = arith.constant 0 : i32
              %dma_start3A_321 = tpu.memref_slice %arg13[%sub3A_318, %dma_start3A_320] : memref<112x128xf32, #tpu.memory_space<vmem>> -> memref<56x128xf32, #tpu.memory_space<vmem>>
              %dma_start3A_322 = arith.constant 0 : i32
              %dma_start3A_323 = tpu.memref_slice %arg6[%while3A_186, %dma_start3A_322] : memref<25088x128xf32, #tpu.memory_space<hbm>> -> memref<56x128xf32, #tpu.memory_space<hbm>>
              %dma_start3A_324 = arith.constant 0 : i32
              %dma_start3A_325 = tpu.memref_slice %arg6[%while3A_186, %dma_start3A_324] : memref<25088x128xf32, #tpu.memory_space<hbm>> -> memref<56x128xf32, #tpu.memory_space<hbm>>
              %dma_start3A_326 = arith.constant 0 : i32
              %dma_start3A_327 = tpu.memref_slice %arg13[%sub3A_318, %dma_start3A_326] : memref<112x128xf32, #tpu.memory_space<vmem>> -> memref<56x128xf32, #tpu.memory_space<vmem>>
              tpu.enqueue_dma source(%dma_start3A_327 : memref<56x128xf32, #tpu.memory_space<vmem>>) target(%dma_start3A_325 : memref<56x128xf32, #tpu.memory_space<hbm>>) target_semaphore(%run_scoped3A_319 : memref<!tpu.dma_semaphore, #tpu.memory_space<semaphore_mem>>)
              %dma_wait3A_328 = arith.constant 0 : i32
              %dma_wait3A_329 = tpu.memref_slice %arg13[%sub3A_318, %dma_wait3A_328] : memref<112x128xf32, #tpu.memory_space<vmem>> -> memref<56x128xf32, #tpu.memory_space<vmem>>
              %dma_wait3A_330 = arith.constant 0 : i32
              %dma_wait3A_331 = tpu.memref_slice %arg6[%while3A_186, %dma_wait3A_330] : memref<25088x128xf32, #tpu.memory_space<hbm>> -> memref<56x128xf32, #tpu.memory_space<hbm>>
              %dma_wait3A_332 = arith.constant 0 : i32
              %dma_wait3A_333 = tpu.memref_slice %arg6[%while3A_186, %dma_wait3A_332] : memref<25088x128xf32, #tpu.memory_space<hbm>> -> memref<56x128xf32, #tpu.memory_space<hbm>>
              %dma_wait3A_334 = arith.constant 0 : i32
              %dma_wait3A_335 = tpu.memref_slice %arg13[%sub3A_318, %dma_wait3A_334] : memref<112x128xf32, #tpu.memory_space<vmem>> -> memref<56x128xf32, #tpu.memory_space<vmem>>
              tpu.wait_dma2 semaphore(%run_scoped3A_319 : memref<!tpu.dma_semaphore, #tpu.memory_space<semaphore_mem>>) src(%dma_wait3A_335 : memref<56x128xf32, #tpu.memory_space<vmem>>) dst(%dma_wait3A_333 : memref<56x128xf32, #tpu.memory_space<hbm>>)
              tpu.yield
            }) : () -> ()
            "tpu.region"() ({
              %run_scoped3A_319 = tpu.sem_alloc : memref<!tpu.dma_semaphore, #tpu.memory_space<semaphore_mem>>
              %dma_start3A_320 = arith.constant 0 : i32
              %dma_start3A_321 = tpu.memref_slice %arg14[%sub3A_318, %dma_start3A_320] : memref<112x16xf32, #tpu.memory_space<vmem>> -> memref<56x16xf32, #tpu.memory_space<vmem>>
              %dma_start3A_322 = arith.constant 0 : i32
              %dma_start3A_323 = tpu.memref_slice %arg7[%while3A_186, %dma_start3A_322] : memref<25088x16xf32, #tpu.memory_space<hbm>> -> memref<56x16xf32, #tpu.memory_space<hbm>>
              %dma_start3A_324 = arith.constant 0 : i32
              %dma_start3A_325 = tpu.memref_slice %arg7[%while3A_186, %dma_start3A_324] : memref<25088x16xf32, #tpu.memory_space<hbm>> -> memref<56x16xf32, #tpu.memory_space<hbm>>
              %dma_start3A_326 = arith.constant 0 : i32
              %dma_start3A_327 = tpu.memref_slice %arg14[%sub3A_318, %dma_start3A_326] : memref<112x16xf32, #tpu.memory_space<vmem>> -> memref<56x16xf32, #tpu.memory_space<vmem>>
              tpu.enqueue_dma source(%dma_start3A_327 : memref<56x16xf32, #tpu.memory_space<vmem>>) target(%dma_start3A_325 : memref<56x16xf32, #tpu.memory_space<hbm>>) target_semaphore(%run_scoped3A_319 : memref<!tpu.dma_semaphore, #tpu.memory_space<semaphore_mem>>)
              %dma_wait3A_328 = arith.constant 0 : i32
              %dma_wait3A_329 = tpu.memref_slice %arg14[%sub3A_318, %dma_wait3A_328] : memref<112x16xf32, #tpu.memory_space<vmem>> -> memref<56x16xf32, #tpu.memory_space<vmem>>
              %dma_wait3A_330 = arith.constant 0 : i32
              %dma_wait3A_331 = tpu.memref_slice %arg7[%while3A_186, %dma_wait3A_330] : memref<25088x16xf32, #tpu.memory_space<hbm>> -> memref<56x16xf32, #tpu.memory_space<hbm>>
              %dma_wait3A_332 = arith.constant 0 : i32
              %dma_wait3A_333 = tpu.memref_slice %arg7[%while3A_186, %dma_wait3A_332] : memref<25088x16xf32, #tpu.memory_space<hbm>> -> memref<56x16xf32, #tpu.memory_space<hbm>>
              %dma_wait3A_334 = arith.constant 0 : i32
              %dma_wait3A_335 = tpu.memref_slice %arg14[%sub3A_318, %dma_wait3A_334] : memref<112x16xf32, #tpu.memory_space<vmem>> -> memref<56x16xf32, #tpu.memory_space<vmem>>
              tpu.wait_dma2 semaphore(%run_scoped3A_319 : memref<!tpu.dma_semaphore, #tpu.memory_space<semaphore_mem>>) src(%dma_wait3A_335 : memref<56x16xf32, #tpu.memory_space<vmem>>) dst(%dma_wait3A_333 : memref<56x16xf32, #tpu.memory_space<hbm>>)
              tpu.yield
            }) : () -> ()
          } else {
          }
          %add3A_294 = arith.constant 1 : i32
          %add3A_295 = arith.addi %while3A_184, %add3A_294 : i32
          %eq3A_296 = arith.constant 112 : i32
          %eq3A_297 = arith.cmpi eq, %add3A_295, %eq3A_296 : i32
          %add3A_298 = arith.constant 1 : i32
          %add3A_299 = arith.addi %while3A_184, %add3A_298 : i32
          %jit3A_300 = arith.constant 0 : i32
          %select_n3A_301 = arith.select %eq3A_297, %jit3A_300, %add3A_299 : i32
          %jit3A_302 = arith.constant 0 : i32
          %select_n3A_303 = arith.select %eq3A_290, %jit3A_302, %add3A_288 : i32
          %add3A_304 = arith.constant 56 : i32
          %add3A_305 = arith.addi %while3A_186, %add3A_304 : i32
          %select_n3A_306 = arith.select %eq3A_290, %add3A_305, %while3A_186 : i32
          %add3A_307 = arith.constant 1 : i32
          %add3A_308 = arith.addi %add3A_286, %add3A_307 : i32
          %get3A_309 = arith.index_cast %add3A_308 : i32 to index
          %get3A_310 = memref.load %arg11[%get3A_309] : memref<808xi32, #tpu.memory_space<smem>>
          %broadcast_in_dim3A_311 = arith.constant -3.40282347E+38 : f32
          %broadcast_in_dim3A_312 = vector.broadcast %broadcast_in_dim3A_311 : f32 to vector<16xf32>
          %broadcast_in_dim3A_313 = arith.constant 0.000000e+00 : f32
          %broadcast_in_dim3A_314 = vector.broadcast %broadcast_in_dim3A_313 : f32 to vector<16xf32>
          scf.yield %add3A_286, %select_n3A_301, %select_n3A_303, %select_n3A_306, %get3A_310, %broadcast_in_dim3A_314, %broadcast_in_dim3A_312, %broadcast_in_dim3A_312, %broadcast_in_dim3A_312, %broadcast_in_dim3A_312, %broadcast_in_dim3A_312, %broadcast_in_dim3A_312, %broadcast_in_dim3A_312, %broadcast_in_dim3A_312 : i32, i32, i32, i32, i32, vector<16xf32>, vector<16xf32>, vector<16xf32>, vector<16xf32>, vector<16xf32>, vector<16xf32>, vector<16xf32>, vector<16xf32>, vector<16xf32>
        } else {
          scf.yield %while3A_183, %while3A_184, %while3A_185, %while3A_186, %while3A_187, %add3A_250, %max3A_202, %max3A_208, %max3A_214, %max3A_220, %max3A_226, %max3A_232, %max3A_238, %max3A_244 : i32, i32, i32, i32, i32, vector<16xf32>, vector<16xf32>, vector<16xf32>, vector<16xf32>, vector<16xf32>, vector<16xf32>, vector<16xf32>, vector<16xf32>, vector<16xf32>
        }
        scf.yield %cond3A_258#0, %cond3A_258#1, %cond3A_258#2, %cond3A_258#3, %cond3A_258#4, %cond3A_258#5, %cond3A_258#6, %cond3A_258#7, %cond3A_258#8, %cond3A_258#9, %cond3A_258#10, %cond3A_258#11, %cond3A_258#12, %cond3A_258#13 : i32, i32, i32, i32, i32, vector<16xf32>, vector<16xf32>, vector<16xf32>, vector<16xf32>, vector<16xf32>, vector<16xf32>, vector<16xf32>, vector<16xf32>, vector<16xf32>
      }
      scf.yield %while3A_181#0, %while3A_181#1, %while3A_181#2, %while3A_181#3, %while3A_181#4, %while3A_181#5, %while3A_181#6, %while3A_181#7, %while3A_181#8, %while3A_181#9, %while3A_181#10, %while3A_181#11, %while3A_181#12, %while3A_181#13 : i32, i32, i32, i32, i32, vector<16xf32>, vector<16xf32>, vector<16xf32>, vector<16xf32>, vector<16xf32>, vector<16xf32>, vector<16xf32>, vector<16xf32>, vector<16xf32>
    }
    %ne3A_80 = arith.constant 0 : i32
    %ne3A_81 = arith.cmpi ne, %while3A_79#2, %ne3A_80 : i32
    %convert_element_type3A = arith.extui %ne3A_81 : i1 to i32
    %cond3A = arith.constant 0 : i32
    %cond3A_82 = arith.cmpi ne, %convert_element_type3A, %cond3A : i32
    scf.if %cond3A_82 {
      %sub3A_83 = arith.subi %while3A_79#1, %while3A_79#2 : i32
      "tpu.region"() ({
        %run_scoped3A_84 = tpu.sem_alloc : memref<!tpu.dma_semaphore, #tpu.memory_space<semaphore_mem>>
        %dma_start3A_85 = arith.constant 0 : i32
        %dma_start3A_86 = tpu.memref_slice %arg13[%sub3A_83, %dma_start3A_85] : memref<112x128xf32, #tpu.memory_space<vmem>> -> memref<56x128xf32, #tpu.memory_space<vmem>>
        %dma_start3A_87 = arith.constant 0 : i32
        %dma_start3A_88 = tpu.memref_slice %arg6[%while3A_79#3, %dma_start3A_87] : memref<25088x128xf32, #tpu.memory_space<hbm>> -> memref<56x128xf32, #tpu.memory_space<hbm>>
        %dma_start3A_89 = arith.constant 0 : i32
        %dma_start3A_90 = tpu.memref_slice %arg6[%while3A_79#3, %dma_start3A_89] : memref<25088x128xf32, #tpu.memory_space<hbm>> -> memref<56x128xf32, #tpu.memory_space<hbm>>
        %dma_start3A_91 = arith.constant 0 : i32
        %dma_start3A_92 = tpu.memref_slice %arg13[%sub3A_83, %dma_start3A_91] : memref<112x128xf32, #tpu.memory_space<vmem>> -> memref<56x128xf32, #tpu.memory_space<vmem>>
        tpu.enqueue_dma source(%dma_start3A_92 : memref<56x128xf32, #tpu.memory_space<vmem>>) target(%dma_start3A_90 : memref<56x128xf32, #tpu.memory_space<hbm>>) target_semaphore(%run_scoped3A_84 : memref<!tpu.dma_semaphore, #tpu.memory_space<semaphore_mem>>)
        %dma_wait3A = arith.constant 0 : i32
        %dma_wait3A_93 = tpu.memref_slice %arg13[%sub3A_83, %dma_wait3A] : memref<112x128xf32, #tpu.memory_space<vmem>> -> memref<56x128xf32, #tpu.memory_space<vmem>>
        %dma_wait3A_94 = arith.constant 0 : i32
        %dma_wait3A_95 = tpu.memref_slice %arg6[%while3A_79#3, %dma_wait3A_94] : memref<25088x128xf32, #tpu.memory_space<hbm>> -> memref<56x128xf32, #tpu.memory_space<hbm>>
        %dma_wait3A_96 = arith.constant 0 : i32
        %dma_wait3A_97 = tpu.memref_slice %arg6[%while3A_79#3, %dma_wait3A_96] : memref<25088x128xf32, #tpu.memory_space<hbm>> -> memref<56x128xf32, #tpu.memory_space<hbm>>
        %dma_wait3A_98 = arith.constant 0 : i32
        %dma_wait3A_99 = tpu.memref_slice %arg13[%sub3A_83, %dma_wait3A_98] : memref<112x128xf32, #tpu.memory_space<vmem>> -> memref<56x128xf32, #tpu.memory_space<vmem>>
        tpu.wait_dma2 semaphore(%run_scoped3A_84 : memref<!tpu.dma_semaphore, #tpu.memory_space<semaphore_mem>>) src(%dma_wait3A_99 : memref<56x128xf32, #tpu.memory_space<vmem>>) dst(%dma_wait3A_97 : memref<56x128xf32, #tpu.memory_space<hbm>>)
        tpu.yield
      }) : () -> ()
      "tpu.region"() ({
        %run_scoped3A_84 = tpu.sem_alloc : memref<!tpu.dma_semaphore, #tpu.memory_space<semaphore_mem>>
        %dma_start3A_85 = arith.constant 0 : i32
        %dma_start3A_86 = tpu.memref_slice %arg14[%sub3A_83, %dma_start3A_85] : memref<112x16xf32, #tpu.memory_space<vmem>> -> memref<56x16xf32, #tpu.memory_space<vmem>>
        %dma_start3A_87 = arith.constant 0 : i32
        %dma_start3A_88 = tpu.memref_slice %arg7[%while3A_79#3, %dma_start3A_87] : memref<25088x16xf32, #tpu.memory_space<hbm>> -> memref<56x16xf32, #tpu.memory_space<hbm>>
        %dma_start3A_89 = arith.constant 0 : i32
        %dma_start3A_90 = tpu.memref_slice %arg7[%while3A_79#3, %dma_start3A_89] : memref<25088x16xf32, #tpu.memory_space<hbm>> -> memref<56x16xf32, #tpu.memory_space<hbm>>
        %dma_start3A_91 = arith.constant 0 : i32
        %dma_start3A_92 = tpu.memref_slice %arg14[%sub3A_83, %dma_start3A_91] : memref<112x16xf32, #tpu.memory_space<vmem>> -> memref<56x16xf32, #tpu.memory_space<vmem>>
        tpu.enqueue_dma source(%dma_start3A_92 : memref<56x16xf32, #tpu.memory_space<vmem>>) target(%dma_start3A_90 : memref<56x16xf32, #tpu.memory_space<hbm>>) target_semaphore(%run_scoped3A_84 : memref<!tpu.dma_semaphore, #tpu.memory_space<semaphore_mem>>)
        %dma_wait3A = arith.constant 0 : i32
        %dma_wait3A_93 = tpu.memref_slice %arg14[%sub3A_83, %dma_wait3A] : memref<112x16xf32, #tpu.memory_space<vmem>> -> memref<56x16xf32, #tpu.memory_space<vmem>>
        %dma_wait3A_94 = arith.constant 0 : i32
        %dma_wait3A_95 = tpu.memref_slice %arg7[%while3A_79#3, %dma_wait3A_94] : memref<25088x16xf32, #tpu.memory_space<hbm>> -> memref<56x16xf32, #tpu.memory_space<hbm>>
        %dma_wait3A_96 = arith.constant 0 : i32
        %dma_wait3A_97 = tpu.memref_slice %arg7[%while3A_79#3, %dma_wait3A_96] : memref<25088x16xf32, #tpu.memory_space<hbm>> -> memref<56x16xf32, #tpu.memory_space<hbm>>
        %dma_wait3A_98 = arith.constant 0 : i32
        %dma_wait3A_99 = tpu.memref_slice %arg14[%sub3A_83, %dma_wait3A_98] : memref<112x16xf32, #tpu.memory_space<vmem>> -> memref<56x16xf32, #tpu.memory_space<vmem>>
        tpu.wait_dma2 semaphore(%run_scoped3A_84 : memref<!tpu.dma_semaphore, #tpu.memory_space<semaphore_mem>>) src(%dma_wait3A_99 : memref<56x16xf32, #tpu.memory_space<vmem>>) dst(%dma_wait3A_97 : memref<56x16xf32, #tpu.memory_space<hbm>>)
        tpu.yield
      }) : () -> ()
    } else {
    }
    return
  }
}

module attributes {stable_mosaic.version = 14 : i64} {
  func.func @_mm_stats_body(%arg0: i32, %arg1: memref<2000x128xf32, #tpu.memory_space<vmem>>, %arg2: memref<128x128xf32, #tpu.memory_space<vmem>>, %arg3: memref<2000x3xf32, #tpu.memory_space<vmem>>, %arg4: memref<2000x128xf32, #tpu.memory_space<vmem>>, %arg5: memref<8x128xf32, #tpu.memory_space<vmem>>, %arg6: memref<2000x16xf32, #tpu.memory_space<vmem>>) attributes {dimension_semantics = [#tpu.dimension_semantics<arbitrary>], iteration_bounds = array<i64: 50>, scalar_prefetch = 0 : i64, scratch_operands = 0 : i64, tpu.core_type = #tpu.core_type<tc>, window_params = [{transform_indices = @transform_0, window_bounds = array<i64: 2000, 128>}, {pipeline_mode = #tpu.pipeline_mode<synchronous>, transform_indices = @transform_1, window_bounds = array<i64: 128, 128>}, {transform_indices = @transform_2, window_bounds = array<i64: 2000, 3>}, {transform_indices = @transform_3, window_bounds = array<i64: 2000, 128>}, {pipeline_mode = #tpu.pipeline_mode<synchronous>, transform_indices = @transform_4, window_bounds = array<i64: 8, 128>}, {transform_indices = @transform_5, window_bounds = array<i64: 2000, 16>}]} {
    %get3A = arith.constant 0 : index
    %get3A_0 = arith.constant 0 : index
    %get3A_1 = vector.load %arg1[%get3A, %get3A_0] : memref<2000x128xf32, #tpu.memory_space<vmem>>, vector<2000x128xf32>
    %get3A_2 = arith.constant 0 : index
    %get3A_3 = arith.constant 0 : index
    %get3A_4 = vector.load %arg2[%get3A_2, %get3A_3] : memref<128x128xf32, #tpu.memory_space<vmem>>, vector<128x128xf32>
    %dot_general3A = arith.constant dense<0.000000e+00> : vector<2000x128xf32>
    %dot_general3A_5 = tpu.matmul %get3A_1, %get3A_4, %dot_general3A {dimension_numbers = #tpu.dot_dimension_numbers<[1], [1], [0], [0], [0, 0, 1, 0], [], []>, transpose_lhs_hint = false} : vector<2000x128xf32>, vector<128x128xf32>, vector<2000x128xf32> -> vector<2000x128xf32>
    %swap3A = arith.constant 0 : index
    %swap3A_6 = arith.constant 0 : index
    %swap3A_7 = vector.load %arg4[%swap3A, %swap3A_6] : memref<2000x128xf32, #tpu.memory_space<vmem>>, vector<2000x128xf32>
    tpu.vector_store %arg4[%swap3A, %swap3A_6], %dot_general3A_5 {strides = array<i32>} : memref<2000x128xf32, #tpu.memory_space<vmem>>, vector<2000x128xf32>,
    %get3A_8 = arith.constant 0 : index
    %get3A_9 = arith.constant 0 : index
    %get3A_10 = vector.load %arg3[%get3A_8, %get3A_9] : memref<2000x3xf32, #tpu.memory_space<vmem>>, vector<2000x3xf32>
    %broadcast_in_dim3A = arith.constant 0.000000e+00 : f32
    %broadcast_in_dim3A_11 = vector.broadcast %broadcast_in_dim3A : f32 to vector<2000x13xf32>
    %concatenate3A = tpu.concatenate %get3A_10, %broadcast_in_dim3A_11 in 1 : vector<2000x3xf32>, vector<2000x13xf32> -> vector<2000x16xf32>
    %swap3A_12 = arith.constant 0 : index
    %swap3A_13 = arith.constant 0 : index
    %swap3A_14 = vector.load %arg6[%swap3A_12, %swap3A_13] : memref<2000x16xf32, #tpu.memory_space<vmem>>, vector<2000x16xf32>
    tpu.vector_store %arg6[%swap3A_12, %swap3A_13], %concatenate3A {strides = array<i32>} : memref<2000x16xf32, #tpu.memory_space<vmem>>, vector<2000x16xf32>,
    %eq3A = arith.constant 0 : i32
    %eq3A_15 = arith.cmpi eq, %arg0, %eq3A : i32
    %convert_element_type3A = arith.extui %eq3A_15 : i1 to i32
    %cond3A = arith.constant 0 : i32
    %cond3A_16 = arith.cmpi ne, %convert_element_type3A, %cond3A : i32
    scf.if %cond3A_16 {
      %broadcast_in_dim3A_31 = arith.constant 0.000000e+00 : f32
      %broadcast_in_dim3A_32 = vector.broadcast %broadcast_in_dim3A_31 : f32 to vector<8x128xf32>
      %swap3A_33 = arith.constant 0 : index
      %swap3A_34 = arith.constant 0 : index
      %swap3A_35 = vector.load %arg5[%swap3A_33, %swap3A_34] : memref<8x128xf32, #tpu.memory_space<vmem>>, vector<8x128xf32>
      tpu.vector_store %arg5[%swap3A_33, %swap3A_34], %broadcast_in_dim3A_32 {strides = array<i32>} : memref<8x128xf32, #tpu.memory_space<vmem>>, vector<8x128xf32>,
    } else {
    }
    %reduce_sum3A = arith.constant dense<0.000000e+00> : vector<128xf32>
    %reduce_sum3A_17 = vector.multi_reduction <add>, %dot_general3A_5, %reduce_sum3A [0] : vector<2000x128xf32> to vector<128xf32>
    %broadcast_in_dim3A_18 = vector.shape_cast %reduce_sum3A_17 : vector<128xf32> to vector<1x128xf32>
    %mul3A = arith.mulf %dot_general3A_5, %dot_general3A_5 : vector<2000x128xf32>
    %reduce_sum3A_19 = arith.constant dense<0.000000e+00> : vector<128xf32>
    %reduce_sum3A_20 = vector.multi_reduction <add>, %mul3A, %reduce_sum3A_19 [0] : vector<2000x128xf32> to vector<128xf32>
    %broadcast_in_dim3A_21 = vector.shape_cast %reduce_sum3A_20 : vector<128xf32> to vector<1x128xf32>
    %broadcast_in_dim3A_22 = arith.constant 0.000000e+00 : f32
    %broadcast_in_dim3A_23 = vector.broadcast %broadcast_in_dim3A_22 : f32 to vector<6x128xf32>
    %concatenate3A_24 = tpu.concatenate %broadcast_in_dim3A_18, %broadcast_in_dim3A_21, %broadcast_in_dim3A_23 in 0 : vector<1x128xf32>, vector<1x128xf32>, vector<6x128xf32> -> vector<8x128xf32>
    %get3A_25 = arith.constant 0 : index
    %get3A_26 = arith.constant 0 : index
    %get3A_27 = vector.load %arg5[%get3A_25, %get3A_26] : memref<8x128xf32, #tpu.memory_space<vmem>>, vector<8x128xf32>
    %add3A = arith.addf %get3A_27, %concatenate3A_24 : vector<8x128xf32>
    %swap3A_28 = arith.constant 0 : index
    %swap3A_29 = arith.constant 0 : index
    %swap3A_30 = vector.load %arg5[%swap3A_28, %swap3A_29] : memref<8x128xf32, #tpu.memory_space<vmem>>, vector<8x128xf32>
    tpu.vector_store %arg5[%swap3A_28, %swap3A_29], %add3A {strides = array<i32>} : memref<8x128xf32, #tpu.memory_space<vmem>>, vector<8x128xf32>,
    return
  }
  func.func @transform_0(%arg0: i32) -> (i32, i32) {
    %c0_i32 = arith.constant 0 : i32
    %c0_i32_0 = arith.constant 0 : i32
    return %arg0, %c0_i32 : i32, i32
  }
  func.func @transform_1(%arg0: i32) -> (i32, i32) {
    %c0_i32 = arith.constant 0 : i32
    %c0_i32_0 = arith.constant 0 : i32
    %c0_i32_1 = arith.constant 0 : i32
    return %c0_i32, %c0_i32_0 : i32, i32
  }
  func.func @transform_2(%arg0: i32) -> (i32, i32) {
    %c0_i32 = arith.constant 0 : i32
    %c0_i32_0 = arith.constant 0 : i32
    return %arg0, %c0_i32 : i32, i32
  }
  func.func @transform_3(%arg0: i32) -> (i32, i32) {
    %c0_i32 = arith.constant 0 : i32
    %c0_i32_0 = arith.constant 0 : i32
    return %arg0, %c0_i32 : i32, i32
  }
  func.func @transform_4(%arg0: i32) -> (i32, i32) {
    %c0_i32 = arith.constant 0 : i32
    %c0_i32_0 = arith.constant 0 : i32
    %c0_i32_1 = arith.constant 0 : i32
    return %c0_i32, %c0_i32_0 : i32, i32
  }
  func.func @transform_5(%arg0: i32) -> (i32, i32) {
    %c0_i32 = arith.constant 0 : i32
    %c0_i32_0 = arith.constant 0 : i32
    return %arg0, %c0_i32 : i32, i32
  }
}

module attributes {stable_mosaic.version = 14 : i64} {
  func.func @_epilogue_body(%arg0: i32, %arg1: memref<1000x128xf32, #tpu.memory_space<vmem>>, %arg2: memref<1000x16xf32, #tpu.memory_space<vmem>>, %arg3: memref<1000x1xi32, #tpu.memory_space<vmem>>, %arg4: memref<1000x1xi32, #tpu.memory_space<vmem>>, %arg5: memref<8x128xf32, #tpu.memory_space<vmem>>, %arg6: memref<8x128xf32, #tpu.memory_space<vmem>>, %arg7: memref<1000x128xf32, #tpu.memory_space<vmem>>, %arg8: memref<1000x3xf32, #tpu.memory_space<vmem>>) attributes {dimension_semantics = [#tpu.dimension_semantics<arbitrary>], iteration_bounds = array<i64: 25>, scalar_prefetch = 0 : i64, scratch_operands = 0 : i64, tpu.core_type = #tpu.core_type<tc>, window_params = [{transform_indices = @transform_0, window_bounds = array<i64: 1000, 128>}, {transform_indices = @transform_1, window_bounds = array<i64: 1000, 16>}, {transform_indices = @transform_2, window_bounds = array<i64: 1000, 1>}, {transform_indices = @transform_3, window_bounds = array<i64: 1000, 1>}, {pipeline_mode = #tpu.pipeline_mode<synchronous>, transform_indices = @transform_4, window_bounds = array<i64: 8, 128>}, {pipeline_mode = #tpu.pipeline_mode<synchronous>, transform_indices = @transform_5, window_bounds = array<i64: 8, 128>}, {transform_indices = @transform_6, window_bounds = array<i64: 1000, 128>}, {transform_indices = @transform_7, window_bounds = array<i64: 1000, 3>}]} {
    %get3A = arith.constant 0 : index
    %get3A_0 = arith.constant 0 : index
    %get3A_1 = vector.load %arg6[%get3A, %get3A_0] : memref<8x128xf32, #tpu.memory_space<vmem>>, vector<8x128xf32>
    %slice3A = vector.extract_strided_slice %get3A_1 {offsets = [0, 0], sizes = [1, 128], strides = [1, 1]} : vector<8x128xf32> to vector<1x128xf32>
    %squeeze3A = vector.shape_cast %slice3A : vector<1x128xf32> to vector<128xf32>
    %div3A = arith.constant 1.000000e+05 : f32
    %div3A_2 = vector.broadcast %div3A : f32 to vector<128xf32>
    %div3A_3 = arith.divf %squeeze3A, %div3A_2 : vector<128xf32>
    %slice3A_4 = vector.extract_strided_slice %get3A_1 {offsets = [1, 0], sizes = [1, 128], strides = [1, 1]} : vector<8x128xf32> to vector<1x128xf32>
    %squeeze3A_5 = vector.shape_cast %slice3A_4 : vector<1x128xf32> to vector<128xf32>
    %div3A_6 = arith.constant 1.000000e+05 : f32
    %div3A_7 = vector.broadcast %div3A_6 : f32 to vector<128xf32>
    %div3A_8 = arith.divf %squeeze3A_5, %div3A_7 : vector<128xf32>
    %mul3A = arith.mulf %div3A_3, %div3A_3 : vector<128xf32>
    %sub3A = arith.subf %div3A_8, %mul3A : vector<128xf32>
    %get3A_9 = arith.constant 0 : index
    %get3A_10 = arith.constant 0 : index
    %get3A_11 = vector.load %arg5[%get3A_9, %get3A_10] : memref<8x128xf32, #tpu.memory_space<vmem>>, vector<1x128xf32>
    %get3A_12 = vector.shape_cast %get3A_11 : vector<1x128xf32> to vector<128xf32>
    %add3A = arith.constant 9.99999974E-6 : f32
    %add3A_13 = vector.broadcast %add3A : f32 to vector<128xf32>
    %add3A_14 = arith.addf %sub3A, %add3A_13 : vector<128xf32>
    %rsqrt3A = math.rsqrt %add3A_14 : vector<128xf32>
    %mul3A_15 = arith.mulf %get3A_12, %rsqrt3A : vector<128xf32>
    %get3A_16 = arith.constant 1 : index
    %get3A_17 = arith.constant 0 : index
    %get3A_18 = vector.load %arg5[%get3A_16, %get3A_17] : memref<8x128xf32, #tpu.memory_space<vmem>>, vector<1x128xf32>
    %get3A_19 = vector.shape_cast %get3A_18 : vector<1x128xf32> to vector<128xf32>
    %mul3A_20 = arith.mulf %div3A_3, %mul3A_15 : vector<128xf32>
    %sub3A_21 = arith.subf %get3A_19, %mul3A_20 : vector<128xf32>
    %get3A_22 = arith.constant 0 : index
    %get3A_23 = arith.constant 0 : index
    %get3A_24 = vector.load %arg1[%get3A_22, %get3A_23] : memref<1000x128xf32, #tpu.memory_space<vmem>>, vector<1000x128xf32>
    %broadcast_in_dim3A = vector.shape_cast %mul3A_15 : vector<128xf32> to vector<1x128xf32>
    %mul3A_25 = vector.broadcast %broadcast_in_dim3A : vector<1x128xf32> to vector<1000x128xf32>
    %mul3A_26 = arith.mulf %get3A_24, %mul3A_25 : vector<1000x128xf32>
    %broadcast_in_dim3A_27 = vector.shape_cast %sub3A_21 : vector<128xf32> to vector<1x128xf32>
    %add3A_28 = vector.broadcast %broadcast_in_dim3A_27 : vector<1x128xf32> to vector<1000x128xf32>
    %add3A_29 = arith.addf %mul3A_26, %add3A_28 : vector<1000x128xf32>
    %max3A = arith.constant 0.000000e+00 : f32
    %max3A_30 = vector.broadcast %max3A : f32 to vector<1000x128xf32>
    %max3A_31 = arith.maximumf %add3A_29, %max3A_30 : vector<1000x128xf32>
    %swap3A = arith.constant 0 : index
    %swap3A_32 = arith.constant 0 : index
    %swap3A_33 = vector.load %arg7[%swap3A, %swap3A_32] : memref<1000x128xf32, #tpu.memory_space<vmem>>, vector<1000x128xf32>
    tpu.vector_store %arg7[%swap3A, %swap3A_32], %max3A_31 {strides = array<i32>} : memref<1000x128xf32, #tpu.memory_space<vmem>>, vector<1000x128xf32>,
    %get3A_34 = arith.constant 0 : index
    %get3A_35 = arith.constant 0 : index
    %get3A_36 = vector.load %arg4[%get3A_34, %get3A_35] : memref<1000x1xi32, #tpu.memory_space<vmem>>, vector<1000x1xi32>
    %get3A_37 = arith.constant 0 : index
    %get3A_38 = arith.constant 0 : index
    %get3A_39 = vector.load %arg3[%get3A_37, %get3A_38] : memref<1000x1xi32, #tpu.memory_space<vmem>>, vector<1000x1xi32>
    %sub3A_40 = arith.subi %get3A_36, %get3A_39 : vector<1000x1xi32>
    %convert_element_type3A = arith.sitofp %sub3A_40 : vector<1000x1xi32> to vector<1000x1xf32>
    %get3A_41 = arith.constant 0 : index
    %get3A_42 = arith.constant 0 : index
    %get3A_43 = vector.load %arg2[%get3A_41, %get3A_42] : memref<1000x16xf32, #tpu.memory_space<vmem>>, vector<1000x16xf32>
    %slice3A_44 = vector.extract_strided_slice %get3A_43 {offsets = [0, 0], sizes = [1000, 3], strides = [1, 1]} : vector<1000x16xf32> to vector<1000x3xf32>
    %div3A_45 = vector.broadcast %convert_element_type3A : vector<1000x1xf32> to vector<1000x3xf32>
    %div3A_46 = arith.divf %slice3A_44, %div3A_45 : vector<1000x3xf32>
    %swap3A_47 = arith.constant 0 : index
    %swap3A_48 = arith.constant 0 : index
    %swap3A_49 = vector.load %arg8[%swap3A_47, %swap3A_48] : memref<1000x3xf32, #tpu.memory_space<vmem>>, vector<1000x3xf32>
    tpu.vector_store %arg8[%swap3A_47, %swap3A_48], %div3A_46 {strides = array<i32>} : memref<1000x3xf32, #tpu.memory_space<vmem>>, vector<1000x3xf32>,
    return
  }
  func.func @transform_0(%arg0: i32) -> (i32, i32) {
    %c0_i32 = arith.constant 0 : i32
    %c0_i32_0 = arith.constant 0 : i32
    return %arg0, %c0_i32 : i32, i32
  }
  func.func @transform_1(%arg0: i32) -> (i32, i32) {
    %c0_i32 = arith.constant 0 : i32
    %c0_i32_0 = arith.constant 0 : i32
    return %arg0, %c0_i32 : i32, i32
  }
  func.func @transform_2(%arg0: i32) -> (i32, i32) {
    %c0_i32 = arith.constant 0 : i32
    %c0_i32_0 = arith.constant 0 : i32
    return %arg0, %c0_i32 : i32, i32
  }
  func.func @transform_3(%arg0: i32) -> (i32, i32) {
    %c0_i32 = arith.constant 0 : i32
    %c0_i32_0 = arith.constant 0 : i32
    return %arg0, %c0_i32 : i32, i32
  }
  func.func @transform_4(%arg0: i32) -> (i32, i32) {
    %c0_i32 = arith.constant 0 : i32
    %c0_i32_0 = arith.constant 0 : i32
    %c0_i32_1 = arith.constant 0 : i32
    return %c0_i32, %c0_i32_0 : i32, i32
  }
  func.func @transform_5(%arg0: i32) -> (i32, i32) {
    %c0_i32 = arith.constant 0 : i32
    %c0_i32_0 = arith.constant 0 : i32
    %c0_i32_1 = arith.constant 0 : i32
    return %c0_i32, %c0_i32_0 : i32, i32
  }
  func.func @transform_6(%arg0: i32) -> (i32, i32) {
    %c0_i32 = arith.constant 0 : i32
    %c0_i32_0 = arith.constant 0 : i32
    return %arg0, %c0_i32 : i32, i32
  }
  func.func @transform_7(%arg0: i32) -> (i32, i32) {
    %c0_i32 = arith.constant 0 : i32
    %c0_i32_0 = arith.constant 0 : i32
    return %arg0, %c0_i32 : i32, i32
  }
}

</mosaic_0001>

<sc_bundles>
// kernel: kernel.5.cloned.1.call-start
scs
__scs_entry_jumppad:
0x0: {  	(pc) =	sbr.rel $0x88, $3  }
0x1: {  	(tag) =	ssettag $0x0;
	lr =	simm.s32 $0x1  }
0x2: {  	[smem:$0x3F99] =	sst lr;
	_ =	strace $0xD0000000  }
0x3: {  	_ = 	snop  }
0x4: {  	_ = 	snop  }
0x5: {  	_ = 	snop  }
0x6: {  	_ = 	snop  }
0x7: {  	_ = 	snop  }
__scs_overlays_trampoline_lowered:
0x8: {  	[smem:$0x3FA8] =	sst s0  }
0x9: {  	[smem:$0x3FA9] =	sst s1  }
0xa: {  	[smem:$0x3FAA] =	sst s2  }
0xb: {  	[smem:$0x3FAB] =	sst s3  }
0xc: {  	[smem:$0x3FAC] =	sst s4  }
0xd: {  	[smem:$0x3FAD] =	sst s5  }
0xe: {  	[smem:$0x3FAE] =	sst s6  }
0xf: {  	[smem:$0x3FAF] =	sst s7  }
0x10: {  	[smem:$0x3FB0] =	sst s8  }
0x11: {  	[smem:$0x3FB1] =	sst s9;
	s0 =	simm.s32 @!p0 $0x0  }
0x12: {  	s1 =	sld [smem:$0x3F97];
	s0 =	simm.s32 @p0 $0x1  }
0x13: {  	[smem:$0x3FB2] =	sst s0;
	s0 =	simm.s32 @!p1 $0x0  }
0x14: {  	s2 =	sld [smem:$0x3F96];
	s0 =	simm.s32 @p1 $0x1  }
0x15: {  	[smem:$0x3FB3] =	sst s0;
	s0 =	simm.s32 @!p2 $0x0  }
0x16: {  	s3 =	sld [smem:$0x3FDB];
	s0 =	simm.s32 @p2 $0x1  }
0x17: {  	s4 =	simm.s32 $0x1BF5;
	[smem:$0x3FB5] =	sst s0  }
0x18: {  	s0 =	sld [smem:$0x3F98];
	_ =	swait.ge [sflag:s4], $0x0  }
0x19: {  	s7 =	sld [smem:$0x3F99]  }
0x1a: {  	s8 =	sadd.s32 $0xFFFFE003, lr  }
0x1b: {  	s9 =	sadd.s32 $0xFFFFFEF7, lr;
	s5 =	simm.s32 $0xFFFFFFFF;
	p2 =	slt.u32 s8, $0xFFFFF086  }
0x1c: {  	p1 =	slt.u32 s9, $0xF7A;
	s5 =	simm.s32 @!p2 $0x0  }
0x1d: {  	s5 =	simm.s32 @p1 $0x1;
	p0 =	seq.s32 s7, s2  }
0x1e: {  	s7 =	smul.u32 @!p0 $0xF7A, s2;
	p2 =	seq.s32 @!p0 s5, $0x0  }
0x1f: {  	s9 =	smul.u32 $0xF7A, s1;
	s8 =	simm.s32 @!p0 $0x1BF5;
	p2 =	por !p2, p0  }
0x20: {  	[sflag:s8] =	ssyncset.s32 @!p0 $0xFFFFF086;
	s6 =	sadd.s32 @!p0 s3, s7;
	s7 =	simm.s32 @!p0 $0x108  }
0x21: {  	s3 =	sadd.s32 s3, s9;
	s6 =	sadd.s32 @!p0 $0x88, s6;
	s7 =	simm.s32 @p2 $0x1082  }
0x22: {  	[simem:s7], [sflag:s8] =	dma.local @!p0 [hbm:s6], $0xF7A  }
0x23: {  	s9 =	sor.u32 $0xD0000000, s2;
	s6 =	simm.s32 $0x108;
	_ =	swait.ge @!p0 [sflag:s8], $0x0  }
0x24: {  	s3 =	sadd.s32 $0x88, s3;
	s6 =	simm.s32 @!p1 $0x1082;
	[sflag:s4] =	ssyncset.s32 $0xFFFFF086  }
0x25: {  	[simem:s6], [sflag:s4] =	dma.local [hbm:s3], $0xF7A  }
0x26: {  	[smem:$0x3F99] =	sst s1;
	(tag) =	ssettag s2;
	_ =	strace s9  }
0x27: {  	s1 =	sld [smem:$0x3FA9]  }
0x28: {  	s2 =	sld [smem:$0x3FAA]  }
0x29: {  	s4 =	sld [smem:$0x3FAC]  }
0x2a: {  	p0 =	seq.s32 s5, $0x0;
	s5 =	sld [smem:$0x3FAD]  }
0x2b: {  	s6 =	sld [smem:$0x3FAE]  }
0x2c: {  	s7 =	sld [smem:$0x3FAF]  }
0x2d: {  	s3 =	simm.s32 $0x108;
	s8 =	sld [smem:$0x3FB0]  }
0x2e: {  	s3 =	simm.s32 @!p0 $0x1082;
	s9 =	sld [smem:$0x3FB1]  }
0x2f: {  	lr =	sadd.s32 s0, s3;
	s0 =	sld [smem:$0x3FA8]  }
0x30: {  	s3 =	sld [smem:$0x3FAB]  }
0x31: {  	[smem:$0x3FB4] =	sst s10  }
0x32: {  	s10 =	sld [smem:$0x3FB2];
	_ =	sdelay $0x3  }
0x33: {  	p0 =	seq.s32 s10, $0x1;
	s10 =	sld [smem:$0x3FB4];
	_ =	sdelay $0x3  }
0x34: {  	[smem:$0x3FB4] =	sst s10  }
0x35: {  	s10 =	sld [smem:$0x3FB3];
	_ =	sdelay $0x3  }
0x36: {  	p1 =	seq.s32 s10, $0x1;
	s10 =	sld [smem:$0x3FB4];
	_ =	sdelay $0x3  }
0x37: {  	[smem:$0x3FB4] =	sst s10  }
0x38: {  	s10 =	sld [smem:$0x3FB5]  }
0x39: {  	_ = 	snop;
	(pc) =	sbr.ind lr, $3  }
0x3a: {  	_ = 	snop  }
0x3b: {  	_ = 	snop  }
0x3c: {  	p2 =	seq.s32 s10, $0x1;
	s10 =	sld [smem:$0x3FB4]  }
0x3d: {  	_ =	shalt  }
0x3e: {  	_ =	shalt  }
0x3f: {  	_ =	shalt  }
0x40: {  	_ =	shalt  }
0x41: {  	_ =	shalt  }
0x42: {  	_ =	shalt  }
0x43: {  	_ =	shalt  }
0x44: {  	_ =	shalt  }
0x45: {  	_ =	shalt  }
0x46: {  	_ =	shalt  }
0x47: {  	_ =	shalt  }
0x48: {  	_ =	shalt  }
0x49: {  	_ =	shalt  }
0x4a: {  	_ =	shalt  }
0x4b: {  	_ =	shalt  }
0x4c: {  	_ =	shalt  }
0x4d: {  	_ =	shalt  }
0x4e: {  	_ =	shalt  }
0x4f: {  	_ =	shalt  }
0x50: {  	_ =	shalt  }
0x51: {  	_ =	shalt  }
0x52: {  	_ =	shalt  }
0x53: {  	_ =	shalt  }
0x54: {  	_ =	shalt  }
0x55: {  	_ =	shalt  }
0x56: {  	_ =	shalt  }
0x57: {  	_ =	shalt  }
0x58: {  	_ =	shalt  }
0x59: {  	_ =	shalt  }
0x5a: {  	_ =	shalt  }
0x5b: {  	_ =	shalt  }
0x5c: {  	_ =	shalt  }
0x5d: {  	_ =	shalt  }
0x5e: {  	_ =	shalt  }
0x5f: {  	_ =	shalt  }
0x60: {  	_ =	shalt  }
0x61: {  	_ =	shalt  }
0x62: {  	_ =	shalt  }
0x63: {  	_ =	shalt  }
0x64: {  	_ =	shalt  }
0x65: {  	_ =	shalt  }
0x66: {  	_ =	shalt  }
0x67: {  	_ =	shalt  }
0x68: {  	_ =	shalt  }
0x69: {  	_ =	shalt  }
0x6a: {  	_ =	shalt  }
0x6b: {  	_ =	shalt  }
0x6c: {  	_ =	shalt  }
0x6d: {  	_ =	shalt  }
0x6e: {  	_ =	shalt  }
0x6f: {  	_ =	shalt  }
0x70: {  	_ =	shalt  }
0x71: {  	_ =	shalt  }
0x72: {  	_ =	shalt  }
0x73: {  	_ =	shalt  }
0x74: {  	_ =	shalt  }
0x75: {  	_ =	shalt  }
0x76: {  	_ =	shalt  }
0x77: {  	_ =	shalt  }
0x78: {  	_ =	shalt  }
0x79: {  	_ =	shalt  }
0x7a: {  	_ =	shalt  }
0x7b: {  	_ =	shalt  }
0x7c: {  	_ =	shalt  }
0x7d: {  	_ =	shalt  }
0x7e: {  	_ =	shalt  }
0x7f: {  	_ =	shalt  }
0x80: {  	_ =	shalt  }
0x81: {  	_ =	shalt  }
0x82: {  	_ =	shalt  }
0x83: {  	_ =	shalt  }
0x84: {  	_ =	shalt  }
0x85: {  	_ =	shalt  }
0x86: {  	_ =	shalt  }
0x87: {  	_ =	shalt  }
.Lfunc_end0:
.L_simem_size_0:
called_computation_lowered:
.L_overlay_start_0:
0x88: {  	s2 =	sld [smem:$0x3FD9]  }
0x89: {  	s3 =	sld [smem:$0x3FFE];
	_ =	sdelay $0x1  }
0x8a: {  	s1 =	srdreg.scid  }
0x8b: {  	s0 =	sand.u32 $0x1, s1  }
0x8c: {  	s14 =	sshll.u32 s0, $0xA;
	s2 =	sadd.s32 s3, s2  }
0x8d: {  	s2 =	sadd.s32 s2, s14  }
0x8e: {  	[smem:$0x3FC0] =	sst s2  }
0x8f: {  	_ = 	snop  }
0x90: {  	s2 =	sld [smem:$0x3FD0];
	_ =	sdelay $0x2  }
0x91: {  	s15 =	simm.s32 $0xA;
	s4 =	simm.s32 $0x10  }
0x92: {  	[smem:s4], [sflag:s15] =	dma.local [hbm:s2], $0x1  }
0x93: {  	_ =	swait.eq [sflag:s15], $0x1  }
0x94: {  	[sflag:s15] =	ssyncset.done $0x0  }
0x95: {  	s16 =	sld [smem:$0x10];
	[sflag:s15] =	ssyncadd.s32 $0xFFFFFFFF  }
0x96: {  	s17 =	sld [smem:$0x11];
	(tm) =	ssettm $0x1  }
0x97: {  	s18 =	sld [smem:$0x3FFB];
	_ =	sdelay $0x3  }
0x98: {  	_ =	strace s18  }
0x99: {  	s4 =	sld [smem:$0x3FFC];
	_ =	sdelay $0x3  }
0x9a: {  	_ =	strace s4  }
0x9b: {  	s4 =	sld [smem:$0x3FFD];
	_ =	sdelay $0x3  }
0x9c: {  	_ =	strace s4  }
0x9d: {  	_ =	strace $0x8FFFFFFF  }
0x9e: {  	s19 =	sld [smem:$0x3FDB];
	_ =	sdelay $0x1  }
0x9f: {  	s5 =	simm.s32 $_scs_section_size  }
0xa0: {  	s6 =	simm.s32 $_size__tile_overlayer_lowered;
	s7 =	simm.s32 $_tile_overlayer_lowered  }
0xa1: {  	s22 =	simm.s32 $0x1BFF;
	s21 =	sshll.u32 s7, $0x1;
	s4 =	sadd.s32 s5, s19  }
0xa2: {  	s8 =	simm.s32 $0x0;
	s20 =	sshll.u32 s6, $0x1;
	s6 =	sadd.s32 s21, s4  }
0xa3: {  	[timem:s8], [sflag:s22] =	dma.local [hbm:s6], s20  }
0xa4: {  	_ =	swait.ge [sflag:s22], s20  }
0xa5: {  	s5 =	ssub.s32 $0x0, s20;
	[sflag:s22] =	ssyncset.done $0x0  }
0xa6: {  	[sflag:s22] =	ssyncadd.s32 s5;
	_ =	sdelay $0x1  }
0xa7: {  	s23 =	simm.s32 $0x1B8B  }
0xa8: {  	_ =	swait.ge [sflag:s23], $0x1  }
0xa9: {  	[sflag:s23] =	ssyncset.done $0x0  }
0xaa: {  	s25 =	simm.s32 $0x1B8E;
	s24 =	sld [smem:$0x3FFE];
	[sflag:s23] =	ssyncadd.s32 $0xFFFFFFFF  }
0xab: {  	s26 =	simm.s32 $execute0_lowered;
	[smem:$0x3FD2] =	sst s25  }
0xac: {  	s6 =	sshll.u32 s26, $0x1;
	_ =	strace $0x80000046;
	[dreg:$0x1] =	wrdreg $0xFFFFFFFF  }
0xad: {  	s28 =	simm.s32 $_size_execute0_lowered;
	s4 =	sadd.s32 s4, s6;
	[dreg:$0x0] =	wrdreg $0x0  }
0xae: {  	s6 =	sshll.u32 s28, $0x1;
	[dreg:$0x2] =	wrdreg s4  }
0xaf: {  	[dreg:$0x3] =	wrdreg s6  }
0xb0: {  	[dreg:$0x4] =	wrdreg $0xC0  }
0xb1: {  	_ =	task [dreg:s8], $0x5FFFF  }
0xb2: {  	[dreg:$0x1] =	wrdreg $0xFFFFFFFF  }
0xb3: {  	[dreg:$0x0] =	wrdreg $0x60  }
0xb4: {  	[dreg:$0x2] =	wrdreg s24  }
0xb5: {  	[dreg:$0x3] =	wrdreg s17  }
0xb6: {  	[dreg:$0x4] =	wrdreg s16  }
0xb7: {  	[dreg:$0x5] =	wrdreg $0x91000  }
0xb8: {  	[dreg:$0x6] =	wrdreg $0x9  }
0xb9: {  	_ =	task.clear_ibuf [dreg:s8], $0x7FFFF;
	_ =	strace $0x90000046  }
0xba: {  	s29 =	simm.s32 $0x9;
	_ =	strace $0x80000048  }
0xbb: {  	_ =	swait.ge [sflag:s29], $0x1  }
0xbc: {  	[sflag:s29] =	ssyncadd.s32 $0xFFFFFFFF  }
0xbd: {  	_ =	strace $0x90000048  }
0xbe: {  	_ =	sfence  }
0xbf: {  	s30 =	sld [smem:$0x0];
	_ =	sdelay $0x2  }
0xc0: {  	s31 =	sshll.u32 s1, $0xD;
	s1 =	sshrl.u32 s1, $0x2  }
0xc1: {  	s3 =	sand.u32 $0x4000, s31;
	s1 =	sadd.s32 s1, s30  }
0xc2: {  	s0 =	sor.u32 s3, s0;
	s1 =	sshll.u32 s1, $0x11  }
0xc3: {  	s0 =	sor.u32 s1, s0  }
0xc4: {  	s0 =	sadd.s32 $0x8F2B, s0  }
0xc5: {  	[sflag:s0] =	ssyncadd.remote.s32 $0x1  }
0xc6: {  	_ =	sfence.sel $0xFFFF  }
0xc7: {  	[dreg:$0x0] =	wrdreg $0xFFFFFFFF;
	(pc) =	sbr.abs _section_cstart, $3  }
0xc8: {  	[dreg:$0x1] =	wrdreg $0xFFFFFFFF  }
0xc9: {  	_ =	task.clear_ibuf [dreg:s8], $0x2FFFF;
	_ =	strace $0x9FFFFFFF  }
0xca: {  	(tm) =	ssettm $0x7FFFFFFF  }
0xcb: {  	_ =	shalt  }
tec
execute0_lowered:
.L_overlay_start_1:
0x0: {  	(tag) =	ssettag $0x1  }
0x1: {  	s0 =	rddreg [dreg:$0x0]  }
0x2: {  	s20 =	rddreg [dreg:$0x1]  }
0x3: {  	s2 =	srdreg.scid;
	s25 =	rddreg [dreg:$0x2]  }
0x4: {  	s1 =	stileid.u32;
	s5 =	rddreg [dreg:$0x3]  }
0x5: {  	s3 =	simm.s32 $0x0;
	s2 =	sand.u32 $0x1, s2;
	s4 =	sshll.u32 s1, $0x1  }
0x6: {  	[smem:$0x7FF] =	sst s3;
	s6 =	sadd.s32 $0x30F800, s0;
	s9 =	smul.u32 $0xCA0, s1  }
0x7: {  	s7 =	sadd.s32 $0xF600, s0;
	s8 =	sadd.s32 $0x3200, s0;
	s26 =	sshll.u32 s1, $0x6  }
0x8: {  	s4 =	sor.u32 s2, s4;
	_ =	strace $0x80000047;
	s2 =	ssub.s32 $0x2, s2  }
0x9: {  	s30 =	sor.u32 $0x1C05, s26;
	s4 =	smul.u32 $0x310, s4;
	s24 =	sshrl.u32 s9, $0x2  }
0xa: {  	s23 =	sshrl.u32 s2, $0x1;
	[dreg:$0xa] =	wrdreg s30;
	s28 =	sadd.s32 s24, s5  }
.Ltmp0:
0xb: {  	[dreg:$0x7] =	wrdreg s4;
	s4 =	sshrl.u32 s4, $0x3;
	(pc) =	sbr.rel .LBB2_1-.Ltmp0, $4  }
0xc: {  	[dreg:$0x8] =	wrdreg s28;
	s31 =	sshrl.u32 s28, $0x3;
	s4 =	sadd.s32 s4, s0  }
0xd: {  	s0 =	ssub.s32 s2, s23;
	[dreg:$0xc] =	wrdreg s31;
	s29 =	sadd.s32 $0x2400, s4  }
0xe: {  	s0 =	smax.u32 s0, $0x1;
	[dreg:$0x9] =	wrdreg s29  }
0xf: {  	s4 =	simm.s32 $0x0;
	[dreg:$0xb] =	wrdreg s0  }
.LBB2_10:
0x10: {  	p0 =	seq.s32 s31, $0x0  }
0x11: {  	s0 =	ssub.s32 @!p0 s16, s31  }
0x12: {  	s1 =	sshll.u32 @!p0 s5, $0x4;
	s2 =	sshll.u32 @!p0 s0, $0x9  }
0x13: {  	s1 =	sand.u32 @!p0 $0x1FFFFFF0, s1;
	s2 =	sshra.s32 @!p0 s2, $0x2  }
0x14: {  	s3 =	simm.s32 @!p0 $0x0;
	s1 =	sadd.s32 @!p0 s7, s1;
	s2 =	sadd.s32 @!p0 $0x9428, s2  }
0x15: {  	[hbm4b:s1+s3] =	stream.linear.scatter @!p0 [tilespmem:s2], [sflag:$0x5], $0x1C00, $0x38;
	[tilespmem:$0xD328] =	vst v63  }
0x16: {  	s1 =	simm.s32 @!p0 $0x5  }
0x17: {  	s0 =	sshll.u32 @!p0 s0, $0x6;
	s2 =	sshll.u32 @!p0 s5, $0x1;
	_ =	swait.ge @!p0 [sflag:s1], $0x1C00  }
0x18: {  	s0 =	sshra.s32 @!p0 s0, $0x2;
	s2 =	sand.u32 @!p0 $0x1FFFFFFE, s2;
	[sflag:s1] =	ssyncset.done @!p0 $0x0  }
0x19: {  	s0 =	sadd.s32 @!p0 $0xCC28, s0;
	s2 =	sadd.s32 @!p0 s8, s2;
	[sflag:s1] =	ssyncadd.s32 @!p0 $0xFFFFE400  }
0x1a: {  	[hbm4b:s2+s3] =	stream.linear.scatter @!p0 [tilespmem:s0], [sflag:$0x5], $0x380, $0x38;
	[tilespmem:$0xD328] =	vst v63  }
0x1b: {  	_ =	swait.ge @!p0 [sflag:s1], $0x380  }
0x1c: {  	[sflag:s1] =	ssyncset.done @!p0 $0x0  }
0x1d: {  	s4 =	rddreg [dreg:$0xd];
	[sflag:s1] =	ssyncadd.s32 @!p0 $0xFFFFFC80  }
.LBB2_11:
0x1e: {  	s4 =	sadd.s32 $0x1, s4;
	s0 =	rddreg [dreg:$0xb]  }
0x1f: {  	p0 =	sne.s32 s4, s0  }
.Ltmp1:
0x20: {  	_ = 	snop;
	(pc) =	sbr.rel @!p0 .LBB2_12-.Ltmp1, $1  }
0x21: {  	_ =	sdelay $0x3  }
.LBB2_1:
0x22: {  	s0 =	rddreg [dreg:$0x9]  }
0x23: {  	s1 =	rddreg [dreg:$0xa]  }
0x24: {  	s2 =	rddreg [dreg:$0xc];
	s18 =	simm.s32 $0x5  }
0x25: {  	[spmem:s2], [sflag:s1] =	dma.local [hbm:s0], $0x65  }
0x26: {  	_ =	swait.ge [sflag:s18], $0x65  }
0x27: {  	[sflag:s18] =	ssyncset.done $0x0  }
0x28: {  	s19 =	simm.s32 $0x0;
	s22 =	rddreg [dreg:$0x8];
	[sflag:s18] =	ssyncadd.s32 $0xFFFFFF9B  }
0x29: {  	[smem:s19], [sflag:$0x5] =	stream.linear.gather [spmem:s22], $0x328, $0x38;
	[tilespmem:$0xD328] =	vst v63  }
0x2a: {  	_ =	swait.ge [sflag:s18], $0x328  }
0x2b: {  	[sflag:s18] =	ssyncset.done $0x0  }
0x2c: {  	[sflag:s18] =	ssyncadd.s32 $0xFFFFFCD8  }
0x2d: {  	s21 =	sld [smem:$0x0];
	_ =	sdelay $0x1  }
0x2e: {  	s22 =	sld [smem:$0x310]  }
0x2f: {  	s23 =	sshrl.u32 s21, $0x3  }
0x30: {  	s0 =	sand.u32 $0x1FFFFFF0, s23  }
0x31: {  	s24 =	sadd.s32 $0x7F, s22;
	s0 =	sadd.s32 s25, s0  }
0x32: {  	[tilespmem:s19], [sflag:$0x5] =	stream.linear.gather [hbm4b:s0+s19], $0x80, $0x38;
	[tilespmem:$0xD328] =	vst v63  }
0x33: {  	s23 =	sshrl.u32 s21, $0x7;
	s0 =	sshrl.u32 s24, $0x7  }
0x34: {  	s24 =	ssub.s32 s0, s23  }
0x35: {  	s29 =	sadd.s32 $0x1, s24  }
0x36: {  	s30 =	sand.u32 $0x1, s29  }
0x37: {  	p0 =	slt.s32 s24, $0x0;
	p1 =	seq.s32 s30, $0x1  }
0x38: {  	s31 =	sshrl.u32 s29, $0x1F;
	p0 =	por !p0, !p1  }
0x39: {  	s2 =	simm.s32 $0x1;
	s0 =	sadd.s32 s31, s29;
	p0 =	por !p0, !p0  }
0x3a: {  	s0 =	sshra.s32 s0, $0x1;
	s2 =	simm.s32 @!p0 $0x0  }
0x3b: {  	s17 =	sld [smem:$0x1];
	_ =	swait.ge [sflag:s18], $0x80;
	s0 =	ssub.s32 s0, s2  }
0x3c: {  	s26 =	simm.s32 $0x80;
	[sflag:s18] =	ssyncset.done $0x0;
	p0 =	slt.s32 s0, $0x1  }
.Ltmp2:
0x3d: {  	s3 =	simm.s32 $0x100;
	[sflag:s18] =	ssyncadd.s32 $0xFFFFFF80;
	(pc) =	sbr.rel @p0 .LBB2_11-.Ltmp2, $4  }
0x3e: {  	[tilespmem:s3], [sflag:$0x1] =	stream.indirect.gather [hbm4b:s6+s26], $0x80, s19, s26, $0xb8;
	[tilespmem:$0xD328] =	vst v63  }
0x3f: {  	s28 =	simm.s32 $0x8100  }
0x40: {  	[tilespmem:s28], [sflag:$0x3] =	stream.indirect.gather [hbm4b:s20+s26], $0x10, s19, s26, $0xb8;
	[tilespmem:$0xD328] =	vst v63  }
0x41: {  	[dreg:$0xe] =	wrdreg s0  }
.Ltmp3:
0x42: {  	(pc) =	sbr.rel .LBB2_3-.Ltmp3, $4  }
0x43: {  	[dreg:$0xd] =	wrdreg s4;
	s0 =	sshll.u32 s23, $0x7  }
0x44: {  	v0 =	vimm.f32 $0.0e+00;
	v1 =	vimm.f32 $-3.402823470e+38;
	v2 =	vimm.f32 $-3.402823470e+38;
	s31 =	simm.s32 $0x0;
	s5 =	rddreg [dreg:$0x7];
	s16 =	simm.s32 $0x0  }
0x45: {  	v4 =	vimm.f32 $-3.402823470e+38;
	v3 =	vimm.f32 $-3.402823470e+38;
	v5 =	vimm.f32 $-3.402823470e+38;
	s2 =	simm.s32 $0x0;
	s26 =	ssub.s32 s21, s0;
	s28 =	sor.u32 $0x1, s0  }
0x46: {  	v7 =	vimm.f32 $-3.402823470e+38;
	v6 =	vimm.f32 $-3.402823470e+38;
	v8 =	vimm.f32 $-3.402823470e+38;
	s30 =	sadd.s32 $0x81, s0;
	s0 =	simm.s32 $0x0;
	s29 =	sadd.s32 $0xFFFFFF80, s26  }
.LBB2_9:
0x47: {  	s2 =	sadd.s32 $0x1, s2;
	s1 =	rddreg [dreg:$0xe]  }
0x48: {  	p0 =	sne.s32 s2, s1  }
.Ltmp4:
0x49: {  	_ = 	snop;
	(pc) =	sbr.rel @!p0 .LBB2_10-.Ltmp4, $3  }
0x4a: {  	_ =	sdelay $0x1  }
0x4b: {  	s26 =	sadd.s32 $0xFFFFFF00, s26  }
0x4c: {  	s28 =	sadd.s32 $0x100, s28;
	s29 =	sadd.s32 $0xFFFFFF00, s29;
	s30 =	sadd.s32 $0x100, s30  }
.LBB2_3:
0x4d: {  	s15 =	sshllo.u32 s2, $0x1  }
0x4e: {  	p0 =	sge.s32 s15, s24  }
0x4f: {  	s4 =	sadd.s32 @!p0 s23, s15  }
0x50: {  	s4 =	sshll.u32 @!p0 s4, $0x4  }
0x51: {  	s4 =	sand.u32 @!p0 $0x1FFFFFF0, s4  }
0x52: {  	s9 =	simm.s32 @!p0 $0x0;
	s11 =	simm.s32 @!p0 $0x80;
	s4 =	sadd.s32 @!p0 s25, s4  }
0x53: {  	[tilespmem:s11], [sflag:$0x5] =	stream.linear.gather @!p0 [hbm4b:s4+s9], $0x80, $0x38;
	[tilespmem:$0xD328] =	vst v63  }
0x54: {  	s4 =	simm.s32 @!p0 $0x5  }
0x55: {  	_ =	swait.ge @!p0 [sflag:s4], $0x80  }
0x56: {  	[sflag:s4] =	ssyncset.done @!p0 $0x0  }
0x57: {  	[sflag:s4] =	ssyncadd.s32 @!p0 $0xFFFFFF80;
	s4 =	simm.s32 @!p0 $0x4100  }
0x58: {  	[tilespmem:s4], [sflag:$0x2] =	stream.indirect.gather @!p0 [hbm4b:s6+s11], $0x80, s11, s11, $0xb8;
	[tilespmem:$0xD328] =	vst v63  }
0x59: {  	s10 =	sshll.u32 s2, $0x1;
	s4 =	simm.s32 @!p0 $0x8900  }
0x5a: {  	[tilespmem:s4], [sflag:$0x4] =	stream.indirect.gather @!p0 [hbm4b:s20+s11], $0x10, s11, s11, $0xb8;
	[tilespmem:$0xD328] =	vst v63  }
0x5b: {  	s18 =	smov.u32 s20;
	s20 =	sadd.s32 s23, s10  }
0x5c: {  	s4 =	sshll.u32 s20, $0x7  }
0x5d: {  	s11 =	ssub.s32 s21, s4;
	s4 =	ssub.s32 s22, s4  }
0x5e: {  	p1 =	sgt.s32 s11, $0x0;
	p2 =	slt.s32 s4, $0x80  }
0x5f: {  	s1 =	simm.s32 $0x1;
	s11 =	simm.s32 @!p1 $0x0;
	s4 =	simm.s32 @!p2 $0x80  }
0x60: {  	_ =	swait.ge [sflag:s1], $0x4000;
	p1 =	sle.s32 s4, s11  }
.Ltmp5:
0x61: {  	[sflag:s1] =	ssyncset.done $0x0;
	(pc) =	sbr.rel @p1 .LBB2_6-.Ltmp5, $4  }
0x62: {  	s19 =	smov.u32 s25;
	s25 =	simm.s32 $0x3;
	[sflag:s1] =	ssyncadd.s32 $0xFFFFC000  }
0x63: {  	_ =	swait.ge [sflag:s25], $0x800  }
0x64: {  	[sflag:s25] =	ssyncset.done $0x0  }
0x65: {  	[sflag:s25] =	ssyncadd.s32 $0xFFFFF800  }
0x66: {  	p1 =	sgt.s32 s26, $0x0;
	s9 =	smov.u32 s26  }
0x67: {  	s9 =	simm.s32 @!p1 $0x0  }
0x68: {  	p1 =	sgt.s32 s11, s4;
	s12 =	sshll.u32 s9, $0x6;
	s9 =	sshll.u32 s9, $0x9  }
0x69: {  	s4 =	smov.u32 @p1 s11;
	s12 =	sshra.s32 s12, $0x2;
	s9 =	sshra.s32 s9, $0x2  }
0x6a: {  	[dreg:$0x5] =	wrdreg s4;
	s12 =	sadd.s32 $0x8100, s12;
	s13 =	sadd.s32 $0x140, s9  }
.LBB2_5:
0x6b: {  	v9 =	vld [tilespmem:s13+$0xFFFFFFC0]  }
0x6c: {  	v10 =	vld [tilespmem:s13+$0xFFFFFFD0]  }
0x6d: {  	v11 =	vld [tilespmem:s13+$0xFFFFFFE0]  }
0x6e: {  	v12 =	vld [tilespmem:s13+$0xFFFFFFF0]  }
0x6f: {  	v13 =	vld [tilespmem:s13+$0x0];
	s9 =	smov.u32 s17;
	s17 =	sadd.s32 s11, s28  }
0x70: {  	v14 =	vld [tilespmem:s13+$0x10];
	p1 =	sne.s32 s17, s9  }
0x71: {  	v15 =	vld [tilespmem:s13+$0x20];
	s14 =	sshll.u32 @!p1 s16, $0x9  }
0x72: {  	s4 =	smov.u32 s16;
	v16 =	vld [tilespmem:s13+$0x30];
	s16 =	sshra.s32 @!p1 s14, $0x2;
	v8 =	vmax.f32 v8, v9  }
0x73: {  	v9 =	vld [tilespmem:s12+$0x0];
	v6 =	vmax.f32 v6, v10;
	[tilespmem:s16+$0x9428] =	vst @!p1 v8  }
0x74: {  	v7 =	vmax.f32 v7, v11;
	[tilespmem:s16+$0x9438] =	vst @!p1 v6  }
0x75: {  	s14 =	smov.u32 s31;
	s31 =	sadd.s32 @!p1 $0x1, s31;
	v5 =	vmax.f32 v5, v12;
	[tilespmem:s16+$0x9448] =	vst @!p1 v7  }
0x76: {  	p2 =	sne.s32 @!p1 s31, $0x38;
	v3 =	vmax.f32 v3, v13;
	[tilespmem:s16+$0x9458] =	vst @!p1 v5  }
0x77: {  	v4 =	vmax.f32 v4, v14;
	p3 =	por p2, p1;
	[tilespmem:s16+$0x9468] =	vst @!p1 v3  }
0x78: {  	s20 =	smov.u32 s5;
	v2 =	vmax.f32 v2, v15;
	[tilespmem:s16+$0x9478] =	vst @!p1 v4;
	s5 =	sadd.s32 @!p3 $0xFFFFFFC9, s4  }
0x79: {  	s1 =	sshll.u32 @!p1 s4, $0x6;
	v1 =	vmax.f32 v1, v16;
	[tilespmem:s16+$0x9488] =	vst @!p1 v2;
	s3 =	sshll.u32 @!p3 s20, $0x4;
	s25 =	sshll.u32 @!p3 s5, $0x9;
	v0 =	vadd.f32 v9, v0  }
0x7a: {  	s1 =	sshra.s32 @!p1 s1, $0x2;
	[tilespmem:s16+$0x9498] =	vst @!p1 v1;
	s3 =	sand.u32 @!p3 $0x1FFFFFF0, s3;
	s16 =	sshra.s32 @!p3 s25, $0x2  }
0x7b: {  	[tilespmem:s1+$0xCC28] =	vst @!p1 v0;
	s1 =	sadd.s32 @!p3 s7, s3;
	s3 =	sadd.s32 @!p3 $0x9428, s16;
	s16 =	simm.s32 @!p3 $0x0  }
0x7c: {  	[hbm4b:s1+s16] =	stream.linear.scatter @!p3 [tilespmem:s3], [sflag:$0x5], $0x1C00, $0x38;
	[tilespmem:$0xD328] =	vst v63  }
0x7d: {  	s1 =	simm.s32 @!p3 $0x5  }
0x7e: {  	s5 =	sshll.u32 @!p3 s5, $0x6;
	s3 =	sshll.u32 @!p3 s20, $0x1;
	_ =	swait.ge @!p3 [sflag:s1], $0x1C00  }
0x7f: {  	s5 =	sshra.s32 @!p3 s5, $0x2;
	s3 =	sand.u32 @!p3 $0x1FFFFFFE, s3;
	[sflag:s1] =	ssyncset.done @!p3 $0x0  }
0x80: {  	s5 =	sadd.s32 @!p3 $0xCC28, s5;
	s3 =	sadd.s32 @!p3 s8, s3;
	[sflag:s1] =	ssyncadd.s32 @!p3 $0xFFFFE400  }
0x81: {  	[hbm4b:s3+s16] =	stream.linear.scatter @!p3 [tilespmem:s5], [sflag:$0x5], $0x380, $0x38;
	[tilespmem:$0xD328] =	vst v63  }
0x82: {  	_ =	swait.ge @!p3 [sflag:s1], $0x380  }
0x83: {  	s16 =	sadd.s32 @!p1 $0x1, s4;
	[sflag:s1] =	ssyncset.done @!p3 $0x0  }
0x84: {  	s11 =	sadd.s32 $0x1, s11;
	[sflag:s1] =	ssyncadd.s32 @!p3 $0xFFFFFC80;
	p3 =	seq.s32 @!p1 s16, $0x70  }
0x85: {  	p4 =	seq.s32 @!p1 s31, $0x38;
	s5 =	sadd.s32 @!p1 $0x38, s20;
	p3 =	por !p3, p1  }
0x86: {  	s25 =	rddreg [dreg:$0x5];
	s16 =	simm.s32 @!p3 $0x0;
	p3 =	por !p4, p1  }
0x87: {  	s5 =	smov.u32 @p3 s20;
	p3 =	slt.u32 s11, s25  }
.Ltmp6:
0x88: {  	s1 =	smov.u32 s0;
	(pc) =	sbr.rel @p3 .LBB2_5-.Ltmp6, $4  }
0x89: {  	p6 =	seq.s32 s17, s9;
	p2 =	por !p2, p1;
	s17 =	sld @!p1 [smem:s1+$0x2]  }
0x8a: {  	s13 =	sadd.s32 $0x80, s13;
	s31 =	simm.s32 @p2 $0x0;
	v8 =	vpsel p6, $0xFF7FFFFF, v8;
	v6 =	vpsel p6, $0xFF7FFFFF, v6;
	v7 =	vpsel p6, $0xFF7FFFFF, v7;
	s0 =	sadd.s32 @!p1 $0x1, s0  }
0x8b: {  	s12 =	sadd.s32 $0x10, s12;
	v5 =	vpsel p6, $0xFF7FFFFF, v5;
	v3 =	vpsel p6, $0xFF7FFFFF, v3;
	v4 =	vpsel p6, $0xFF7FFFFF, v4;
	s31 =	smov.u32 @p1 s14;
	s0 =	smov.u32 @p1 s1  }
0x8c: {  	v2 =	vpsel p6, $0xFF7FFFFF, v2;
	v1 =	vpsel p6, $0xFF7FFFFF, v1;
	v0 =	vpsel p6, $0x0, v0;
	s16 =	smov.u32 @p1 s4;
	s5 =	smov.u32 @p1 s20;
	s17 =	smov.u32 @p1 s9  }
.LBB2_6:
0x8d: {  	s1 =	sadd.s32 $0x2, s10  }
0x8e: {  	p1 =	sge.s32 s1, s24  }
0x8f: {  	s1 =	sadd.s32 @!p1 s23, s1  }
0x90: {  	s1 =	sshll.u32 @!p1 s1, $0x4  }
0x91: {  	s1 =	sand.u32 @!p1 $0x1FFFFFF0, s1  }
0x92: {  	s3 =	simm.s32 @!p1 $0x0;
	s1 =	sadd.s32 @!p1 s19, s1  }
0x93: {  	[tilespmem:s3], [sflag:$0x5] =	stream.linear.gather @!p1 [hbm4b:s1+s3], $0x80, $0x38;
	[tilespmem:$0xD328] =	vst v63  }
0x94: {  	s1 =	simm.s32 @!p1 $0x5  }
0x95: {  	_ =	swait.ge @!p1 [sflag:s1], $0x80  }
0x96: {  	[sflag:s1] =	ssyncset.done @!p1 $0x0  }
0x97: {  	s4 =	simm.s32 @!p1 $0x100;
	[sflag:s1] =	ssyncadd.s32 @!p1 $0xFFFFFF80;
	s1 =	simm.s32 @!p1 $0x80  }
0x98: {  	[tilespmem:s4], [sflag:$0x1] =	stream.indirect.gather @!p1 [hbm4b:s6+s1], $0x80, s3, s1, $0xb8;
	[tilespmem:$0xD328] =	vst v63  }
0x99: {  	s25 =	smov.u32 s19;
	s19 =	sadd.s32 s23, s15;
	s4 =	simm.s32 @!p1 $0x8100  }
0x9a: {  	[tilespmem:s4], [sflag:$0x3] =	stream.indirect.gather @!p1 [hbm4b:s18+s1], $0x10, s3, s1, $0xb8;
	[tilespmem:$0xD328] =	vst v63  }
0x9b: {  	s3 =	sshll.u32 s19, $0x7  }
0x9c: {  	s10 =	ssub.s32 s21, s3;
	s4 =	ssub.s32 s22, s3  }
0x9d: {  	p1 =	sgt.s32 s10, $0x0;
	p2 =	slt.s32 s4, $0x80  }
0x9e: {  	s1 =	simm.s32 @!p0 $0x2;
	s10 =	simm.s32 @!p1 $0x0;
	s4 =	simm.s32 @!p2 $0x80  }
0x9f: {  	_ =	swait.ge @!p0 [sflag:s1], $0x4000;
	p1 =	sle.s32 s4, s10  }
.Ltmp7:
0xa0: {  	[sflag:s1] =	ssyncset.done @!p0 $0x0;
	(pc) =	sbr.rel @p1 .LBB2_9-.Ltmp7, $4  }
0xa1: {  	[sflag:s1] =	ssyncadd.s32 @!p0 $0xFFFFC000;
	s1 =	simm.s32 @!p0 $0x4  }
0xa2: {  	_ =	swait.ge @!p0 [sflag:s1], $0x800  }
0xa3: {  	[sflag:s1] =	ssyncset.done @!p0 $0x0  }
0xa4: {  	s20 =	smov.u32 s18;
	[sflag:s1] =	ssyncadd.s32 @!p0 $0xFFFFF800  }
0xa5: {  	p0 =	sgt.s32 s29, $0x0;
	s1 =	smov.u32 s29  }
0xa6: {  	s1 =	simm.s32 @!p0 $0x0  }
0xa7: {  	p0 =	sgt.s32 s10, s4;
	s3 =	sshll.u32 s1, $0x6;
	s1 =	sshll.u32 s1, $0x9  }
0xa8: {  	s4 =	smov.u32 @p0 s10;
	s3 =	sshra.s32 s3, $0x2;
	s1 =	sshra.s32 s1, $0x2  }
0xa9: {  	[dreg:$0x6] =	wrdreg s4;
	s11 =	sadd.s32 $0x8900, s3;
	s12 =	sadd.s32 $0x4100, s1  }
.LBB2_8:
0xaa: {  	v9 =	vld [tilespmem:s12+$0x0]  }
0xab: {  	v10 =	vld [tilespmem:s12+$0x10]  }
0xac: {  	v11 =	vld [tilespmem:s12+$0x20]  }
0xad: {  	v12 =	vld [tilespmem:s12+$0x30]  }
0xae: {  	v13 =	vld [tilespmem:s12+$0x40];
	s14 =	sadd.s32 s10, s30  }
0xaf: {  	v14 =	vld [tilespmem:s12+$0x50];
	p0 =	sne.s32 s14, s17  }
0xb0: {  	v15 =	vld [tilespmem:s12+$0x60];
	s1 =	sshll.u32 @!p0 s16, $0x9  }
0xb1: {  	v16 =	vld [tilespmem:s12+$0x70];
	s1 =	sshra.s32 @!p0 s1, $0x2;
	v8 =	vmax.f32 v8, v9  }
0xb2: {  	v9 =	vld [tilespmem:s11+$0x0];
	v6 =	vmax.f32 v6, v10;
	[tilespmem:s1+$0x9428] =	vst @!p0 v8  }
0xb3: {  	v7 =	vmax.f32 v7, v11;
	[tilespmem:s1+$0x9438] =	vst @!p0 v6  }
0xb4: {  	s13 =	smov.u32 s31;
	s31 =	sadd.s32 @!p0 $0x1, s31;
	v5 =	vmax.f32 v5, v12;
	[tilespmem:s1+$0x9448] =	vst @!p0 v7  }
0xb5: {  	p1 =	sne.s32 @!p0 s31, $0x38;
	v3 =	vmax.f32 v3, v13;
	[tilespmem:s1+$0x9458] =	vst @!p0 v5  }
0xb6: {  	s9 =	smov.u32 s17;
	p2 =	por p1, p0;
	v4 =	vmax.f32 v4, v14;
	[tilespmem:s1+$0x9468] =	vst @!p0 v3  }
0xb7: {  	s4 =	smov.u32 s16;
	s3 =	smov.u32 s5;
	v2 =	vmax.f32 v2, v15;
	s5 =	sadd.s32 @!p2 $0xFFFFFFC9, s16;
	[tilespmem:s1+$0x9478] =	vst @!p0 v4  }
0xb8: {  	s15 =	sshll.u32 @!p0 s16, $0x6;
	v1 =	vmax.f32 v1, v16;
	s16 =	sshll.u32 @!p2 s3, $0x4;
	[tilespmem:s1+$0x9488] =	vst @!p0 v2;
	s17 =	sshll.u32 @!p2 s5, $0x9;
	v0 =	vadd.f32 v9, v0  }
0xb9: {  	[tilespmem:s1+$0x9498] =	vst @!p0 v1;
	s1 =	sshra.s32 @!p0 s15, $0x2;
	s15 =	sand.u32 @!p2 $0x1FFFFFF0, s16;
	s16 =	sshra.s32 @!p2 s17, $0x2  }
0xba: {  	[tilespmem:s1+$0xCC28] =	vst @!p0 v0;
	s1 =	sadd.s32 @!p2 s7, s15;
	s15 =	sadd.s32 @!p2 $0x9428, s16;
	s16 =	simm.s32 @!p2 $0x0  }
0xbb: {  	[hbm4b:s1+s16] =	stream.linear.scatter @!p2 [tilespmem:s15], [sflag:$0x5], $0x1C00, $0x38;
	[tilespmem:$0xD328] =	vst v63  }
0xbc: {  	s1 =	simm.s32 @!p2 $0x5  }
0xbd: {  	s5 =	sshll.u32 @!p2 s5, $0x6;
	s15 =	sshll.u32 @!p2 s3, $0x1;
	_ =	swait.ge @!p2 [sflag:s1], $0x1C00  }
0xbe: {  	s5 =	sshra.s32 @!p2 s5, $0x2;
	s15 =	sand.u32 @!p2 $0x1FFFFFFE, s15;
	[sflag:s1] =	ssyncset.done @!p2 $0x0  }
0xbf: {  	s5 =	sadd.s32 @!p2 $0xCC28, s5;
	s15 =	sadd.s32 @!p2 s8, s15;
	[sflag:s1] =	ssyncadd.s32 @!p2 $0xFFFFE400  }
0xc0: {  	[hbm4b:s15+s16] =	stream.linear.scatter @!p2 [tilespmem:s5], [sflag:$0x5], $0x380, $0x38;
	[tilespmem:$0xD328] =	vst v63  }
0xc1: {  	_ =	swait.ge @!p2 [sflag:s1], $0x380  }
0xc2: {  	s16 =	sadd.s32 @!p0 $0x1, s4;
	[sflag:s1] =	ssyncset.done @!p2 $0x0  }
0xc3: {  	s10 =	sadd.s32 $0x1, s10;
	[sflag:s1] =	ssyncadd.s32 @!p2 $0xFFFFFC80;
	p2 =	seq.s32 @!p0 s16, $0x70  }
0xc4: {  	p3 =	seq.s32 @!p0 s31, $0x38;
	s5 =	sadd.s32 @!p0 $0x38, s3;
	p2 =	por !p2, p0  }
0xc5: {  	s19 =	rddreg [dreg:$0x6];
	s16 =	simm.s32 @!p2 $0x0;
	p2 =	por !p3, p0  }
0xc6: {  	s5 =	smov.u32 @p2 s3;
	p2 =	slt.u32 s10, s19  }
.Ltmp8:
0xc7: {  	s1 =	smov.u32 s0;
	(pc) =	sbr.rel @p2 .LBB2_8-.Ltmp8, $4  }
0xc8: {  	p6 =	seq.s32 s14, s9;
	p1 =	por !p1, p0;
	s17 =	sld @!p0 [smem:s1+$0x2]  }
0xc9: {  	s12 =	sadd.s32 $0x80, s12;
	s31 =	simm.s32 @p1 $0x0;
	v8 =	vpsel p6, $0xFF7FFFFF, v8;
	v6 =	vpsel p6, $0xFF7FFFFF, v6;
	v7 =	vpsel p6, $0xFF7FFFFF, v7;
	s0 =	sadd.s32 @!p0 $0x1, s0  }
0xca: {  	s11 =	sadd.s32 $0x10, s11;
	v5 =	vpsel p6, $0xFF7FFFFF, v5;
	v3 =	vpsel p6, $0xFF7FFFFF, v3;
	s31 =	smov.u32 @p0 s13;
	v4 =	vpsel p6, $0xFF7FFFFF, v4;
	s0 =	smov.u32 @p0 s1  }
0xcb: {  	v2 =	vpsel p6, $0xFF7FFFFF, v2;
	v1 =	vpsel p6, $0xFF7FFFFF, v1;
	v0 =	vpsel p6, $0x0, v0;
	s16 =	smov.u32 @p0 s4;
	s5 =	smov.u32 @p0 s3;
	s17 =	smov.u32 @p0 s9  }
.Ltmp9:
0xcc: {  	_ = 	snop;
	(pc) =	sbr.rel .LBB2_9-.Ltmp9, $1  }
0xcd: {  	_ =	sdelay $0x3  }
.LBB2_12:
0xce: {  	_ =	sfence.sel $0x180000  }
0xcf: {  	[bflag:$0x0] =	sbarrier.arrive $0xFFFF  }
0xd0: {  	_ =	strace $0x90000047  }
0xd1: {  	s0 =	stileid.u32;
	[bflag:$0x2] =	sbarrier.arrive $0xFFFF  }
0xd2: {  	p0 =	sne.s32 s0, $0x0;
	s0 =	rddreg [dreg:$0x4]  }
0xd3: {  	s0 =	sadd.s32 @!p0 $0x100000, s0  }
0xd4: {  	[sflag:s0] =	ssyncadd.tile.s32 @!p0 $0x1;
	_ =	shalt  }
.Lfunc_end2:
_tile_overlayer_lowered:
.L_overlay_start_2:
0xd5: {  	(tag) =	ssettag $0x2  }
0xd6: {  	s0 =	rddreg [dreg:$0x0];
	s2 =	stileid.u32  }
0xd7: {  	s1 =	rddreg [dreg:$0x1];
	p0 =	sne.s32 s2, $0x0  }
0xd8: {  	s3 =	rddreg [dreg:$0x2];
	[bflag:$0x3] =	sbarrier.arrive $0xFFFF;
	s2 =	simm.s32 @!p0 $0x1C05  }
0xd9: {  	[timem:s3], [sflag:s2] =	dma.local @!p0 [hbm:s0], s1  }
0xda: {  	s0 =	simm.s32 @!p0 $0x5  }
0xdb: {  	_ =	swait.ge @!p0 [sflag:s0], s1  }
0xdc: {  	s1 =	ssub.s32 @!p0 $0x0, s1;
	[sflag:s0] =	ssyncset.done @!p0 $0x0  }
0xdd: {  	[sflag:s0] =	ssyncadd.s32 @!p0 s1  }
0xde: {  	[bflag:$0x3] =	sbarrier.arrive $0xFFFF  }
0xdf: {  	_ =	shalt  }

</sc_bundles>
